<compile_context>
chip_gen: v7x
topology: tpu7x:2x2x1
jax: 0.10.2.dev20260603
libtpu: 0.0.44.dev20260713+nightly
codegen_flags: <defaults>
</compile_context>

<pallas_src>
import dataclasses
import functools

import jax
import jax.numpy as jnp
from jax import lax
from jax.experimental import pallas as pl
from jax.experimental.pallas import tpu as pltpu
from jax.experimental.pallas import tpu_sc as plsc

N_NODES = 10000
N_EDGES = 320000
D = 128

NC = 2
NS = 16
NW = NC * NS
CHUNK = 56
GRP = 4
N_GRP = 45
CH_PER_W = GRP * N_GRP
E_PAD = NW * CH_PER_W * CHUNK
NP = 10112
ROWS_PER_SUB = NP // NS
PAD_ROW = N_NODES


def _mesh():
    return plsc.VectorSubcoreMesh(core_axis_name="c", subcore_axis_name="s")


@functools.lru_cache(maxsize=None)
def _sc_agg():

    @functools.partial(
        pl.kernel, mesh=_mesh(),
        out_type=jax.ShapeDtypeStruct((NC, NP, D), jnp.float32),
        scratch_types=[
            pltpu.VMEM((2, GRP, CHUNK), jnp.int32),
            pltpu.VMEM((2, GRP, CHUNK), jnp.int32),
            pltpu.VMEM((4, CHUNK, D), jnp.float32),
            pltpu.VMEM_SHARED((NP, D), jnp.float32),
            pltpu.SemaphoreType.DMA,
            pltpu.SemaphoreType.DMA,
            pltpu.SemaphoreType.DMA,
            pltpu.SemaphoreType.DMA,
            pltpu.SemaphoreType.DMA,
        ])
    def sc_kernel(x_hbm, src_hbm, dst_hbm, zeros_agg, agg_out,
                  src_v, dst_v, rows_v, agg_sh, sem0, sem1, sem2, sem3, isem):
        gsem = [sem0, sem1, sem2, sem3]
        cid = lax.axis_index("c")
        sid = lax.axis_index("s")
        wid = cid * NS + sid
        base = sid * ROWS_PER_SUB
        sl = pl.ds(base, ROWS_PER_SUB)

        pltpu.sync_copy(zeros_agg, agg_sh.at[sl])

        pltpu.sync_copy(src_hbm.at[wid, 0], src_v.at[0])
        pltpu.sync_copy(dst_hbm.at[wid, 0], dst_v.at[0])
        pltpu.make_async_copy(src_hbm.at[wid, 1], src_v.at[1], isem).start()
        pltpu.make_async_copy(dst_hbm.at[wid, 1], dst_v.at[1], isem).start()
        for k in range(3):
            pltpu.make_async_copy(
                x_hbm.at[src_v.at[0, k]], rows_v.at[k], gsem[k]).start()
        plsc.subcore_barrier()

        @pl.loop(0, N_GRP)
        def _(g):
            p = g % 2
            for j in range(GRP):
                b = j % 4
                nb = (j + 3) % 4
                pltpu.make_async_copy(
                    x_hbm.at[src_v.at[p, j]], rows_v.at[b], gsem[b]).wait()
                if j + 3 < GRP:
                    pltpu.make_async_copy(
                        x_hbm.at[src_v.at[p, j + 3]], rows_v.at[nb],
                        gsem[nb]).start()
                else:
                    nj = j + 3 - GRP
                    @pl.when(g + 1 < N_GRP)
                    def _():
                        if nj == 0:
                            pltpu.make_async_copy(
                                src_hbm.at[wid, g + 1], src_v.at[1 - p],
                                isem).wait()
                            pltpu.make_async_copy(
                                dst_hbm.at[wid, g + 1], dst_v.at[1 - p],
                                isem).wait()
                        pltpu.make_async_copy(
                            x_hbm.at[src_v.at[1 - p, nj]], rows_v.at[nb],
                            gsem[nb]).start()
                pltpu.sync_copy(rows_v.at[b], agg_sh.at[dst_v.at[p, j]],
                                add=True)

            @pl.when(g + 2 < N_GRP)
            def _():
                pltpu.make_async_copy(
                    src_hbm.at[wid, g + 2], src_v.at[p], isem).start()
                pltpu.make_async_copy(
                    dst_hbm.at[wid, g + 2], dst_v.at[p], isem).start()

        plsc.subcore_barrier()
        pltpu.sync_copy(agg_sh.at[sl], agg_out.at[cid, sl])

    return sc_kernel


@functools.lru_cache(maxsize=None)
def _sc_deg():

    cp = pltpu.CompilerParams()
    if "needs_layout_passes" in pltpu.CompilerParams.__dataclass_fields__:
        cp = dataclasses.replace(cp, needs_layout_passes=False)

    @functools.partial(
        pl.kernel, mesh=_mesh(), compiler_params=cp,
        out_type=jax.ShapeDtypeStruct((NW, 1, NP), jnp.float32),
        scratch_types=[
            pltpu.VMEM((CH_PER_W, CHUNK), jnp.int32),
            pltpu.VMEM((NP,), jnp.float32),
        ])
    def deg_kernel(dst_hbm, zeros_np, deg_out, dst_v, degp_v):
        cid = lax.axis_index("c")
        sid = lax.axis_index("s")
        wid = cid * NS + sid

        pltpu.sync_copy(dst_hbm.at[wid], dst_v)
        pltpu.sync_copy(zeros_np, degp_v)
        ones16 = jnp.ones((16,), jnp.float32)

        @pl.loop(0, CH_PER_W)
        def _(j):
            for c in range(CHUNK // 16):
                vec = dst_v[j, pl.ds(c * 16, 16)]
                plsc.addupdate_scatter(degp_v, [vec], ones16)

        pltpu.sync_copy(degp_v, deg_out.at[wid, 0])

    return deg_kernel


def _tc_body(agg_ref, deg_ref, x_ref, wl_ref, wr_ref, b_ref, o_ref):
    n = o_ref.shape[0]
    agg = agg_ref[0, :n] + agg_ref[1, :n]
    deg = jnp.sum(deg_ref[:, 0, :n], axis=0)[:, None]
    mean = agg / jnp.maximum(deg, 1.0)
    h = (jnp.dot(mean, wl_ref[...], preferred_element_type=jnp.float32)
         + jnp.dot(x_ref[:n], wr_ref[...], preferred_element_type=jnp.float32)
         + b_ref[...])
    o_ref[...] = jnp.maximum(h, 0.0)


def _tc_layer(agg, deg, x, W_l, W_r, b, n_out):
    return pl.pallas_call(
        _tc_body,
        out_shape=jax.ShapeDtypeStruct((n_out, D), jnp.float32),
    )(agg, deg, x, W_l, W_r, b.reshape(1, D))


def kernel(node_features, edge_index, W_l1, W_r1, b1, W_l2, W_r2, b2):
    ei = edge_index.astype(jnp.int32)
    pad_dst = PAD_ROW + jnp.arange(E_PAD - N_EDGES, dtype=jnp.int32) % (NP - PAD_ROW)
    src_flat = jnp.concatenate([ei[0], jnp.arange(E_PAD - N_EDGES, dtype=jnp.int32) * 997 % N_NODES])
    dst_flat = jnp.concatenate([ei[1], pad_dst])
    src_p = src_flat.reshape(NW, N_GRP, GRP, CHUNK)
    dst_p = dst_flat.reshape(NW, N_GRP, GRP, CHUNK)
    dst_p3 = dst_flat.reshape(NW, CH_PER_W, CHUNK)

    zeros_agg = jnp.zeros((ROWS_PER_SUB, D), jnp.float32)
    zeros_np = jnp.zeros((NP,), jnp.float32)

    deg = _sc_deg()(dst_p3, zeros_np)
    agg1 = _sc_agg()(node_features, src_p, dst_p, zeros_agg)
    x2 = _tc_layer(agg1, deg, node_features, W_l1, W_r1, b1, N_NODES)
    agg2 = _sc_agg()(x2, src_p, dst_p, zeros_agg)
    return _tc_layer(agg2, deg, x2, W_l2, W_r2, b2, N_NODES)

# --- scband reference (transcript-rebuilt; emitter-appended) ---
"""Pipeline reference for scband-graph-sage-26852135535160 (READ-ONLY COPY).

The authoritative reference and input builder live on the scoring server;
editing this copy changes nothing except your own understanding.
"""

import jax, jax.numpy as jnp
import numpy as np

N_NODES = 10000
N_EDGES = 320000
D_IN = 128
D_HID = 128
D_OUT = 128


def setup_inputs(seed: int = 0) -> dict:
    key = jax.random.key(seed)
    ks = jax.random.split(key, 8)
    node_features = jax.random.normal(ks[0], (N_NODES, D_IN), dtype=jnp.float32)
    edge_index = jax.random.randint(ks[1], (2, N_EDGES), 0, N_NODES, dtype=jnp.int64)
    # SAGEConv layer 1 params: lin_l applied to mean-aggregated neighbors, lin_r to self
    s1 = 1.0 / np.sqrt(D_IN)
    W_l1 = jax.random.uniform(ks[2], (D_IN, D_HID), dtype=jnp.float32, minval=-s1, maxval=s1)
    W_r1 = jax.random.uniform(ks[3], (D_IN, D_HID), dtype=jnp.float32, minval=-s1, maxval=s1)
    b1 = jnp.zeros((D_HID,), dtype=jnp.float32)
    s2 = 1.0 / np.sqrt(D_HID)
    W_l2 = jax.random.uniform(ks[4], (D_HID, D_OUT), dtype=jnp.float32, minval=-s2, maxval=s2)
    W_r2 = jax.random.uniform(ks[5], (D_HID, D_OUT), dtype=jnp.float32, minval=-s2, maxval=s2)
    b2 = jnp.zeros((D_OUT,), dtype=jnp.float32)
    return {
        "node_features": node_features,
        "edge_index": edge_index,
        "W_l1": W_l1, "W_r1": W_r1, "b1": b1,
        "W_l2": W_l2, "W_r2": W_r2, "b2": b2,
    }


def _sage_conv(x, edge_index, W_l, W_r, b):
    # PyG-style SAGEConv with mean aggregation:
    # out = lin_l(mean_{j in N(i)} x_j) + lin_r(x_i)
    src = edge_index[0]
    dst = edge_index[1]
    n = x.shape[0]
    msg = jnp.take(x, src, axis=0)                       # gather [E, d]
    agg = jax.ops.segment_sum(msg, dst, num_segments=n)  # scatter-add [N, d]
    deg = jax.ops.segment_sum(jnp.ones((edge_index.shape[1],), dtype=x.dtype), dst, num_segments=n)
    mean = agg / jnp.clip(deg, 1.0, None)[:, None]
    return mean @ W_l + x @ W_r + b


def reference(node_features, edge_index, W_l1, W_r1, b1, W_l2, W_r2, b2):
    # eval mode: dropout is identity
    x = _sage_conv(node_features, edge_index, W_l1, W_r1, b1)
    x = jax.nn.relu(x)
    x = _sage_conv(x, edge_index, W_l2, W_r2, b2)
    x = jax.nn.relu(x)
    return x

if __name__ == "__main__":
    import jax
    _d = setup_inputs()
    print(jax.jit(kernel)(*tuple(_d.values())))

</pallas_src>

<mosaic_0001>
#map = affine_map<(d0, d1) -> (0, 0)>
#map1 = affine_map<(d0, d1) -> (0, 0, 0, 0)>
#map2 = affine_map<(d0, d1) -> (0, 0, 0)>
module attributes {stable_mosaic.version = 14 : i64} {
  func.func @sc_kernel(%arg0: i32, %arg1: i32, %arg2: memref<10000x128xf32, #tpu.memory_space<hbm>>, %arg3: memref<32x45x4x56xi32, #tpu.memory_space<hbm>>, %arg4: memref<32x45x4x56xi32, #tpu.memory_space<hbm>>, %arg5: memref<632x128xf32, #tpu.memory_space<hbm>>, %arg6: memref<2x10112x128xf32, #tpu.memory_space<hbm>>, %arg7: memref<2x4x56xi32, #tpu.memory_space<vmem>>, %arg8: memref<2x4x56xi32, #tpu.memory_space<vmem>>, %arg9: memref<4x56x128xf32, #tpu.memory_space<vmem>>, %arg10: memref<10112x128xf32, #tpu.memory_space<vmem_shared>>, %arg11: memref<!tpu.dma_semaphore, #tpu.memory_space<semaphore_mem>>, %arg12: memref<!tpu.dma_semaphore, #tpu.memory_space<semaphore_mem>>, %arg13: memref<!tpu.dma_semaphore, #tpu.memory_space<semaphore_mem>>, %arg14: memref<!tpu.dma_semaphore, #tpu.memory_space<semaphore_mem>>, %arg15: memref<!tpu.dma_semaphore, #tpu.memory_space<semaphore_mem>>) attributes {dimension_semantics = [#tpu.dimension_semantics<core_parallel>, #tpu.dimension_semantics<subcore_parallel>], iteration_bounds = array<i64: 2, 16>, scalar_prefetch = 0 : i64, scratch_operands = 9 : i64, tpu.core_type = #tpu.core_type<sc_vector_subcore>, window_params = [{transform_indices = #map}, {transform_indices = #map1}, {transform_indices = #map1}, {transform_indices = #map}, {transform_indices = #map2}]} {
    %mul3A = arith.constant 16 : i32
    %mul3A_0 = arith.muli %arg0, %mul3A : i32
    %add3A = arith.addi %mul3A_0, %arg1 : i32
    %mul3A_1 = arith.constant 632 : i32
    %mul3A_2 = arith.muli %arg1, %mul3A_1 : i32
    "tpu.region"() ({
      %run_scoped3A_85 = tpu.sem_alloc : memref<!tpu.dma_semaphore, #tpu.memory_space<semaphore_mem>>
      %dma_start3A_86 = arith.constant 0 : i32
      %dma_start3A_87 = tpu.memref_slice %arg10[%mul3A_2, %dma_start3A_86] : memref<10112x128xf32, #tpu.memory_space<vmem_shared>> -> memref<632x128xf32, #tpu.memory_space<vmem_shared>>
      tpu.enqueue_dma source(%arg5 : memref<632x128xf32, #tpu.memory_space<hbm>>) target(%dma_start3A_87 : memref<632x128xf32, #tpu.memory_space<vmem_shared>>) target_semaphore(%run_scoped3A_85 : memref<!tpu.dma_semaphore, #tpu.memory_space<semaphore_mem>>)
      %dma_wait3A = arith.constant 0 : i32
      %dma_wait3A_88 = tpu.memref_slice %arg10[%mul3A_2, %dma_wait3A] : memref<10112x128xf32, #tpu.memory_space<vmem_shared>> -> memref<632x128xf32, #tpu.memory_space<vmem_shared>>
      tpu.wait_dma2 semaphore(%run_scoped3A_85 : memref<!tpu.dma_semaphore, #tpu.memory_space<semaphore_mem>>) src(%arg5 : memref<632x128xf32, #tpu.memory_space<hbm>>) dst(%dma_wait3A_88 : memref<632x128xf32, #tpu.memory_space<vmem_shared>>)
      tpu.yield
    }) : () -> ()
    %run_scoped3A = arith.constant 0 : i32
    %run_scoped3A_3 = arith.constant 0 : i32
    "tpu.region"() ({
      %run_scoped3A_85 = tpu.sem_alloc : memref<!tpu.dma_semaphore, #tpu.memory_space<semaphore_mem>>
      %dma_start3A_86 = arith.constant 0 : i32
      %dma_start3A_87 = arith.constant 0 : i32
      %dma_start3A_88 = tpu.memref_slice %arg7[%run_scoped3A_3, %dma_start3A_86, %dma_start3A_87] : memref<2x4x56xi32, #tpu.memory_space<vmem>> -> memref<1x4x56xi32, #tpu.memory_space<vmem>>
      %dma_start3A_89 = tpu.memref_squeeze %dma_start3A_88 : memref<1x4x56xi32, #tpu.memory_space<vmem>> -> memref<4x56xi32, #tpu.memory_space<vmem>>
      %dma_start3A_90 = arith.constant 0 : i32
      %dma_start3A_91 = arith.constant 0 : i32
      %dma_start3A_92 = tpu.memref_slice %arg3[%add3A, %run_scoped3A, %dma_start3A_90, %dma_start3A_91] : memref<32x45x4x56xi32, #tpu.memory_space<hbm>> -> memref<1x1x4x56xi32, #tpu.memory_space<hbm>>
      %dma_start3A_93 = tpu.memref_squeeze %dma_start3A_92 : memref<1x1x4x56xi32, #tpu.memory_space<hbm>> -> memref<4x56xi32, #tpu.memory_space<hbm>>
      %dma_start3A_94 = arith.constant 0 : i32
      %dma_start3A_95 = arith.constant 0 : i32
      %dma_start3A_96 = tpu.memref_slice %arg7[%run_scoped3A_3, %dma_start3A_94, %dma_start3A_95] : memref<2x4x56xi32, #tpu.memory_space<vmem>> -> memref<1x4x56xi32, #tpu.memory_space<vmem>>
      %dma_start3A_97 = tpu.memref_squeeze %dma_start3A_96 : memref<1x4x56xi32, #tpu.memory_space<vmem>> -> memref<4x56xi32, #tpu.memory_space<vmem>>
      %dma_start3A_98 = arith.constant 0 : i32
      %dma_start3A_99 = arith.constant 0 : i32
      %dma_start3A_100 = tpu.memref_slice %arg3[%add3A, %run_scoped3A, %dma_start3A_98, %dma_start3A_99] : memref<32x45x4x56xi32, #tpu.memory_space<hbm>> -> memref<1x1x4x56xi32, #tpu.memory_space<hbm>>
      %dma_start3A_101 = tpu.memref_squeeze %dma_start3A_100 : memref<1x1x4x56xi32, #tpu.memory_space<hbm>> -> memref<4x56xi32, #tpu.memory_space<hbm>>
      tpu.enqueue_dma source(%dma_start3A_101 : memref<4x56xi32, #tpu.memory_space<hbm>>) target(%dma_start3A_97 : memref<4x56xi32, #tpu.memory_space<vmem>>) target_semaphore(%run_scoped3A_85 : memref<!tpu.dma_semaphore, #tpu.memory_space<semaphore_mem>>)
      %dma_wait3A = arith.constant 0 : i32
      %dma_wait3A_102 = arith.constant 0 : i32
      %dma_wait3A_103 = tpu.memref_slice %arg7[%run_scoped3A_3, %dma_wait3A, %dma_wait3A_102] : memref<2x4x56xi32, #tpu.memory_space<vmem>> -> memref<1x4x56xi32, #tpu.memory_space<vmem>>
      %dma_wait3A_104 = tpu.memref_squeeze %dma_wait3A_103 : memref<1x4x56xi32, #tpu.memory_space<vmem>> -> memref<4x56xi32, #tpu.memory_space<vmem>>
      %dma_wait3A_105 = arith.constant 0 : i32
      %dma_wait3A_106 = arith.constant 0 : i32
      %dma_wait3A_107 = tpu.memref_slice %arg3[%add3A, %run_scoped3A, %dma_wait3A_105, %dma_wait3A_106] : memref<32x45x4x56xi32, #tpu.memory_space<hbm>> -> memref<1x1x4x56xi32, #tpu.memory_space<hbm>>
      %dma_wait3A_108 = tpu.memref_squeeze %dma_wait3A_107 : memref<1x1x4x56xi32, #tpu.memory_space<hbm>> -> memref<4x56xi32, #tpu.memory_space<hbm>>
      %dma_wait3A_109 = arith.constant 0 : i32
      %dma_wait3A_110 = arith.constant 0 : i32
      %dma_wait3A_111 = tpu.memref_slice %arg7[%run_scoped3A_3, %dma_wait3A_109, %dma_wait3A_110] : memref<2x4x56xi32, #tpu.memory_space<vmem>> -> memref<1x4x56xi32, #tpu.memory_space<vmem>>
      %dma_wait3A_112 = tpu.memref_squeeze %dma_wait3A_111 : memref<1x4x56xi32, #tpu.memory_space<vmem>> -> memref<4x56xi32, #tpu.memory_space<vmem>>
      %dma_wait3A_113 = arith.constant 0 : i32
      %dma_wait3A_114 = arith.constant 0 : i32
      %dma_wait3A_115 = tpu.memref_slice %arg3[%add3A, %run_scoped3A, %dma_wait3A_113, %dma_wait3A_114] : memref<32x45x4x56xi32, #tpu.memory_space<hbm>> -> memref<1x1x4x56xi32, #tpu.memory_space<hbm>>
      %dma_wait3A_116 = tpu.memref_squeeze %dma_wait3A_115 : memref<1x1x4x56xi32, #tpu.memory_space<hbm>> -> memref<4x56xi32, #tpu.memory_space<hbm>>
      tpu.wait_dma2 semaphore(%run_scoped3A_85 : memref<!tpu.dma_semaphore, #tpu.memory_space<semaphore_mem>>) src(%dma_wait3A_116 : memref<4x56xi32, #tpu.memory_space<hbm>>) dst(%dma_wait3A_112 : memref<4x56xi32, #tpu.memory_space<vmem>>)
      tpu.yield
    }) : () -> ()
    %run_scoped3A_4 = arith.constant 0 : i32
    %run_scoped3A_5 = arith.constant 0 : i32
    "tpu.region"() ({
      %run_scoped3A_85 = tpu.sem_alloc : memref<!tpu.dma_semaphore, #tpu.memory_space<semaphore_mem>>
      %dma_start3A_86 = arith.constant 0 : i32
      %dma_start3A_87 = arith.constant 0 : i32
      %dma_start3A_88 = tpu.memref_slice %arg8[%run_scoped3A_5, %dma_start3A_86, %dma_start3A_87] : memref<2x4x56xi32, #tpu.memory_space<vmem>> -> memref<1x4x56xi32, #tpu.memory_space<vmem>>
      %dma_start3A_89 = tpu.memref_squeeze %dma_start3A_88 : memref<1x4x56xi32, #tpu.memory_space<vmem>> -> memref<4x56xi32, #tpu.memory_space<vmem>>
      %dma_start3A_90 = arith.constant 0 : i32
      %dma_start3A_91 = arith.constant 0 : i32
      %dma_start3A_92 = tpu.memref_slice %arg4[%add3A, %run_scoped3A_4, %dma_start3A_90, %dma_start3A_91] : memref<32x45x4x56xi32, #tpu.memory_space<hbm>> -> memref<1x1x4x56xi32, #tpu.memory_space<hbm>>
      %dma_start3A_93 = tpu.memref_squeeze %dma_start3A_92 : memref<1x1x4x56xi32, #tpu.memory_space<hbm>> -> memref<4x56xi32, #tpu.memory_space<hbm>>
      %dma_start3A_94 = arith.constant 0 : i32
      %dma_start3A_95 = arith.constant 0 : i32
      %dma_start3A_96 = tpu.memref_slice %arg8[%run_scoped3A_5, %dma_start3A_94, %dma_start3A_95] : memref<2x4x56xi32, #tpu.memory_space<vmem>> -> memref<1x4x56xi32, #tpu.memory_space<vmem>>
      %dma_start3A_97 = tpu.memref_squeeze %dma_start3A_96 : memref<1x4x56xi32, #tpu.memory_space<vmem>> -> memref<4x56xi32, #tpu.memory_space<vmem>>
      %dma_start3A_98 = arith.constant 0 : i32
      %dma_start3A_99 = arith.constant 0 : i32
      %dma_start3A_100 = tpu.memref_slice %arg4[%add3A, %run_scoped3A_4, %dma_start3A_98, %dma_start3A_99] : memref<32x45x4x56xi32, #tpu.memory_space<hbm>> -> memref<1x1x4x56xi32, #tpu.memory_space<hbm>>
      %dma_start3A_101 = tpu.memref_squeeze %dma_start3A_100 : memref<1x1x4x56xi32, #tpu.memory_space<hbm>> -> memref<4x56xi32, #tpu.memory_space<hbm>>
      tpu.enqueue_dma source(%dma_start3A_101 : memref<4x56xi32, #tpu.memory_space<hbm>>) target(%dma_start3A_97 : memref<4x56xi32, #tpu.memory_space<vmem>>) target_semaphore(%run_scoped3A_85 : memref<!tpu.dma_semaphore, #tpu.memory_space<semaphore_mem>>)
      %dma_wait3A = arith.constant 0 : i32
      %dma_wait3A_102 = arith.constant 0 : i32
      %dma_wait3A_103 = tpu.memref_slice %arg8[%run_scoped3A_5, %dma_wait3A, %dma_wait3A_102] : memref<2x4x56xi32, #tpu.memory_space<vmem>> -> memref<1x4x56xi32, #tpu.memory_space<vmem>>
      %dma_wait3A_104 = tpu.memref_squeeze %dma_wait3A_103 : memref<1x4x56xi32, #tpu.memory_space<vmem>> -> memref<4x56xi32, #tpu.memory_space<vmem>>
      %dma_wait3A_105 = arith.constant 0 : i32
      %dma_wait3A_106 = arith.constant 0 : i32
      %dma_wait3A_107 = tpu.memref_slice %arg4[%add3A, %run_scoped3A_4, %dma_wait3A_105, %dma_wait3A_106] : memref<32x45x4x56xi32, #tpu.memory_space<hbm>> -> memref<1x1x4x56xi32, #tpu.memory_space<hbm>>
      %dma_wait3A_108 = tpu.memref_squeeze %dma_wait3A_107 : memref<1x1x4x56xi32, #tpu.memory_space<hbm>> -> memref<4x56xi32, #tpu.memory_space<hbm>>
      %dma_wait3A_109 = arith.constant 0 : i32
      %dma_wait3A_110 = arith.constant 0 : i32
      %dma_wait3A_111 = tpu.memref_slice %arg8[%run_scoped3A_5, %dma_wait3A_109, %dma_wait3A_110] : memref<2x4x56xi32, #tpu.memory_space<vmem>> -> memref<1x4x56xi32, #tpu.memory_space<vmem>>
      %dma_wait3A_112 = tpu.memref_squeeze %dma_wait3A_111 : memref<1x4x56xi32, #tpu.memory_space<vmem>> -> memref<4x56xi32, #tpu.memory_space<vmem>>
      %dma_wait3A_113 = arith.constant 0 : i32
      %dma_wait3A_114 = arith.constant 0 : i32
      %dma_wait3A_115 = tpu.memref_slice %arg4[%add3A, %run_scoped3A_4, %dma_wait3A_113, %dma_wait3A_114] : memref<32x45x4x56xi32, #tpu.memory_space<hbm>> -> memref<1x1x4x56xi32, #tpu.memory_space<hbm>>
      %dma_wait3A_116 = tpu.memref_squeeze %dma_wait3A_115 : memref<1x1x4x56xi32, #tpu.memory_space<hbm>> -> memref<4x56xi32, #tpu.memory_space<hbm>>
      tpu.wait_dma2 semaphore(%run_scoped3A_85 : memref<!tpu.dma_semaphore, #tpu.memory_space<semaphore_mem>>) src(%dma_wait3A_116 : memref<4x56xi32, #tpu.memory_space<hbm>>) dst(%dma_wait3A_112 : memref<4x56xi32, #tpu.memory_space<vmem>>)
      tpu.yield
    }) : () -> ()
    %dma_start3A = arith.constant 1 : i32
    %dma_start3A_6 = arith.constant 1 : i32
    %dma_start3A_7 = arith.constant 0 : i32
    %dma_start3A_8 = arith.constant 0 : i32
    %dma_start3A_9 = tpu.memref_slice %arg7[%dma_start3A_6, %dma_start3A_7, %dma_start3A_8] : memref<2x4x56xi32, #tpu.memory_space<vmem>> -> memref<1x4x56xi32, #tpu.memory_space<vmem>>
    %dma_start3A_10 = tpu.memref_squeeze %dma_start3A_9 : memref<1x4x56xi32, #tpu.memory_space<vmem>> -> memref<4x56xi32, #tpu.memory_space<vmem>>
    %dma_start3A_11 = arith.constant 0 : i32
    %dma_start3A_12 = arith.constant 0 : i32
    %dma_start3A_13 = tpu.memref_slice %arg3[%add3A, %dma_start3A, %dma_start3A_11, %dma_start3A_12] : memref<32x45x4x56xi32, #tpu.memory_space<hbm>> -> memref<1x1x4x56xi32, #tpu.memory_space<hbm>>
    %dma_start3A_14 = tpu.memref_squeeze %dma_start3A_13 : memref<1x1x4x56xi32, #tpu.memory_space<hbm>> -> memref<4x56xi32, #tpu.memory_space<hbm>>
    %dma_start3A_15 = arith.constant 0 : i32
    %dma_start3A_16 = arith.constant 0 : i32
    %dma_start3A_17 = tpu.memref_slice %arg7[%dma_start3A_6, %dma_start3A_15, %dma_start3A_16] : memref<2x4x56xi32, #tpu.memory_space<vmem>> -> memref<1x4x56xi32, #tpu.memory_space<vmem>>
    %dma_start3A_18 = tpu.memref_squeeze %dma_start3A_17 : memref<1x4x56xi32, #tpu.memory_space<vmem>> -> memref<4x56xi32, #tpu.memory_space<vmem>>
    %dma_start3A_19 = arith.constant 0 : i32
    %dma_start3A_20 = arith.constant 0 : i32
    %dma_start3A_21 = tpu.memref_slice %arg3[%add3A, %dma_start3A, %dma_start3A_19, %dma_start3A_20] : memref<32x45x4x56xi32, #tpu.memory_space<hbm>> -> memref<1x1x4x56xi32, #tpu.memory_space<hbm>>
    %dma_start3A_22 = tpu.memref_squeeze %dma_start3A_21 : memref<1x1x4x56xi32, #tpu.memory_space<hbm>> -> memref<4x56xi32, #tpu.memory_space<hbm>>
    tpu.enqueue_dma source(%dma_start3A_22 : memref<4x56xi32, #tpu.memory_space<hbm>>) target(%dma_start3A_18 : memref<4x56xi32, #tpu.memory_space<vmem>>) target_semaphore(%arg15 : memref<!tpu.dma_semaphore, #tpu.memory_space<semaphore_mem>>)
    %dma_start3A_23 = arith.constant 1 : i32
    %dma_start3A_24 = arith.constant 1 : i32
    %dma_start3A_25 = arith.constant 0 : i32
    %dma_start3A_26 = arith.constant 0 : i32
    %dma_start3A_27 = tpu.memref_slice %arg8[%dma_start3A_24, %dma_start3A_25, %dma_start3A_26] : memref<2x4x56xi32, #tpu.memory_space<vmem>> -> memref<1x4x56xi32, #tpu.memory_space<vmem>>
    %dma_start3A_28 = tpu.memref_squeeze %dma_start3A_27 : memref<1x4x56xi32, #tpu.memory_space<vmem>> -> memref<4x56xi32, #tpu.memory_space<vmem>>
    %dma_start3A_29 = arith.constant 0 : i32
    %dma_start3A_30 = arith.constant 0 : i32
    %dma_start3A_31 = tpu.memref_slice %arg4[%add3A, %dma_start3A_23, %dma_start3A_29, %dma_start3A_30] : memref<32x45x4x56xi32, #tpu.memory_space<hbm>> -> memref<1x1x4x56xi32, #tpu.memory_space<hbm>>
    %dma_start3A_32 = tpu.memref_squeeze %dma_start3A_31 : memref<1x1x4x56xi32, #tpu.memory_space<hbm>> -> memref<4x56xi32, #tpu.memory_space<hbm>>
    %dma_start3A_33 = arith.constant 0 : i32
    %dma_start3A_34 = arith.constant 0 : i32
    %dma_start3A_35 = tpu.memref_slice %arg8[%dma_start3A_24, %dma_start3A_33, %dma_start3A_34] : memref<2x4x56xi32, #tpu.memory_space<vmem>> -> memref<1x4x56xi32, #tpu.memory_space<vmem>>
    %dma_start3A_36 = tpu.memref_squeeze %dma_start3A_35 : memref<1x4x56xi32, #tpu.memory_space<vmem>> -> memref<4x56xi32, #tpu.memory_space<vmem>>
    %dma_start3A_37 = arith.constant 0 : i32
    %dma_start3A_38 = arith.constant 0 : i32
    %dma_start3A_39 = tpu.memref_slice %arg4[%add3A, %dma_start3A_23, %dma_start3A_37, %dma_start3A_38] : memref<32x45x4x56xi32, #tpu.memory_space<hbm>> -> memref<1x1x4x56xi32, #tpu.memory_space<hbm>>
    %dma_start3A_40 = tpu.memref_squeeze %dma_start3A_39 : memref<1x1x4x56xi32, #tpu.memory_space<hbm>> -> memref<4x56xi32, #tpu.memory_space<hbm>>
    tpu.enqueue_dma source(%dma_start3A_40 : memref<4x56xi32, #tpu.memory_space<hbm>>) target(%dma_start3A_36 : memref<4x56xi32, #tpu.memory_space<vmem>>) target_semaphore(%arg15 : memref<!tpu.dma_semaphore, #tpu.memory_space<semaphore_mem>>)
    %dma_start3A_41 = arith.constant 0 : i32
    %dma_start3A_42 = arith.constant 0 : i32
    %dma_start3A_43 = arith.constant 0 : i32
    %dma_start3A_44 = arith.constant 0 : i32
    %dma_start3A_45 = arith.constant 0 : i32
    %dma_start3A_46 = tpu.memref_slice %arg9[%dma_start3A_43, %dma_start3A_44, %dma_start3A_45] : memref<4x56x128xf32, #tpu.memory_space<vmem>> -> memref<1x56x128xf32, #tpu.memory_space<vmem>>
    %dma_start3A_47 = tpu.memref_squeeze %dma_start3A_46 : memref<1x56x128xf32, #tpu.memory_space<vmem>> -> memref<56x128xf32, #tpu.memory_space<vmem>>
    %dma_start3A_48 = arith.constant 0 : i32
    %dma_start3A_49 = tpu.memref_slice %arg7[%dma_start3A_41, %dma_start3A_42, %dma_start3A_48] : memref<2x4x56xi32, #tpu.memory_space<vmem>> -> memref<1x1x56xi32, #tpu.memory_space<vmem>>
    %dma_start3A_50 = tpu.memref_squeeze %dma_start3A_49 : memref<1x1x56xi32, #tpu.memory_space<vmem>> -> memref<56xi32, #tpu.memory_space<vmem>>
    %dma_start3A_51 = arith.constant 0 : i32
    %dma_start3A_52 = arith.constant 0 : i32
    %dma_start3A_53 = tpu.memref_slice %arg2[%dma_start3A_51, %dma_start3A_52] : memref<10000x128xf32, #tpu.memory_space<hbm>> -> memref<10000x128xf32, #tpu.memory_space<hbm>>
    tpu.enqueue_indirect_dma source(%dma_start3A_53 : memref<10000x128xf32, #tpu.memory_space<hbm>>) target(%dma_start3A_47 : memref<56x128xf32, #tpu.memory_space<vmem>>) offsets(%dma_start3A_50 : memref<56xi32, #tpu.memory_space<vmem>>) semaphore(%arg11 : memref<!tpu.dma_semaphore, #tpu.memory_space<semaphore_mem>>)
    %dma_start3A_54 = arith.constant 0 : i32
    %dma_start3A_55 = arith.constant 1 : i32
    %dma_start3A_56 = arith.constant 1 : i32
    %dma_start3A_57 = arith.constant 0 : i32
    %dma_start3A_58 = arith.constant 0 : i32
    %dma_start3A_59 = tpu.memref_slice %arg9[%dma_start3A_56, %dma_start3A_57, %dma_start3A_58] : memref<4x56x128xf32, #tpu.memory_space<vmem>> -> memref<1x56x128xf32, #tpu.memory_space<vmem>>
    %dma_start3A_60 = tpu.memref_squeeze %dma_start3A_59 : memref<1x56x128xf32, #tpu.memory_space<vmem>> -> memref<56x128xf32, #tpu.memory_space<vmem>>
    %dma_start3A_61 = arith.constant 0 : i32
    %dma_start3A_62 = tpu.memref_slice %arg7[%dma_start3A_54, %dma_start3A_55, %dma_start3A_61] : memref<2x4x56xi32, #tpu.memory_space<vmem>> -> memref<1x1x56xi32, #tpu.memory_space<vmem>>
    %dma_start3A_63 = tpu.memref_squeeze %dma_start3A_62 : memref<1x1x56xi32, #tpu.memory_space<vmem>> -> memref<56xi32, #tpu.memory_space<vmem>>
    %dma_start3A_64 = arith.constant 0 : i32
    %dma_start3A_65 = arith.constant 0 : i32
    %dma_start3A_66 = tpu.memref_slice %arg2[%dma_start3A_64, %dma_start3A_65] : memref<10000x128xf32, #tpu.memory_space<hbm>> -> memref<10000x128xf32, #tpu.memory_space<hbm>>
    tpu.enqueue_indirect_dma source(%dma_start3A_66 : memref<10000x128xf32, #tpu.memory_space<hbm>>) target(%dma_start3A_60 : memref<56x128xf32, #tpu.memory_space<vmem>>) offsets(%dma_start3A_63 : memref<56xi32, #tpu.memory_space<vmem>>) semaphore(%arg12 : memref<!tpu.dma_semaphore, #tpu.memory_space<semaphore_mem>>)
    %dma_start3A_67 = arith.constant 0 : i32
    %dma_start3A_68 = arith.constant 2 : i32
    %dma_start3A_69 = arith.constant 2 : i32
    %dma_start3A_70 = arith.constant 0 : i32
    %dma_start3A_71 = arith.constant 0 : i32
    %dma_start3A_72 = tpu.memref_slice %arg9[%dma_start3A_69, %dma_start3A_70, %dma_start3A_71] : memref<4x56x128xf32, #tpu.memory_space<vmem>> -> memref<1x56x128xf32, #tpu.memory_space<vmem>>
    %dma_start3A_73 = tpu.memref_squeeze %dma_start3A_72 : memref<1x56x128xf32, #tpu.memory_space<vmem>> -> memref<56x128xf32, #tpu.memory_space<vmem>>
    %dma_start3A_74 = arith.constant 0 : i32
    %dma_start3A_75 = tpu.memref_slice %arg7[%dma_start3A_67, %dma_start3A_68, %dma_start3A_74] : memref<2x4x56xi32, #tpu.memory_space<vmem>> -> memref<1x1x56xi32, #tpu.memory_space<vmem>>
    %dma_start3A_76 = tpu.memref_squeeze %dma_start3A_75 : memref<1x1x56xi32, #tpu.memory_space<vmem>> -> memref<56xi32, #tpu.memory_space<vmem>>
    %dma_start3A_77 = arith.constant 0 : i32
    %dma_start3A_78 = arith.constant 0 : i32
    %dma_start3A_79 = tpu.memref_slice %arg2[%dma_start3A_77, %dma_start3A_78] : memref<10000x128xf32, #tpu.memory_space<hbm>> -> memref<10000x128xf32, #tpu.memory_space<hbm>>
    tpu.enqueue_indirect_dma source(%dma_start3A_79 : memref<10000x128xf32, #tpu.memory_space<hbm>>) target(%dma_start3A_73 : memref<56x128xf32, #tpu.memory_space<vmem>>) offsets(%dma_start3A_76 : memref<56xi32, #tpu.memory_space<vmem>>) semaphore(%arg13 : memref<!tpu.dma_semaphore, #tpu.memory_space<semaphore_mem>>)
    %barrier3A = arith.constant 0 : index
    tpu.barrier barrier_id(%barrier3A)
    %scan3A = arith.constant 0 : i32
    %scan3A_80 = arith.constant 45 : i32
    %scan3A_81 = arith.addi %scan3A, %scan3A_80 : i32
    %scan3A_82 = arith.constant 1 : i32
    scf.for %scan3A_85 = %scan3A to %scan3A_81 step %scan3A_82  : i32 {
      %mul3A_86 = arith.constant 1 : i32
      %mul3A_87 = arith.muli %scan3A_85, %mul3A_86 : i32
      %add3A_88 = arith.constant 0 : i32
      %add3A_89 = arith.addi %add3A_88, %mul3A_87 : i32
      %jit3A = arith.constant 2 : i32
      %eq3A = arith.constant 0 : i32
      %eq3A_90 = arith.cmpi eq, %jit3A, %eq3A : i32
      %jit3A_91 = arith.constant 1 : i32
      %select_n3A = arith.select %eq3A_90, %jit3A_91, %jit3A : i32
      %rem3A = arith.remsi %add3A_89, %select_n3A : i32
      %ne3A = arith.constant 0 : i32
      %ne3A_92 = arith.cmpi ne, %rem3A, %ne3A : i32
      %lt3A = arith.constant 0 : i32
      %lt3A_93 = arith.cmpi slt, %rem3A, %lt3A : i32
      %lt3A_94 = arith.constant 0 : i32
      %lt3A_95 = arith.cmpi slt, %select_n3A, %lt3A_94 : i32
      %ne3A_96 = arith.xori %lt3A_93, %lt3A_95 : i1
      %and3A = arith.andi %ne3A_96, %ne3A_92 : i1
      %add3A_97 = arith.addi %rem3A, %select_n3A : i32
      %select_n3A_98 = arith.select %and3A, %add3A_97, %rem3A : i32
      %dma_wait3A = arith.constant 0 : i32
      %dma_wait3A_99 = arith.constant 0 : i32
      %dma_wait3A_100 = arith.constant 0 : i32
      %dma_wait3A_101 = arith.constant 0 : i32
      %dma_wait3A_102 = tpu.memref_slice %arg9[%dma_wait3A_99, %dma_wait3A_100, %dma_wait3A_101] : memref<4x56x128xf32, #tpu.memory_space<vmem>> -> memref<1x56x128xf32, #tpu.memory_space<vmem>>
      %dma_wait3A_103 = tpu.memref_squeeze %dma_wait3A_102 : memref<1x56x128xf32, #tpu.memory_space<vmem>> -> memref<56x128xf32, #tpu.memory_space<vmem>>
      %dma_wait3A_104 = arith.constant 0 : i32
      %dma_wait3A_105 = tpu.memref_slice %arg7[%select_n3A_98, %dma_wait3A, %dma_wait3A_104] : memref<2x4x56xi32, #tpu.memory_space<vmem>> -> memref<1x1x56xi32, #tpu.memory_space<vmem>>
      %dma_wait3A_106 = tpu.memref_squeeze %dma_wait3A_105 : memref<1x1x56xi32, #tpu.memory_space<vmem>> -> memref<56xi32, #tpu.memory_space<vmem>>
      %dma_wait3A_107 = arith.constant 0 : i32
      %dma_wait3A_108 = arith.constant 0 : i32
      %dma_wait3A_109 = tpu.memref_slice %arg2[%dma_wait3A_107, %dma_wait3A_108] : memref<10000x128xf32, #tpu.memory_space<hbm>> -> memref<10000x128xf32, #tpu.memory_space<hbm>>
      tpu.wait_indirect_dma semaphore(%arg11 : memref<!tpu.dma_semaphore, #tpu.memory_space<semaphore_mem>>) src(%dma_wait3A_109 : memref<10000x128xf32, #tpu.memory_space<hbm>>) dst(%dma_wait3A_103 : memref<56x128xf32, #tpu.memory_space<vmem>>)
      %dma_start3A_110 = arith.constant 3 : i32
      %dma_start3A_111 = arith.constant 3 : i32
      %dma_start3A_112 = arith.constant 0 : i32
      %dma_start3A_113 = arith.constant 0 : i32
      %dma_start3A_114 = tpu.memref_slice %arg9[%dma_start3A_111, %dma_start3A_112, %dma_start3A_113] : memref<4x56x128xf32, #tpu.memory_space<vmem>> -> memref<1x56x128xf32, #tpu.memory_space<vmem>>
      %dma_start3A_115 = tpu.memref_squeeze %dma_start3A_114 : memref<1x56x128xf32, #tpu.memory_space<vmem>> -> memref<56x128xf32, #tpu.memory_space<vmem>>
      %dma_start3A_116 = arith.constant 0 : i32
      %dma_start3A_117 = tpu.memref_slice %arg7[%select_n3A_98, %dma_start3A_110, %dma_start3A_116] : memref<2x4x56xi32, #tpu.memory_space<vmem>> -> memref<1x1x56xi32, #tpu.memory_space<vmem>>
      %dma_start3A_118 = tpu.memref_squeeze %dma_start3A_117 : memref<1x1x56xi32, #tpu.memory_space<vmem>> -> memref<56xi32, #tpu.memory_space<vmem>>
      %dma_start3A_119 = arith.constant 0 : i32
      %dma_start3A_120 = arith.constant 0 : i32
      %dma_start3A_121 = tpu.memref_slice %arg2[%dma_start3A_119, %dma_start3A_120] : memref<10000x128xf32, #tpu.memory_space<hbm>> -> memref<10000x128xf32, #tpu.memory_space<hbm>>
      tpu.enqueue_indirect_dma source(%dma_start3A_121 : memref<10000x128xf32, #tpu.memory_space<hbm>>) target(%dma_start3A_115 : memref<56x128xf32, #tpu.memory_space<vmem>>) offsets(%dma_start3A_118 : memref<56xi32, #tpu.memory_space<vmem>>) semaphore(%arg14 : memref<!tpu.dma_semaphore, #tpu.memory_space<semaphore_mem>>)
      %run_scoped3A_122 = arith.constant 0 : i32
      %run_scoped3A_123 = arith.constant 0 : i32
      "tpu.region"() ({
        %run_scoped3A_192 = tpu.sem_alloc : memref<!tpu.dma_semaphore, #tpu.memory_space<semaphore_mem>>
        %dma_start3A_193 = arith.constant 0 : i32
        %dma_start3A_194 = arith.constant 0 : i32
        %dma_start3A_195 = tpu.memref_slice %arg9[%run_scoped3A_122, %dma_start3A_193, %dma_start3A_194] : memref<4x56x128xf32, #tpu.memory_space<vmem>> -> memref<1x56x128xf32, #tpu.memory_space<vmem>>
        %dma_start3A_196 = tpu.memref_squeeze %dma_start3A_195 : memref<1x56x128xf32, #tpu.memory_space<vmem>> -> memref<56x128xf32, #tpu.memory_space<vmem>>
        %dma_start3A_197 = arith.constant 0 : i32
        %dma_start3A_198 = tpu.memref_slice %arg8[%select_n3A_98, %run_scoped3A_123, %dma_start3A_197] : memref<2x4x56xi32, #tpu.memory_space<vmem>> -> memref<1x1x56xi32, #tpu.memory_space<vmem>>
        %dma_start3A_199 = tpu.memref_squeeze %dma_start3A_198 : memref<1x1x56xi32, #tpu.memory_space<vmem>> -> memref<56xi32, #tpu.memory_space<vmem>>
        %dma_start3A_200 = arith.constant 0 : i32
        %dma_start3A_201 = arith.constant 0 : i32
        %dma_start3A_202 = tpu.memref_slice %arg10[%dma_start3A_200, %dma_start3A_201] : memref<10112x128xf32, #tpu.memory_space<vmem_shared>> -> memref<10112x128xf32, #tpu.memory_space<vmem_shared>>
        tpu.enqueue_indirect_dma source(%dma_start3A_196 : memref<56x128xf32, #tpu.memory_space<vmem>>) target(%dma_start3A_202 : memref<10112x128xf32, #tpu.memory_space<vmem_shared>>) offsets(%dma_start3A_199 : memref<56xi32, #tpu.memory_space<vmem>>) semaphore(%run_scoped3A_192 : memref<!tpu.dma_semaphore, #tpu.memory_space<semaphore_mem>>) {add = true}
        %dma_wait3A_203 = arith.constant 0 : i32
        %dma_wait3A_204 = arith.constant 0 : i32
        %dma_wait3A_205 = tpu.memref_slice %arg9[%run_scoped3A_122, %dma_wait3A_203, %dma_wait3A_204] : memref<4x56x128xf32, #tpu.memory_space<vmem>> -> memref<1x56x128xf32, #tpu.memory_space<vmem>>
        %dma_wait3A_206 = tpu.memref_squeeze %dma_wait3A_205 : memref<1x56x128xf32, #tpu.memory_space<vmem>> -> memref<56x128xf32, #tpu.memory_space<vmem>>
        %dma_wait3A_207 = arith.constant 0 : i32
        %dma_wait3A_208 = tpu.memref_slice %arg8[%select_n3A_98, %run_scoped3A_123, %dma_wait3A_207] : memref<2x4x56xi32, #tpu.memory_space<vmem>> -> memref<1x1x56xi32, #tpu.memory_space<vmem>>
        %dma_wait3A_209 = tpu.memref_squeeze %dma_wait3A_208 : memref<1x1x56xi32, #tpu.memory_space<vmem>> -> memref<56xi32, #tpu.memory_space<vmem>>
        %dma_wait3A_210 = arith.constant 0 : i32
        %dma_wait3A_211 = arith.constant 0 : i32
        %dma_wait3A_212 = tpu.memref_slice %arg10[%dma_wait3A_210, %dma_wait3A_211] : memref<10112x128xf32, #tpu.memory_space<vmem_shared>> -> memref<10112x128xf32, #tpu.memory_space<vmem_shared>>
        tpu.wait_indirect_dma semaphore(%run_scoped3A_192 : memref<!tpu.dma_semaphore, #tpu.memory_space<semaphore_mem>>) src(%dma_wait3A_206 : memref<56x128xf32, #tpu.memory_space<vmem>>) dst(%dma_wait3A_212 : memref<10112x128xf32, #tpu.memory_space<vmem_shared>>)
        tpu.yield
      }) : () -> ()
      %dma_wait3A_124 = arith.constant 1 : i32
      %dma_wait3A_125 = arith.constant 1 : i32
      %dma_wait3A_126 = arith.constant 0 : i32
      %dma_wait3A_127 = arith.constant 0 : i32
      %dma_wait3A_128 = tpu.memref_slice %arg9[%dma_wait3A_125, %dma_wait3A_126, %dma_wait3A_127] : memref<4x56x128xf32, #tpu.memory_space<vmem>> -> memref<1x56x128xf32, #tpu.memory_space<vmem>>
      %dma_wait3A_129 = tpu.memref_squeeze %dma_wait3A_128 : memref<1x56x128xf32, #tpu.memory_space<vmem>> -> memref<56x128xf32, #tpu.memory_space<vmem>>
      %dma_wait3A_130 = arith.constant 0 : i32
      %dma_wait3A_131 = tpu.memref_slice %arg7[%select_n3A_98, %dma_wait3A_124, %dma_wait3A_130] : memref<2x4x56xi32, #tpu.memory_space<vmem>> -> memref<1x1x56xi32, #tpu.memory_space<vmem>>
      %dma_wait3A_132 = tpu.memref_squeeze %dma_wait3A_131 : memref<1x1x56xi32, #tpu.memory_space<vmem>> -> memref<56xi32, #tpu.memory_space<vmem>>
      %dma_wait3A_133 = arith.constant 0 : i32
      %dma_wait3A_134 = arith.constant 0 : i32
      %dma_wait3A_135 = tpu.memref_slice %arg2[%dma_wait3A_133, %dma_wait3A_134] : memref<10000x128xf32, #tpu.memory_space<hbm>> -> memref<10000x128xf32, #tpu.memory_space<hbm>>
      tpu.wait_indirect_dma semaphore(%arg12 : memref<!tpu.dma_semaphore, #tpu.memory_space<semaphore_mem>>) src(%dma_wait3A_135 : memref<10000x128xf32, #tpu.memory_space<hbm>>) dst(%dma_wait3A_129 : memref<56x128xf32, #tpu.memory_space<vmem>>)
      %add3A_136 = arith.constant 1 : i32
      %add3A_137 = arith.addi %add3A_89, %add3A_136 : i32
      %lt3A_138 = arith.constant 45 : i32
      %lt3A_139 = arith.cmpi slt, %add3A_137, %lt3A_138 : i32
      %convert_element_type3A = arith.extui %lt3A_139 : i1 to i32
      %cond3A = arith.constant 0 : i32
      %cond3A_140 = arith.cmpi ne, %convert_element_type3A, %cond3A : i32
      scf.if %cond3A_140 {
        %add3A_192 = arith.constant 1 : i32
        %add3A_193 = arith.addi %add3A_89, %add3A_192 : i32
        %sub3A = arith.constant 1 : i32
        %sub3A_194 = arith.subi %sub3A, %select_n3A_98 : i32
        %dma_wait3A_195 = arith.constant 0 : i32
        %dma_wait3A_196 = arith.constant 0 : i32
        %dma_wait3A_197 = tpu.memref_slice %arg7[%sub3A_194, %dma_wait3A_195, %dma_wait3A_196] : memref<2x4x56xi32, #tpu.memory_space<vmem>> -> memref<1x4x56xi32, #tpu.memory_space<vmem>>
        %dma_wait3A_198 = tpu.memref_squeeze %dma_wait3A_197 : memref<1x4x56xi32, #tpu.memory_space<vmem>> -> memref<4x56xi32, #tpu.memory_space<vmem>>
        %dma_wait3A_199 = arith.constant 0 : i32
        %dma_wait3A_200 = arith.constant 0 : i32
        %dma_wait3A_201 = tpu.memref_slice %arg3[%add3A, %add3A_193, %dma_wait3A_199, %dma_wait3A_200] : memref<32x45x4x56xi32, #tpu.memory_space<hbm>> -> memref<1x1x4x56xi32, #tpu.memory_space<hbm>>
        %dma_wait3A_202 = tpu.memref_squeeze %dma_wait3A_201 : memref<1x1x4x56xi32, #tpu.memory_space<hbm>> -> memref<4x56xi32, #tpu.memory_space<hbm>>
        %dma_wait3A_203 = arith.constant 0 : i32
        %dma_wait3A_204 = arith.constant 0 : i32
        %dma_wait3A_205 = tpu.memref_slice %arg7[%sub3A_194, %dma_wait3A_203, %dma_wait3A_204] : memref<2x4x56xi32, #tpu.memory_space<vmem>> -> memref<1x4x56xi32, #tpu.memory_space<vmem>>
        %dma_wait3A_206 = tpu.memref_squeeze %dma_wait3A_205 : memref<1x4x56xi32, #tpu.memory_space<vmem>> -> memref<4x56xi32, #tpu.memory_space<vmem>>
        %dma_wait3A_207 = arith.constant 0 : i32
        %dma_wait3A_208 = arith.constant 0 : i32
        %dma_wait3A_209 = tpu.memref_slice %arg3[%add3A, %add3A_193, %dma_wait3A_207, %dma_wait3A_208] : memref<32x45x4x56xi32, #tpu.memory_space<hbm>> -> memref<1x1x4x56xi32, #tpu.memory_space<hbm>>
        %dma_wait3A_210 = tpu.memref_squeeze %dma_wait3A_209 : memref<1x1x4x56xi32, #tpu.memory_space<hbm>> -> memref<4x56xi32, #tpu.memory_space<hbm>>
        tpu.wait_dma2 semaphore(%arg15 : memref<!tpu.dma_semaphore, #tpu.memory_space<semaphore_mem>>) src(%dma_wait3A_210 : memref<4x56xi32, #tpu.memory_space<hbm>>) dst(%dma_wait3A_206 : memref<4x56xi32, #tpu.memory_space<vmem>>)
        %add3A_211 = arith.constant 1 : i32
        %add3A_212 = arith.addi %add3A_89, %add3A_211 : i32
        %sub3A_213 = arith.constant 1 : i32
        %sub3A_214 = arith.subi %sub3A_213, %select_n3A_98 : i32
        %dma_wait3A_215 = arith.constant 0 : i32
        %dma_wait3A_216 = arith.constant 0 : i32
        %dma_wait3A_217 = tpu.memref_slice %arg8[%sub3A_214, %dma_wait3A_215, %dma_wait3A_216] : memref<2x4x56xi32, #tpu.memory_space<vmem>> -> memref<1x4x56xi32, #tpu.memory_space<vmem>>
        %dma_wait3A_218 = tpu.memref_squeeze %dma_wait3A_217 : memref<1x4x56xi32, #tpu.memory_space<vmem>> -> memref<4x56xi32, #tpu.memory_space<vmem>>
        %dma_wait3A_219 = arith.constant 0 : i32
        %dma_wait3A_220 = arith.constant 0 : i32
        %dma_wait3A_221 = tpu.memref_slice %arg4[%add3A, %add3A_212, %dma_wait3A_219, %dma_wait3A_220] : memref<32x45x4x56xi32, #tpu.memory_space<hbm>> -> memref<1x1x4x56xi32, #tpu.memory_space<hbm>>
        %dma_wait3A_222 = tpu.memref_squeeze %dma_wait3A_221 : memref<1x1x4x56xi32, #tpu.memory_space<hbm>> -> memref<4x56xi32, #tpu.memory_space<hbm>>
        %dma_wait3A_223 = arith.constant 0 : i32
        %dma_wait3A_224 = arith.constant 0 : i32
        %dma_wait3A_225 = tpu.memref_slice %arg8[%sub3A_214, %dma_wait3A_223, %dma_wait3A_224] : memref<2x4x56xi32, #tpu.memory_space<vmem>> -> memref<1x4x56xi32, #tpu.memory_space<vmem>>
        %dma_wait3A_226 = tpu.memref_squeeze %dma_wait3A_225 : memref<1x4x56xi32, #tpu.memory_space<vmem>> -> memref<4x56xi32, #tpu.memory_space<vmem>>
        %dma_wait3A_227 = arith.constant 0 : i32
        %dma_wait3A_228 = arith.constant 0 : i32
        %dma_wait3A_229 = tpu.memref_slice %arg4[%add3A, %add3A_212, %dma_wait3A_227, %dma_wait3A_228] : memref<32x45x4x56xi32, #tpu.memory_space<hbm>> -> memref<1x1x4x56xi32, #tpu.memory_space<hbm>>
        %dma_wait3A_230 = tpu.memref_squeeze %dma_wait3A_229 : memref<1x1x4x56xi32, #tpu.memory_space<hbm>> -> memref<4x56xi32, #tpu.memory_space<hbm>>
        tpu.wait_dma2 semaphore(%arg15 : memref<!tpu.dma_semaphore, #tpu.memory_space<semaphore_mem>>) src(%dma_wait3A_230 : memref<4x56xi32, #tpu.memory_space<hbm>>) dst(%dma_wait3A_226 : memref<4x56xi32, #tpu.memory_space<vmem>>)
        %sub3A_231 = arith.constant 1 : i32
        %sub3A_232 = arith.subi %sub3A_231, %select_n3A_98 : i32
        %dma_start3A_233 = arith.constant 0 : i32
        %dma_start3A_234 = arith.constant 0 : i32
        %dma_start3A_235 = arith.constant 0 : i32
        %dma_start3A_236 = arith.constant 0 : i32
        %dma_start3A_237 = tpu.memref_slice %arg9[%dma_start3A_234, %dma_start3A_235, %dma_start3A_236] : memref<4x56x128xf32, #tpu.memory_space<vmem>> -> memref<1x56x128xf32, #tpu.memory_space<vmem>>
        %dma_start3A_238 = tpu.memref_squeeze %dma_start3A_237 : memref<1x56x128xf32, #tpu.memory_space<vmem>> -> memref<56x128xf32, #tpu.memory_space<vmem>>
        %dma_start3A_239 = arith.constant 0 : i32
        %dma_start3A_240 = tpu.memref_slice %arg7[%sub3A_232, %dma_start3A_233, %dma_start3A_239] : memref<2x4x56xi32, #tpu.memory_space<vmem>> -> memref<1x1x56xi32, #tpu.memory_space<vmem>>
        %dma_start3A_241 = tpu.memref_squeeze %dma_start3A_240 : memref<1x1x56xi32, #tpu.memory_space<vmem>> -> memref<56xi32, #tpu.memory_space<vmem>>
        %dma_start3A_242 = arith.constant 0 : i32
        %dma_start3A_243 = arith.constant 0 : i32
        %dma_start3A_244 = tpu.memref_slice %arg2[%dma_start3A_242, %dma_start3A_243] : memref<10000x128xf32, #tpu.memory_space<hbm>> -> memref<10000x128xf32, #tpu.memory_space<hbm>>
        tpu.enqueue_indirect_dma source(%dma_start3A_244 : memref<10000x128xf32, #tpu.memory_space<hbm>>) target(%dma_start3A_238 : memref<56x128xf32, #tpu.memory_space<vmem>>) offsets(%dma_start3A_241 : memref<56xi32, #tpu.memory_space<vmem>>) semaphore(%arg11 : memref<!tpu.dma_semaphore, #tpu.memory_space<semaphore_mem>>)
      } else {
      }
      %run_scoped3A_141 = arith.constant 1 : i32
      %run_scoped3A_142 = arith.constant 1 : i32
      "tpu.region"() ({
        %run_scoped3A_192 = tpu.sem_alloc : memref<!tpu.dma_semaphore, #tpu.memory_space<semaphore_mem>>
        %dma_start3A_193 = arith.constant 0 : i32
        %dma_start3A_194 = arith.constant 0 : i32
        %dma_start3A_195 = tpu.memref_slice %arg9[%run_scoped3A_141, %dma_start3A_193, %dma_start3A_194] : memref<4x56x128xf32, #tpu.memory_space<vmem>> -> memref<1x56x128xf32, #tpu.memory_space<vmem>>
        %dma_start3A_196 = tpu.memref_squeeze %dma_start3A_195 : memref<1x56x128xf32, #tpu.memory_space<vmem>> -> memref<56x128xf32, #tpu.memory_space<vmem>>
        %dma_start3A_197 = arith.constant 0 : i32
        %dma_start3A_198 = tpu.memref_slice %arg8[%select_n3A_98, %run_scoped3A_142, %dma_start3A_197] : memref<2x4x56xi32, #tpu.memory_space<vmem>> -> memref<1x1x56xi32, #tpu.memory_space<vmem>>
        %dma_start3A_199 = tpu.memref_squeeze %dma_start3A_198 : memref<1x1x56xi32, #tpu.memory_space<vmem>> -> memref<56xi32, #tpu.memory_space<vmem>>
        %dma_start3A_200 = arith.constant 0 : i32
        %dma_start3A_201 = arith.constant 0 : i32
        %dma_start3A_202 = tpu.memref_slice %arg10[%dma_start3A_200, %dma_start3A_201] : memref<10112x128xf32, #tpu.memory_space<vmem_shared>> -> memref<10112x128xf32, #tpu.memory_space<vmem_shared>>
        tpu.enqueue_indirect_dma source(%dma_start3A_196 : memref<56x128xf32, #tpu.memory_space<vmem>>) target(%dma_start3A_202 : memref<10112x128xf32, #tpu.memory_space<vmem_shared>>) offsets(%dma_start3A_199 : memref<56xi32, #tpu.memory_space<vmem>>) semaphore(%run_scoped3A_192 : memref<!tpu.dma_semaphore, #tpu.memory_space<semaphore_mem>>) {add = true}
        %dma_wait3A_203 = arith.constant 0 : i32
        %dma_wait3A_204 = arith.constant 0 : i32
        %dma_wait3A_205 = tpu.memref_slice %arg9[%run_scoped3A_141, %dma_wait3A_203, %dma_wait3A_204] : memref<4x56x128xf32, #tpu.memory_space<vmem>> -> memref<1x56x128xf32, #tpu.memory_space<vmem>>
        %dma_wait3A_206 = tpu.memref_squeeze %dma_wait3A_205 : memref<1x56x128xf32, #tpu.memory_space<vmem>> -> memref<56x128xf32, #tpu.memory_space<vmem>>
        %dma_wait3A_207 = arith.constant 0 : i32
        %dma_wait3A_208 = tpu.memref_slice %arg8[%select_n3A_98, %run_scoped3A_142, %dma_wait3A_207] : memref<2x4x56xi32, #tpu.memory_space<vmem>> -> memref<1x1x56xi32, #tpu.memory_space<vmem>>
        %dma_wait3A_209 = tpu.memref_squeeze %dma_wait3A_208 : memref<1x1x56xi32, #tpu.memory_space<vmem>> -> memref<56xi32, #tpu.memory_space<vmem>>
        %dma_wait3A_210 = arith.constant 0 : i32
        %dma_wait3A_211 = arith.constant 0 : i32
        %dma_wait3A_212 = tpu.memref_slice %arg10[%dma_wait3A_210, %dma_wait3A_211] : memref<10112x128xf32, #tpu.memory_space<vmem_shared>> -> memref<10112x128xf32, #tpu.memory_space<vmem_shared>>
        tpu.wait_indirect_dma semaphore(%run_scoped3A_192 : memref<!tpu.dma_semaphore, #tpu.memory_space<semaphore_mem>>) src(%dma_wait3A_206 : memref<56x128xf32, #tpu.memory_space<vmem>>) dst(%dma_wait3A_212 : memref<10112x128xf32, #tpu.memory_space<vmem_shared>>)
        tpu.yield
      }) : () -> ()
      %dma_wait3A_143 = arith.constant 2 : i32
      %dma_wait3A_144 = arith.constant 2 : i32
      %dma_wait3A_145 = arith.constant 0 : i32
      %dma_wait3A_146 = arith.constant 0 : i32
      %dma_wait3A_147 = tpu.memref_slice %arg9[%dma_wait3A_144, %dma_wait3A_145, %dma_wait3A_146] : memref<4x56x128xf32, #tpu.memory_space<vmem>> -> memref<1x56x128xf32, #tpu.memory_space<vmem>>
      %dma_wait3A_148 = tpu.memref_squeeze %dma_wait3A_147 : memref<1x56x128xf32, #tpu.memory_space<vmem>> -> memref<56x128xf32, #tpu.memory_space<vmem>>
      %dma_wait3A_149 = arith.constant 0 : i32
      %dma_wait3A_150 = tpu.memref_slice %arg7[%select_n3A_98, %dma_wait3A_143, %dma_wait3A_149] : memref<2x4x56xi32, #tpu.memory_space<vmem>> -> memref<1x1x56xi32, #tpu.memory_space<vmem>>
      %dma_wait3A_151 = tpu.memref_squeeze %dma_wait3A_150 : memref<1x1x56xi32, #tpu.memory_space<vmem>> -> memref<56xi32, #tpu.memory_space<vmem>>
      %dma_wait3A_152 = arith.constant 0 : i32
      %dma_wait3A_153 = arith.constant 0 : i32
      %dma_wait3A_154 = tpu.memref_slice %arg2[%dma_wait3A_152, %dma_wait3A_153] : memref<10000x128xf32, #tpu.memory_space<hbm>> -> memref<10000x128xf32, #tpu.memory_space<hbm>>
      tpu.wait_indirect_dma semaphore(%arg13 : memref<!tpu.dma_semaphore, #tpu.memory_space<semaphore_mem>>) src(%dma_wait3A_154 : memref<10000x128xf32, #tpu.memory_space<hbm>>) dst(%dma_wait3A_148 : memref<56x128xf32, #tpu.memory_space<vmem>>)
      %add3A_155 = arith.constant 1 : i32
      %add3A_156 = arith.addi %add3A_89, %add3A_155 : i32
      %lt3A_157 = arith.constant 45 : i32
      %lt3A_158 = arith.cmpi slt, %add3A_156, %lt3A_157 : i32
      %convert_element_type3A_159 = arith.extui %lt3A_158 : i1 to i32
      %cond3A_160 = arith.constant 0 : i32
      %cond3A_161 = arith.cmpi ne, %convert_element_type3A_159, %cond3A_160 : i32
      scf.if %cond3A_161 {
        %sub3A = arith.constant 1 : i32
        %sub3A_192 = arith.subi %sub3A, %select_n3A_98 : i32
        %dma_start3A_193 = arith.constant 1 : i32
        %dma_start3A_194 = arith.constant 1 : i32
        %dma_start3A_195 = arith.constant 0 : i32
        %dma_start3A_196 = arith.constant 0 : i32
        %dma_start3A_197 = tpu.memref_slice %arg9[%dma_start3A_194, %dma_start3A_195, %dma_start3A_196] : memref<4x56x128xf32, #tpu.memory_space<vmem>> -> memref<1x56x128xf32, #tpu.memory_space<vmem>>
        %dma_start3A_198 = tpu.memref_squeeze %dma_start3A_197 : memref<1x56x128xf32, #tpu.memory_space<vmem>> -> memref<56x128xf32, #tpu.memory_space<vmem>>
        %dma_start3A_199 = arith.constant 0 : i32
        %dma_start3A_200 = tpu.memref_slice %arg7[%sub3A_192, %dma_start3A_193, %dma_start3A_199] : memref<2x4x56xi32, #tpu.memory_space<vmem>> -> memref<1x1x56xi32, #tpu.memory_space<vmem>>
        %dma_start3A_201 = tpu.memref_squeeze %dma_start3A_200 : memref<1x1x56xi32, #tpu.memory_space<vmem>> -> memref<56xi32, #tpu.memory_space<vmem>>
        %dma_start3A_202 = arith.constant 0 : i32
        %dma_start3A_203 = arith.constant 0 : i32
        %dma_start3A_204 = tpu.memref_slice %arg2[%dma_start3A_202, %dma_start3A_203] : memref<10000x128xf32, #tpu.memory_space<hbm>> -> memref<10000x128xf32, #tpu.memory_space<hbm>>
        tpu.enqueue_indirect_dma source(%dma_start3A_204 : memref<10000x128xf32, #tpu.memory_space<hbm>>) target(%dma_start3A_198 : memref<56x128xf32, #tpu.memory_space<vmem>>) offsets(%dma_start3A_201 : memref<56xi32, #tpu.memory_space<vmem>>) semaphore(%arg12 : memref<!tpu.dma_semaphore, #tpu.memory_space<semaphore_mem>>)
      } else {
      }
      %run_scoped3A_162 = arith.constant 2 : i32
      %run_scoped3A_163 = arith.constant 2 : i32
      "tpu.region"() ({
        %run_scoped3A_192 = tpu.sem_alloc : memref<!tpu.dma_semaphore, #tpu.memory_space<semaphore_mem>>
        %dma_start3A_193 = arith.constant 0 : i32
        %dma_start3A_194 = arith.constant 0 : i32
        %dma_start3A_195 = tpu.memref_slice %arg9[%run_scoped3A_162, %dma_start3A_193, %dma_start3A_194] : memref<4x56x128xf32, #tpu.memory_space<vmem>> -> memref<1x56x128xf32, #tpu.memory_space<vmem>>
        %dma_start3A_196 = tpu.memref_squeeze %dma_start3A_195 : memref<1x56x128xf32, #tpu.memory_space<vmem>> -> memref<56x128xf32, #tpu.memory_space<vmem>>
        %dma_start3A_197 = arith.constant 0 : i32
        %dma_start3A_198 = tpu.memref_slice %arg8[%select_n3A_98, %run_scoped3A_163, %dma_start3A_197] : memref<2x4x56xi32, #tpu.memory_space<vmem>> -> memref<1x1x56xi32, #tpu.memory_space<vmem>>
        %dma_start3A_199 = tpu.memref_squeeze %dma_start3A_198 : memref<1x1x56xi32, #tpu.memory_space<vmem>> -> memref<56xi32, #tpu.memory_space<vmem>>
        %dma_start3A_200 = arith.constant 0 : i32
        %dma_start3A_201 = arith.constant 0 : i32
        %dma_start3A_202 = tpu.memref_slice %arg10[%dma_start3A_200, %dma_start3A_201] : memref<10112x128xf32, #tpu.memory_space<vmem_shared>> -> memref<10112x128xf32, #tpu.memory_space<vmem_shared>>
        tpu.enqueue_indirect_dma source(%dma_start3A_196 : memref<56x128xf32, #tpu.memory_space<vmem>>) target(%dma_start3A_202 : memref<10112x128xf32, #tpu.memory_space<vmem_shared>>) offsets(%dma_start3A_199 : memref<56xi32, #tpu.memory_space<vmem>>) semaphore(%run_scoped3A_192 : memref<!tpu.dma_semaphore, #tpu.memory_space<semaphore_mem>>) {add = true}
        %dma_wait3A_203 = arith.constant 0 : i32
        %dma_wait3A_204 = arith.constant 0 : i32
        %dma_wait3A_205 = tpu.memref_slice %arg9[%run_scoped3A_162, %dma_wait3A_203, %dma_wait3A_204] : memref<4x56x128xf32, #tpu.memory_space<vmem>> -> memref<1x56x128xf32, #tpu.memory_space<vmem>>
        %dma_wait3A_206 = tpu.memref_squeeze %dma_wait3A_205 : memref<1x56x128xf32, #tpu.memory_space<vmem>> -> memref<56x128xf32, #tpu.memory_space<vmem>>
        %dma_wait3A_207 = arith.constant 0 : i32
        %dma_wait3A_208 = tpu.memref_slice %arg8[%select_n3A_98, %run_scoped3A_163, %dma_wait3A_207] : memref<2x4x56xi32, #tpu.memory_space<vmem>> -> memref<1x1x56xi32, #tpu.memory_space<vmem>>
        %dma_wait3A_209 = tpu.memref_squeeze %dma_wait3A_208 : memref<1x1x56xi32, #tpu.memory_space<vmem>> -> memref<56xi32, #tpu.memory_space<vmem>>
        %dma_wait3A_210 = arith.constant 0 : i32
        %dma_wait3A_211 = arith.constant 0 : i32
        %dma_wait3A_212 = tpu.memref_slice %arg10[%dma_wait3A_210, %dma_wait3A_211] : memref<10112x128xf32, #tpu.memory_space<vmem_shared>> -> memref<10112x128xf32, #tpu.memory_space<vmem_shared>>
        tpu.wait_indirect_dma semaphore(%run_scoped3A_192 : memref<!tpu.dma_semaphore, #tpu.memory_space<semaphore_mem>>) src(%dma_wait3A_206 : memref<56x128xf32, #tpu.memory_space<vmem>>) dst(%dma_wait3A_212 : memref<10112x128xf32, #tpu.memory_space<vmem_shared>>)
        tpu.yield
      }) : () -> ()
      %dma_wait3A_164 = arith.constant 3 : i32
      %dma_wait3A_165 = arith.constant 3 : i32
      %dma_wait3A_166 = arith.constant 0 : i32
      %dma_wait3A_167 = arith.constant 0 : i32
      %dma_wait3A_168 = tpu.memref_slice %arg9[%dma_wait3A_165, %dma_wait3A_166, %dma_wait3A_167] : memref<4x56x128xf32, #tpu.memory_space<vmem>> -> memref<1x56x128xf32, #tpu.memory_space<vmem>>
      %dma_wait3A_169 = tpu.memref_squeeze %dma_wait3A_168 : memref<1x56x128xf32, #tpu.memory_space<vmem>> -> memref<56x128xf32, #tpu.memory_space<vmem>>
      %dma_wait3A_170 = arith.constant 0 : i32
      %dma_wait3A_171 = tpu.memref_slice %arg7[%select_n3A_98, %dma_wait3A_164, %dma_wait3A_170] : memref<2x4x56xi32, #tpu.memory_space<vmem>> -> memref<1x1x56xi32, #tpu.memory_space<vmem>>
      %dma_wait3A_172 = tpu.memref_squeeze %dma_wait3A_171 : memref<1x1x56xi32, #tpu.memory_space<vmem>> -> memref<56xi32, #tpu.memory_space<vmem>>
      %dma_wait3A_173 = arith.constant 0 : i32
      %dma_wait3A_174 = arith.constant 0 : i32
      %dma_wait3A_175 = tpu.memref_slice %arg2[%dma_wait3A_173, %dma_wait3A_174] : memref<10000x128xf32, #tpu.memory_space<hbm>> -> memref<10000x128xf32, #tpu.memory_space<hbm>>
      tpu.wait_indirect_dma semaphore(%arg14 : memref<!tpu.dma_semaphore, #tpu.memory_space<semaphore_mem>>) src(%dma_wait3A_175 : memref<10000x128xf32, #tpu.memory_space<hbm>>) dst(%dma_wait3A_169 : memref<56x128xf32, #tpu.memory_space<vmem>>)
      %add3A_176 = arith.constant 1 : i32
      %add3A_177 = arith.addi %add3A_89, %add3A_176 : i32
      %lt3A_178 = arith.constant 45 : i32
      %lt3A_179 = arith.cmpi slt, %add3A_177, %lt3A_178 : i32
      %convert_element_type3A_180 = arith.extui %lt3A_179 : i1 to i32
      %cond3A_181 = arith.constant 0 : i32
      %cond3A_182 = arith.cmpi ne, %convert_element_type3A_180, %cond3A_181 : i32
      scf.if %cond3A_182 {
        %sub3A = arith.constant 1 : i32
        %sub3A_192 = arith.subi %sub3A, %select_n3A_98 : i32
        %dma_start3A_193 = arith.constant 2 : i32
        %dma_start3A_194 = arith.constant 2 : i32
        %dma_start3A_195 = arith.constant 0 : i32
        %dma_start3A_196 = arith.constant 0 : i32
        %dma_start3A_197 = tpu.memref_slice %arg9[%dma_start3A_194, %dma_start3A_195, %dma_start3A_196] : memref<4x56x128xf32, #tpu.memory_space<vmem>> -> memref<1x56x128xf32, #tpu.memory_space<vmem>>
        %dma_start3A_198 = tpu.memref_squeeze %dma_start3A_197 : memref<1x56x128xf32, #tpu.memory_space<vmem>> -> memref<56x128xf32, #tpu.memory_space<vmem>>
        %dma_start3A_199 = arith.constant 0 : i32
        %dma_start3A_200 = tpu.memref_slice %arg7[%sub3A_192, %dma_start3A_193, %dma_start3A_199] : memref<2x4x56xi32, #tpu.memory_space<vmem>> -> memref<1x1x56xi32, #tpu.memory_space<vmem>>
        %dma_start3A_201 = tpu.memref_squeeze %dma_start3A_200 : memref<1x1x56xi32, #tpu.memory_space<vmem>> -> memref<56xi32, #tpu.memory_space<vmem>>
        %dma_start3A_202 = arith.constant 0 : i32
        %dma_start3A_203 = arith.constant 0 : i32
        %dma_start3A_204 = tpu.memref_slice %arg2[%dma_start3A_202, %dma_start3A_203] : memref<10000x128xf32, #tpu.memory_space<hbm>> -> memref<10000x128xf32, #tpu.memory_space<hbm>>
        tpu.enqueue_indirect_dma source(%dma_start3A_204 : memref<10000x128xf32, #tpu.memory_space<hbm>>) target(%dma_start3A_198 : memref<56x128xf32, #tpu.memory_space<vmem>>) offsets(%dma_start3A_201 : memref<56xi32, #tpu.memory_space<vmem>>) semaphore(%arg13 : memref<!tpu.dma_semaphore, #tpu.memory_space<semaphore_mem>>)
      } else {
      }
      %run_scoped3A_183 = arith.constant 3 : i32
      %run_scoped3A_184 = arith.constant 3 : i32
      "tpu.region"() ({
        %run_scoped3A_192 = tpu.sem_alloc : memref<!tpu.dma_semaphore, #tpu.memory_space<semaphore_mem>>
        %dma_start3A_193 = arith.constant 0 : i32
        %dma_start3A_194 = arith.constant 0 : i32
        %dma_start3A_195 = tpu.memref_slice %arg9[%run_scoped3A_183, %dma_start3A_193, %dma_start3A_194] : memref<4x56x128xf32, #tpu.memory_space<vmem>> -> memref<1x56x128xf32, #tpu.memory_space<vmem>>
        %dma_start3A_196 = tpu.memref_squeeze %dma_start3A_195 : memref<1x56x128xf32, #tpu.memory_space<vmem>> -> memref<56x128xf32, #tpu.memory_space<vmem>>
        %dma_start3A_197 = arith.constant 0 : i32
        %dma_start3A_198 = tpu.memref_slice %arg8[%select_n3A_98, %run_scoped3A_184, %dma_start3A_197] : memref<2x4x56xi32, #tpu.memory_space<vmem>> -> memref<1x1x56xi32, #tpu.memory_space<vmem>>
        %dma_start3A_199 = tpu.memref_squeeze %dma_start3A_198 : memref<1x1x56xi32, #tpu.memory_space<vmem>> -> memref<56xi32, #tpu.memory_space<vmem>>
        %dma_start3A_200 = arith.constant 0 : i32
        %dma_start3A_201 = arith.constant 0 : i32
        %dma_start3A_202 = tpu.memref_slice %arg10[%dma_start3A_200, %dma_start3A_201] : memref<10112x128xf32, #tpu.memory_space<vmem_shared>> -> memref<10112x128xf32, #tpu.memory_space<vmem_shared>>
        tpu.enqueue_indirect_dma source(%dma_start3A_196 : memref<56x128xf32, #tpu.memory_space<vmem>>) target(%dma_start3A_202 : memref<10112x128xf32, #tpu.memory_space<vmem_shared>>) offsets(%dma_start3A_199 : memref<56xi32, #tpu.memory_space<vmem>>) semaphore(%run_scoped3A_192 : memref<!tpu.dma_semaphore, #tpu.memory_space<semaphore_mem>>) {add = true}
        %dma_wait3A_203 = arith.constant 0 : i32
        %dma_wait3A_204 = arith.constant 0 : i32
        %dma_wait3A_205 = tpu.memref_slice %arg9[%run_scoped3A_183, %dma_wait3A_203, %dma_wait3A_204] : memref<4x56x128xf32, #tpu.memory_space<vmem>> -> memref<1x56x128xf32, #tpu.memory_space<vmem>>
        %dma_wait3A_206 = tpu.memref_squeeze %dma_wait3A_205 : memref<1x56x128xf32, #tpu.memory_space<vmem>> -> memref<56x128xf32, #tpu.memory_space<vmem>>
        %dma_wait3A_207 = arith.constant 0 : i32
        %dma_wait3A_208 = tpu.memref_slice %arg8[%select_n3A_98, %run_scoped3A_184, %dma_wait3A_207] : memref<2x4x56xi32, #tpu.memory_space<vmem>> -> memref<1x1x56xi32, #tpu.memory_space<vmem>>
        %dma_wait3A_209 = tpu.memref_squeeze %dma_wait3A_208 : memref<1x1x56xi32, #tpu.memory_space<vmem>> -> memref<56xi32, #tpu.memory_space<vmem>>
        %dma_wait3A_210 = arith.constant 0 : i32
        %dma_wait3A_211 = arith.constant 0 : i32
        %dma_wait3A_212 = tpu.memref_slice %arg10[%dma_wait3A_210, %dma_wait3A_211] : memref<10112x128xf32, #tpu.memory_space<vmem_shared>> -> memref<10112x128xf32, #tpu.memory_space<vmem_shared>>
        tpu.wait_indirect_dma semaphore(%run_scoped3A_192 : memref<!tpu.dma_semaphore, #tpu.memory_space<semaphore_mem>>) src(%dma_wait3A_206 : memref<56x128xf32, #tpu.memory_space<vmem>>) dst(%dma_wait3A_212 : memref<10112x128xf32, #tpu.memory_space<vmem_shared>>)
        tpu.yield
      }) : () -> ()
      %add3A_185 = arith.constant 2 : i32
      %add3A_186 = arith.addi %add3A_89, %add3A_185 : i32
      %lt3A_187 = arith.constant 45 : i32
      %lt3A_188 = arith.cmpi slt, %add3A_186, %lt3A_187 : i32
      %convert_element_type3A_189 = arith.extui %lt3A_188 : i1 to i32
      %cond3A_190 = arith.constant 0 : i32
      %cond3A_191 = arith.cmpi ne, %convert_element_type3A_189, %cond3A_190 : i32
      scf.if %cond3A_191 {
        %add3A_192 = arith.constant 2 : i32
        %add3A_193 = arith.addi %add3A_89, %add3A_192 : i32
        %dma_start3A_194 = arith.constant 0 : i32
        %dma_start3A_195 = arith.constant 0 : i32
        %dma_start3A_196 = tpu.memref_slice %arg7[%select_n3A_98, %dma_start3A_194, %dma_start3A_195] : memref<2x4x56xi32, #tpu.memory_space<vmem>> -> memref<1x4x56xi32, #tpu.memory_space<vmem>>
        %dma_start3A_197 = tpu.memref_squeeze %dma_start3A_196 : memref<1x4x56xi32, #tpu.memory_space<vmem>> -> memref<4x56xi32, #tpu.memory_space<vmem>>
        %dma_start3A_198 = arith.constant 0 : i32
        %dma_start3A_199 = arith.constant 0 : i32
        %dma_start3A_200 = tpu.memref_slice %arg3[%add3A, %add3A_193, %dma_start3A_198, %dma_start3A_199] : memref<32x45x4x56xi32, #tpu.memory_space<hbm>> -> memref<1x1x4x56xi32, #tpu.memory_space<hbm>>
        %dma_start3A_201 = tpu.memref_squeeze %dma_start3A_200 : memref<1x1x4x56xi32, #tpu.memory_space<hbm>> -> memref<4x56xi32, #tpu.memory_space<hbm>>
        %dma_start3A_202 = arith.constant 0 : i32
        %dma_start3A_203 = arith.constant 0 : i32
        %dma_start3A_204 = tpu.memref_slice %arg7[%select_n3A_98, %dma_start3A_202, %dma_start3A_203] : memref<2x4x56xi32, #tpu.memory_space<vmem>> -> memref<1x4x56xi32, #tpu.memory_space<vmem>>
        %dma_start3A_205 = tpu.memref_squeeze %dma_start3A_204 : memref<1x4x56xi32, #tpu.memory_space<vmem>> -> memref<4x56xi32, #tpu.memory_space<vmem>>
        %dma_start3A_206 = arith.constant 0 : i32
        %dma_start3A_207 = arith.constant 0 : i32
        %dma_start3A_208 = tpu.memref_slice %arg3[%add3A, %add3A_193, %dma_start3A_206, %dma_start3A_207] : memref<32x45x4x56xi32, #tpu.memory_space<hbm>> -> memref<1x1x4x56xi32, #tpu.memory_space<hbm>>
        %dma_start3A_209 = tpu.memref_squeeze %dma_start3A_208 : memref<1x1x4x56xi32, #tpu.memory_space<hbm>> -> memref<4x56xi32, #tpu.memory_space<hbm>>
        tpu.enqueue_dma source(%dma_start3A_209 : memref<4x56xi32, #tpu.memory_space<hbm>>) target(%dma_start3A_205 : memref<4x56xi32, #tpu.memory_space<vmem>>) target_semaphore(%arg15 : memref<!tpu.dma_semaphore, #tpu.memory_space<semaphore_mem>>)
        %add3A_210 = arith.constant 2 : i32
        %add3A_211 = arith.addi %add3A_89, %add3A_210 : i32
        %dma_start3A_212 = arith.constant 0 : i32
        %dma_start3A_213 = arith.constant 0 : i32
        %dma_start3A_214 = tpu.memref_slice %arg8[%select_n3A_98, %dma_start3A_212, %dma_start3A_213] : memref<2x4x56xi32, #tpu.memory_space<vmem>> -> memref<1x4x56xi32, #tpu.memory_space<vmem>>
        %dma_start3A_215 = tpu.memref_squeeze %dma_start3A_214 : memref<1x4x56xi32, #tpu.memory_space<vmem>> -> memref<4x56xi32, #tpu.memory_space<vmem>>
        %dma_start3A_216 = arith.constant 0 : i32
        %dma_start3A_217 = arith.constant 0 : i32
        %dma_start3A_218 = tpu.memref_slice %arg4[%add3A, %add3A_211, %dma_start3A_216, %dma_start3A_217] : memref<32x45x4x56xi32, #tpu.memory_space<hbm>> -> memref<1x1x4x56xi32, #tpu.memory_space<hbm>>
        %dma_start3A_219 = tpu.memref_squeeze %dma_start3A_218 : memref<1x1x4x56xi32, #tpu.memory_space<hbm>> -> memref<4x56xi32, #tpu.memory_space<hbm>>
        %dma_start3A_220 = arith.constant 0 : i32
        %dma_start3A_221 = arith.constant 0 : i32
        %dma_start3A_222 = tpu.memref_slice %arg8[%select_n3A_98, %dma_start3A_220, %dma_start3A_221] : memref<2x4x56xi32, #tpu.memory_space<vmem>> -> memref<1x4x56xi32, #tpu.memory_space<vmem>>
        %dma_start3A_223 = tpu.memref_squeeze %dma_start3A_222 : memref<1x4x56xi32, #tpu.memory_space<vmem>> -> memref<4x56xi32, #tpu.memory_space<vmem>>
        %dma_start3A_224 = arith.constant 0 : i32
        %dma_start3A_225 = arith.constant 0 : i32
        %dma_start3A_226 = tpu.memref_slice %arg4[%add3A, %add3A_211, %dma_start3A_224, %dma_start3A_225] : memref<32x45x4x56xi32, #tpu.memory_space<hbm>> -> memref<1x1x4x56xi32, #tpu.memory_space<hbm>>
        %dma_start3A_227 = tpu.memref_squeeze %dma_start3A_226 : memref<1x1x4x56xi32, #tpu.memory_space<hbm>> -> memref<4x56xi32, #tpu.memory_space<hbm>>
        tpu.enqueue_dma source(%dma_start3A_227 : memref<4x56xi32, #tpu.memory_space<hbm>>) target(%dma_start3A_223 : memref<4x56xi32, #tpu.memory_space<vmem>>) target_semaphore(%arg15 : memref<!tpu.dma_semaphore, #tpu.memory_space<semaphore_mem>>)
      } else {
      }
    }
    %scan3A_83 = arith.constant 45 : i32
    %barrier3A_84 = arith.constant 0 : index
    tpu.barrier barrier_id(%barrier3A_84)
    "tpu.region"() ({
      %run_scoped3A_85 = tpu.sem_alloc : memref<!tpu.dma_semaphore, #tpu.memory_space<semaphore_mem>>
      %dma_start3A_86 = arith.constant 0 : i32
      %dma_start3A_87 = tpu.memref_slice %arg6[%arg0, %mul3A_2, %dma_start3A_86] : memref<2x10112x128xf32, #tpu.memory_space<hbm>> -> memref<1x632x128xf32, #tpu.memory_space<hbm>>
      %dma_start3A_88 = tpu.memref_squeeze %dma_start3A_87 : memref<1x632x128xf32, #tpu.memory_space<hbm>> -> memref<632x128xf32, #tpu.memory_space<hbm>>
      %dma_start3A_89 = arith.constant 0 : i32
      %dma_start3A_90 = tpu.memref_slice %arg10[%mul3A_2, %dma_start3A_89] : memref<10112x128xf32, #tpu.memory_space<vmem_shared>> -> memref<632x128xf32, #tpu.memory_space<vmem_shared>>
      tpu.enqueue_dma source(%dma_start3A_90 : memref<632x128xf32, #tpu.memory_space<vmem_shared>>) target(%dma_start3A_88 : memref<632x128xf32, #tpu.memory_space<hbm>>) target_semaphore(%run_scoped3A_85 : memref<!tpu.dma_semaphore, #tpu.memory_space<semaphore_mem>>)
      %dma_wait3A = arith.constant 0 : i32
      %dma_wait3A_91 = tpu.memref_slice %arg6[%arg0, %mul3A_2, %dma_wait3A] : memref<2x10112x128xf32, #tpu.memory_space<hbm>> -> memref<1x632x128xf32, #tpu.memory_space<hbm>>
      %dma_wait3A_92 = tpu.memref_squeeze %dma_wait3A_91 : memref<1x632x128xf32, #tpu.memory_space<hbm>> -> memref<632x128xf32, #tpu.memory_space<hbm>>
      %dma_wait3A_93 = arith.constant 0 : i32
      %dma_wait3A_94 = tpu.memref_slice %arg10[%mul3A_2, %dma_wait3A_93] : memref<10112x128xf32, #tpu.memory_space<vmem_shared>> -> memref<632x128xf32, #tpu.memory_space<vmem_shared>>
      tpu.wait_dma2 semaphore(%run_scoped3A_85 : memref<!tpu.dma_semaphore, #tpu.memory_space<semaphore_mem>>) src(%dma_wait3A_94 : memref<632x128xf32, #tpu.memory_space<vmem_shared>>) dst(%dma_wait3A_92 : memref<632x128xf32, #tpu.memory_space<hbm>>)
      tpu.yield
    }) : () -> ()
    return
  }
}

#map = affine_map<(d0, d1) -> (0, 0, 0)>
#map1 = affine_map<(d0, d1) -> (0)>
module attributes {stable_mosaic.version = 14 : i64} {
  func.func @deg_kernel(%arg0: i32, %arg1: i32, %arg2: memref<32x180x56xi32, #tpu.memory_space<hbm>>, %arg3: memref<10112xf32, #tpu.memory_space<hbm>>, %arg4: memref<32x1x10112xf32, #tpu.memory_space<hbm>>, %arg5: memref<180x56xi32, #tpu.memory_space<vmem>>, %arg6: memref<10112xf32, #tpu.memory_space<vmem>>) attributes {dimension_semantics = [#tpu.dimension_semantics<core_parallel>, #tpu.dimension_semantics<subcore_parallel>], iteration_bounds = array<i64: 2, 16>, scalar_prefetch = 0 : i64, scratch_operands = 2 : i64, tpu.core_type = #tpu.core_type<sc_vector_subcore>, window_params = [{transform_indices = #map}, {transform_indices = #map1}, {transform_indices = #map}]} {
    %mul3A = arith.constant 16 : i32
    %mul3A_0 = arith.muli %arg0, %mul3A : i32
    %add3A = arith.addi %mul3A_0, %arg1 : i32
    "tpu.region"() ({
      %run_scoped3A_6 = tpu.sem_alloc : memref<!tpu.dma_semaphore, #tpu.memory_space<semaphore_mem>>
      %dma_start3A = arith.constant 0 : i32
      %dma_start3A_7 = arith.constant 0 : i32
      %dma_start3A_8 = tpu.memref_slice %arg2[%add3A, %dma_start3A, %dma_start3A_7] : memref<32x180x56xi32, #tpu.memory_space<hbm>> -> memref<1x180x56xi32, #tpu.memory_space<hbm>>
      %dma_start3A_9 = tpu.memref_squeeze %dma_start3A_8 : memref<1x180x56xi32, #tpu.memory_space<hbm>> -> memref<180x56xi32, #tpu.memory_space<hbm>>
      %dma_start3A_10 = arith.constant 0 : i32
      %dma_start3A_11 = arith.constant 0 : i32
      %dma_start3A_12 = tpu.memref_slice %arg2[%add3A, %dma_start3A_10, %dma_start3A_11] : memref<32x180x56xi32, #tpu.memory_space<hbm>> -> memref<1x180x56xi32, #tpu.memory_space<hbm>>
      %dma_start3A_13 = tpu.memref_squeeze %dma_start3A_12 : memref<1x180x56xi32, #tpu.memory_space<hbm>> -> memref<180x56xi32, #tpu.memory_space<hbm>>
      tpu.enqueue_dma source(%dma_start3A_13 : memref<180x56xi32, #tpu.memory_space<hbm>>) target(%arg5 : memref<180x56xi32, #tpu.memory_space<vmem>>) target_semaphore(%run_scoped3A_6 : memref<!tpu.dma_semaphore, #tpu.memory_space<semaphore_mem>>)
      %dma_wait3A = arith.constant 0 : i32
      %dma_wait3A_14 = arith.constant 0 : i32
      %dma_wait3A_15 = tpu.memref_slice %arg2[%add3A, %dma_wait3A, %dma_wait3A_14] : memref<32x180x56xi32, #tpu.memory_space<hbm>> -> memref<1x180x56xi32, #tpu.memory_space<hbm>>
      %dma_wait3A_16 = tpu.memref_squeeze %dma_wait3A_15 : memref<1x180x56xi32, #tpu.memory_space<hbm>> -> memref<180x56xi32, #tpu.memory_space<hbm>>
      %dma_wait3A_17 = arith.constant 0 : i32
      %dma_wait3A_18 = arith.constant 0 : i32
      %dma_wait3A_19 = tpu.memref_slice %arg2[%add3A, %dma_wait3A_17, %dma_wait3A_18] : memref<32x180x56xi32, #tpu.memory_space<hbm>> -> memref<1x180x56xi32, #tpu.memory_space<hbm>>
      %dma_wait3A_20 = tpu.memref_squeeze %dma_wait3A_19 : memref<1x180x56xi32, #tpu.memory_space<hbm>> -> memref<180x56xi32, #tpu.memory_space<hbm>>
      tpu.wait_dma2 semaphore(%run_scoped3A_6 : memref<!tpu.dma_semaphore, #tpu.memory_space<semaphore_mem>>) src(%dma_wait3A_20 : memref<180x56xi32, #tpu.memory_space<hbm>>) dst(%arg5 : memref<180x56xi32, #tpu.memory_space<vmem>>)
      tpu.yield
    }) : () -> ()
    "tpu.region"() ({
      %run_scoped3A_6 = tpu.sem_alloc : memref<!tpu.dma_semaphore, #tpu.memory_space<semaphore_mem>>
      tpu.enqueue_dma source(%arg3 : memref<10112xf32, #tpu.memory_space<hbm>>) target(%arg6 : memref<10112xf32, #tpu.memory_space<vmem>>) target_semaphore(%run_scoped3A_6 : memref<!tpu.dma_semaphore, #tpu.memory_space<semaphore_mem>>)
      tpu.wait_dma2 semaphore(%run_scoped3A_6 : memref<!tpu.dma_semaphore, #tpu.memory_space<semaphore_mem>>) src(%arg3 : memref<10112xf32, #tpu.memory_space<hbm>>) dst(%arg6 : memref<10112xf32, #tpu.memory_space<vmem>>)
      tpu.yield
    }) : () -> ()
    %broadcast_in_dim3A = arith.constant 1.000000e+00 : f32
    %broadcast_in_dim3A_1 = vector.broadcast %broadcast_in_dim3A : f32 to vector<16xf32>
    %scan3A = arith.constant 0 : i32
    %scan3A_2 = arith.constant 180 : i32
    %scan3A_3 = arith.addi %scan3A, %scan3A_2 : i32
    %scan3A_4 = arith.constant 1 : i32
    scf.for %scan3A_6 = %scan3A to %scan3A_3 step %scan3A_4  : i32 {
      %mul3A_7 = arith.constant 1 : i32
      %mul3A_8 = arith.muli %scan3A_6, %mul3A_7 : i32
      %add3A_9 = arith.constant 0 : i32
      %add3A_10 = arith.addi %add3A_9, %mul3A_8 : i32
      %get3A = arith.index_cast %add3A_10 : i32 to index
      %get3A_11 = arith.constant 0 : index
      %get3A_12 = tpu.vector_load %arg5[%get3A, %get3A_11] {strides = array<i32>} : memref<180x56xi32, #tpu.memory_space<vmem>>, vector<16xi32>,
      tpu.vector_store_idx %arg6[%get3A_12], %broadcast_in_dim3A_1 {add = true} : memref<10112xf32, #tpu.memory_space<vmem>>[vector<16xi32>], vector<16xf32>,
      %get3A_13 = arith.index_cast %add3A_10 : i32 to index
      %get3A_14 = arith.constant 16 : index
      %get3A_15 = tpu.vector_load %arg5[%get3A_13, %get3A_14] {strides = array<i32>} : memref<180x56xi32, #tpu.memory_space<vmem>>, vector<16xi32>,
      tpu.vector_store_idx %arg6[%get3A_15], %broadcast_in_dim3A_1 {add = true} : memref<10112xf32, #tpu.memory_space<vmem>>[vector<16xi32>], vector<16xf32>,
      %get3A_16 = arith.index_cast %add3A_10 : i32 to index
      %get3A_17 = arith.constant 32 : index
      %get3A_18 = tpu.vector_load %arg5[%get3A_16, %get3A_17] {strides = array<i32>} : memref<180x56xi32, #tpu.memory_space<vmem>>, vector<16xi32>,
      tpu.vector_store_idx %arg6[%get3A_18], %broadcast_in_dim3A_1 {add = true} : memref<10112xf32, #tpu.memory_space<vmem>>[vector<16xi32>], vector<16xf32>,
    }
    %scan3A_5 = arith.constant 180 : i32
    %run_scoped3A = arith.constant 0 : i32
    "tpu.region"() ({
      %run_scoped3A_6 = tpu.sem_alloc : memref<!tpu.dma_semaphore, #tpu.memory_space<semaphore_mem>>
      %dma_start3A = arith.constant 0 : i32
      %dma_start3A_7 = tpu.memref_slice %arg4[%add3A, %run_scoped3A, %dma_start3A] : memref<32x1x10112xf32, #tpu.memory_space<hbm>> -> memref<1x1x10112xf32, #tpu.memory_space<hbm>>
      %dma_start3A_8 = tpu.memref_squeeze %dma_start3A_7 : memref<1x1x10112xf32, #tpu.memory_space<hbm>> -> memref<10112xf32, #tpu.memory_space<hbm>>
      %dma_start3A_9 = arith.constant 0 : i32
      %dma_start3A_10 = tpu.memref_slice %arg4[%add3A, %run_scoped3A, %dma_start3A_9] : memref<32x1x10112xf32, #tpu.memory_space<hbm>> -> memref<1x1x10112xf32, #tpu.memory_space<hbm>>
      %dma_start3A_11 = tpu.memref_squeeze %dma_start3A_10 : memref<1x1x10112xf32, #tpu.memory_space<hbm>> -> memref<10112xf32, #tpu.memory_space<hbm>>
      tpu.enqueue_dma source(%arg6 : memref<10112xf32, #tpu.memory_space<vmem>>) target(%dma_start3A_11 : memref<10112xf32, #tpu.memory_space<hbm>>) target_semaphore(%run_scoped3A_6 : memref<!tpu.dma_semaphore, #tpu.memory_space<semaphore_mem>>)
      %dma_wait3A = arith.constant 0 : i32
      %dma_wait3A_12 = tpu.memref_slice %arg4[%add3A, %run_scoped3A, %dma_wait3A] : memref<32x1x10112xf32, #tpu.memory_space<hbm>> -> memref<1x1x10112xf32, #tpu.memory_space<hbm>>
      %dma_wait3A_13 = tpu.memref_squeeze %dma_wait3A_12 : memref<1x1x10112xf32, #tpu.memory_space<hbm>> -> memref<10112xf32, #tpu.memory_space<hbm>>
      %dma_wait3A_14 = arith.constant 0 : i32
      %dma_wait3A_15 = tpu.memref_slice %arg4[%add3A, %run_scoped3A, %dma_wait3A_14] : memref<32x1x10112xf32, #tpu.memory_space<hbm>> -> memref<1x1x10112xf32, #tpu.memory_space<hbm>>
      %dma_wait3A_16 = tpu.memref_squeeze %dma_wait3A_15 : memref<1x1x10112xf32, #tpu.memory_space<hbm>> -> memref<10112xf32, #tpu.memory_space<hbm>>
      tpu.wait_dma2 semaphore(%run_scoped3A_6 : memref<!tpu.dma_semaphore, #tpu.memory_space<semaphore_mem>>) src(%arg6 : memref<10112xf32, #tpu.memory_space<vmem>>) dst(%dma_wait3A_16 : memref<10112xf32, #tpu.memory_space<hbm>>)
      tpu.yield
    }) : () -> ()
    return
  }
}

#map = affine_map<(d0, d1) -> (0, 0)>
#map1 = affine_map<(d0, d1) -> (0, 0, 0, 0)>
#map2 = affine_map<(d0, d1) -> (0, 0, 0)>
module attributes {stable_mosaic.version = 14 : i64} {
  func.func @sc_kernel(%arg0: i32, %arg1: i32, %arg2: memref<10000x128xf32, #tpu.memory_space<hbm>>, %arg3: memref<32x45x4x56xi32, #tpu.memory_space<hbm>>, %arg4: memref<32x45x4x56xi32, #tpu.memory_space<hbm>>, %arg5: memref<632x128xf32, #tpu.memory_space<hbm>>, %arg6: memref<2x10112x128xf32, #tpu.memory_space<hbm>>, %arg7: memref<2x4x56xi32, #tpu.memory_space<vmem>>, %arg8: memref<2x4x56xi32, #tpu.memory_space<vmem>>, %arg9: memref<4x56x128xf32, #tpu.memory_space<vmem>>, %arg10: memref<10112x128xf32, #tpu.memory_space<vmem_shared>>, %arg11: memref<!tpu.dma_semaphore, #tpu.memory_space<semaphore_mem>>, %arg12: memref<!tpu.dma_semaphore, #tpu.memory_space<semaphore_mem>>, %arg13: memref<!tpu.dma_semaphore, #tpu.memory_space<semaphore_mem>>, %arg14: memref<!tpu.dma_semaphore, #tpu.memory_space<semaphore_mem>>, %arg15: memref<!tpu.dma_semaphore, #tpu.memory_space<semaphore_mem>>) attributes {dimension_semantics = [#tpu.dimension_semantics<core_parallel>, #tpu.dimension_semantics<subcore_parallel>], iteration_bounds = array<i64: 2, 16>, scalar_prefetch = 0 : i64, scratch_operands = 9 : i64, tpu.core_type = #tpu.core_type<sc_vector_subcore>, window_params = [{transform_indices = #map}, {transform_indices = #map1}, {transform_indices = #map1}, {transform_indices = #map}, {transform_indices = #map2}]} {
    %mul3A = arith.constant 16 : i32
    %mul3A_0 = arith.muli %arg0, %mul3A : i32
    %add3A = arith.addi %mul3A_0, %arg1 : i32
    %mul3A_1 = arith.constant 632 : i32
    %mul3A_2 = arith.muli %arg1, %mul3A_1 : i32
    "tpu.region"() ({
      %run_scoped3A_85 = tpu.sem_alloc : memref<!tpu.dma_semaphore, #tpu.memory_space<semaphore_mem>>
      %dma_start3A_86 = arith.constant 0 : i32
      %dma_start3A_87 = tpu.memref_slice %arg10[%mul3A_2, %dma_start3A_86] : memref<10112x128xf32, #tpu.memory_space<vmem_shared>> -> memref<632x128xf32, #tpu.memory_space<vmem_shared>>
      tpu.enqueue_dma source(%arg5 : memref<632x128xf32, #tpu.memory_space<hbm>>) target(%dma_start3A_87 : memref<632x128xf32, #tpu.memory_space<vmem_shared>>) target_semaphore(%run_scoped3A_85 : memref<!tpu.dma_semaphore, #tpu.memory_space<semaphore_mem>>)
      %dma_wait3A = arith.constant 0 : i32
      %dma_wait3A_88 = tpu.memref_slice %arg10[%mul3A_2, %dma_wait3A] : memref<10112x128xf32, #tpu.memory_space<vmem_shared>> -> memref<632x128xf32, #tpu.memory_space<vmem_shared>>
      tpu.wait_dma2 semaphore(%run_scoped3A_85 : memref<!tpu.dma_semaphore, #tpu.memory_space<semaphore_mem>>) src(%arg5 : memref<632x128xf32, #tpu.memory_space<hbm>>) dst(%dma_wait3A_88 : memref<632x128xf32, #tpu.memory_space<vmem_shared>>)
      tpu.yield
    }) : () -> ()
    %run_scoped3A = arith.constant 0 : i32
    %run_scoped3A_3 = arith.constant 0 : i32
    "tpu.region"() ({
      %run_scoped3A_85 = tpu.sem_alloc : memref<!tpu.dma_semaphore, #tpu.memory_space<semaphore_mem>>
      %dma_start3A_86 = arith.constant 0 : i32
      %dma_start3A_87 = arith.constant 0 : i32
      %dma_start3A_88 = tpu.memref_slice %arg7[%run_scoped3A_3, %dma_start3A_86, %dma_start3A_87] : memref<2x4x56xi32, #tpu.memory_space<vmem>> -> memref<1x4x56xi32, #tpu.memory_space<vmem>>
      %dma_start3A_89 = tpu.memref_squeeze %dma_start3A_88 : memref<1x4x56xi32, #tpu.memory_space<vmem>> -> memref<4x56xi32, #tpu.memory_space<vmem>>
      %dma_start3A_90 = arith.constant 0 : i32
      %dma_start3A_91 = arith.constant 0 : i32
      %dma_start3A_92 = tpu.memref_slice %arg3[%add3A, %run_scoped3A, %dma_start3A_90, %dma_start3A_91] : memref<32x45x4x56xi32, #tpu.memory_space<hbm>> -> memref<1x1x4x56xi32, #tpu.memory_space<hbm>>
      %dma_start3A_93 = tpu.memref_squeeze %dma_start3A_92 : memref<1x1x4x56xi32, #tpu.memory_space<hbm>> -> memref<4x56xi32, #tpu.memory_space<hbm>>
      %dma_start3A_94 = arith.constant 0 : i32
      %dma_start3A_95 = arith.constant 0 : i32
      %dma_start3A_96 = tpu.memref_slice %arg7[%run_scoped3A_3, %dma_start3A_94, %dma_start3A_95] : memref<2x4x56xi32, #tpu.memory_space<vmem>> -> memref<1x4x56xi32, #tpu.memory_space<vmem>>
      %dma_start3A_97 = tpu.memref_squeeze %dma_start3A_96 : memref<1x4x56xi32, #tpu.memory_space<vmem>> -> memref<4x56xi32, #tpu.memory_space<vmem>>
      %dma_start3A_98 = arith.constant 0 : i32
      %dma_start3A_99 = arith.constant 0 : i32
      %dma_start3A_100 = tpu.memref_slice %arg3[%add3A, %run_scoped3A, %dma_start3A_98, %dma_start3A_99] : memref<32x45x4x56xi32, #tpu.memory_space<hbm>> -> memref<1x1x4x56xi32, #tpu.memory_space<hbm>>
      %dma_start3A_101 = tpu.memref_squeeze %dma_start3A_100 : memref<1x1x4x56xi32, #tpu.memory_space<hbm>> -> memref<4x56xi32, #tpu.memory_space<hbm>>
      tpu.enqueue_dma source(%dma_start3A_101 : memref<4x56xi32, #tpu.memory_space<hbm>>) target(%dma_start3A_97 : memref<4x56xi32, #tpu.memory_space<vmem>>) target_semaphore(%run_scoped3A_85 : memref<!tpu.dma_semaphore, #tpu.memory_space<semaphore_mem>>)
      %dma_wait3A = arith.constant 0 : i32
      %dma_wait3A_102 = arith.constant 0 : i32
      %dma_wait3A_103 = tpu.memref_slice %arg7[%run_scoped3A_3, %dma_wait3A, %dma_wait3A_102] : memref<2x4x56xi32, #tpu.memory_space<vmem>> -> memref<1x4x56xi32, #tpu.memory_space<vmem>>
      %dma_wait3A_104 = tpu.memref_squeeze %dma_wait3A_103 : memref<1x4x56xi32, #tpu.memory_space<vmem>> -> memref<4x56xi32, #tpu.memory_space<vmem>>
      %dma_wait3A_105 = arith.constant 0 : i32
      %dma_wait3A_106 = arith.constant 0 : i32
      %dma_wait3A_107 = tpu.memref_slice %arg3[%add3A, %run_scoped3A, %dma_wait3A_105, %dma_wait3A_106] : memref<32x45x4x56xi32, #tpu.memory_space<hbm>> -> memref<1x1x4x56xi32, #tpu.memory_space<hbm>>
      %dma_wait3A_108 = tpu.memref_squeeze %dma_wait3A_107 : memref<1x1x4x56xi32, #tpu.memory_space<hbm>> -> memref<4x56xi32, #tpu.memory_space<hbm>>
      %dma_wait3A_109 = arith.constant 0 : i32
      %dma_wait3A_110 = arith.constant 0 : i32
      %dma_wait3A_111 = tpu.memref_slice %arg7[%run_scoped3A_3, %dma_wait3A_109, %dma_wait3A_110] : memref<2x4x56xi32, #tpu.memory_space<vmem>> -> memref<1x4x56xi32, #tpu.memory_space<vmem>>
      %dma_wait3A_112 = tpu.memref_squeeze %dma_wait3A_111 : memref<1x4x56xi32, #tpu.memory_space<vmem>> -> memref<4x56xi32, #tpu.memory_space<vmem>>
      %dma_wait3A_113 = arith.constant 0 : i32
      %dma_wait3A_114 = arith.constant 0 : i32
      %dma_wait3A_115 = tpu.memref_slice %arg3[%add3A, %run_scoped3A, %dma_wait3A_113, %dma_wait3A_114] : memref<32x45x4x56xi32, #tpu.memory_space<hbm>> -> memref<1x1x4x56xi32, #tpu.memory_space<hbm>>
      %dma_wait3A_116 = tpu.memref_squeeze %dma_wait3A_115 : memref<1x1x4x56xi32, #tpu.memory_space<hbm>> -> memref<4x56xi32, #tpu.memory_space<hbm>>
      tpu.wait_dma2 semaphore(%run_scoped3A_85 : memref<!tpu.dma_semaphore, #tpu.memory_space<semaphore_mem>>) src(%dma_wait3A_116 : memref<4x56xi32, #tpu.memory_space<hbm>>) dst(%dma_wait3A_112 : memref<4x56xi32, #tpu.memory_space<vmem>>)
      tpu.yield
    }) : () -> ()
    %run_scoped3A_4 = arith.constant 0 : i32
    %run_scoped3A_5 = arith.constant 0 : i32
    "tpu.region"() ({
      %run_scoped3A_85 = tpu.sem_alloc : memref<!tpu.dma_semaphore, #tpu.memory_space<semaphore_mem>>
      %dma_start3A_86 = arith.constant 0 : i32
      %dma_start3A_87 = arith.constant 0 : i32
      %dma_start3A_88 = tpu.memref_slice %arg8[%run_scoped3A_5, %dma_start3A_86, %dma_start3A_87] : memref<2x4x56xi32, #tpu.memory_space<vmem>> -> memref<1x4x56xi32, #tpu.memory_space<vmem>>
      %dma_start3A_89 = tpu.memref_squeeze %dma_start3A_88 : memref<1x4x56xi32, #tpu.memory_space<vmem>> -> memref<4x56xi32, #tpu.memory_space<vmem>>
      %dma_start3A_90 = arith.constant 0 : i32
      %dma_start3A_91 = arith.constant 0 : i32
      %dma_start3A_92 = tpu.memref_slice %arg4[%add3A, %run_scoped3A_4, %dma_start3A_90, %dma_start3A_91] : memref<32x45x4x56xi32, #tpu.memory_space<hbm>> -> memref<1x1x4x56xi32, #tpu.memory_space<hbm>>
      %dma_start3A_93 = tpu.memref_squeeze %dma_start3A_92 : memref<1x1x4x56xi32, #tpu.memory_space<hbm>> -> memref<4x56xi32, #tpu.memory_space<hbm>>
      %dma_start3A_94 = arith.constant 0 : i32
      %dma_start3A_95 = arith.constant 0 : i32
      %dma_start3A_96 = tpu.memref_slice %arg8[%run_scoped3A_5, %dma_start3A_94, %dma_start3A_95] : memref<2x4x56xi32, #tpu.memory_space<vmem>> -> memref<1x4x56xi32, #tpu.memory_space<vmem>>
      %dma_start3A_97 = tpu.memref_squeeze %dma_start3A_96 : memref<1x4x56xi32, #tpu.memory_space<vmem>> -> memref<4x56xi32, #tpu.memory_space<vmem>>
      %dma_start3A_98 = arith.constant 0 : i32
      %dma_start3A_99 = arith.constant 0 : i32
      %dma_start3A_100 = tpu.memref_slice %arg4[%add3A, %run_scoped3A_4, %dma_start3A_98, %dma_start3A_99] : memref<32x45x4x56xi32, #tpu.memory_space<hbm>> -> memref<1x1x4x56xi32, #tpu.memory_space<hbm>>
      %dma_start3A_101 = tpu.memref_squeeze %dma_start3A_100 : memref<1x1x4x56xi32, #tpu.memory_space<hbm>> -> memref<4x56xi32, #tpu.memory_space<hbm>>
      tpu.enqueue_dma source(%dma_start3A_101 : memref<4x56xi32, #tpu.memory_space<hbm>>) target(%dma_start3A_97 : memref<4x56xi32, #tpu.memory_space<vmem>>) target_semaphore(%run_scoped3A_85 : memref<!tpu.dma_semaphore, #tpu.memory_space<semaphore_mem>>)
      %dma_wait3A = arith.constant 0 : i32
      %dma_wait3A_102 = arith.constant 0 : i32
      %dma_wait3A_103 = tpu.memref_slice %arg8[%run_scoped3A_5, %dma_wait3A, %dma_wait3A_102] : memref<2x4x56xi32, #tpu.memory_space<vmem>> -> memref<1x4x56xi32, #tpu.memory_space<vmem>>
      %dma_wait3A_104 = tpu.memref_squeeze %dma_wait3A_103 : memref<1x4x56xi32, #tpu.memory_space<vmem>> -> memref<4x56xi32, #tpu.memory_space<vmem>>
      %dma_wait3A_105 = arith.constant 0 : i32
      %dma_wait3A_106 = arith.constant 0 : i32
      %dma_wait3A_107 = tpu.memref_slice %arg4[%add3A, %run_scoped3A_4, %dma_wait3A_105, %dma_wait3A_106] : memref<32x45x4x56xi32, #tpu.memory_space<hbm>> -> memref<1x1x4x56xi32, #tpu.memory_space<hbm>>
      %dma_wait3A_108 = tpu.memref_squeeze %dma_wait3A_107 : memref<1x1x4x56xi32, #tpu.memory_space<hbm>> -> memref<4x56xi32, #tpu.memory_space<hbm>>
      %dma_wait3A_109 = arith.constant 0 : i32
      %dma_wait3A_110 = arith.constant 0 : i32
      %dma_wait3A_111 = tpu.memref_slice %arg8[%run_scoped3A_5, %dma_wait3A_109, %dma_wait3A_110] : memref<2x4x56xi32, #tpu.memory_space<vmem>> -> memref<1x4x56xi32, #tpu.memory_space<vmem>>
      %dma_wait3A_112 = tpu.memref_squeeze %dma_wait3A_111 : memref<1x4x56xi32, #tpu.memory_space<vmem>> -> memref<4x56xi32, #tpu.memory_space<vmem>>
      %dma_wait3A_113 = arith.constant 0 : i32
      %dma_wait3A_114 = arith.constant 0 : i32
      %dma_wait3A_115 = tpu.memref_slice %arg4[%add3A, %run_scoped3A_4, %dma_wait3A_113, %dma_wait3A_114] : memref<32x45x4x56xi32, #tpu.memory_space<hbm>> -> memref<1x1x4x56xi32, #tpu.memory_space<hbm>>
      %dma_wait3A_116 = tpu.memref_squeeze %dma_wait3A_115 : memref<1x1x4x56xi32, #tpu.memory_space<hbm>> -> memref<4x56xi32, #tpu.memory_space<hbm>>
      tpu.wait_dma2 semaphore(%run_scoped3A_85 : memref<!tpu.dma_semaphore, #tpu.memory_space<semaphore_mem>>) src(%dma_wait3A_116 : memref<4x56xi32, #tpu.memory_space<hbm>>) dst(%dma_wait3A_112 : memref<4x56xi32, #tpu.memory_space<vmem>>)
      tpu.yield
    }) : () -> ()
    %dma_start3A = arith.constant 1 : i32
    %dma_start3A_6 = arith.constant 1 : i32
    %dma_start3A_7 = arith.constant 0 : i32
    %dma_start3A_8 = arith.constant 0 : i32
    %dma_start3A_9 = tpu.memref_slice %arg7[%dma_start3A_6, %dma_start3A_7, %dma_start3A_8] : memref<2x4x56xi32, #tpu.memory_space<vmem>> -> memref<1x4x56xi32, #tpu.memory_space<vmem>>
    %dma_start3A_10 = tpu.memref_squeeze %dma_start3A_9 : memref<1x4x56xi32, #tpu.memory_space<vmem>> -> memref<4x56xi32, #tpu.memory_space<vmem>>
    %dma_start3A_11 = arith.constant 0 : i32
    %dma_start3A_12 = arith.constant 0 : i32
    %dma_start3A_13 = tpu.memref_slice %arg3[%add3A, %dma_start3A, %dma_start3A_11, %dma_start3A_12] : memref<32x45x4x56xi32, #tpu.memory_space<hbm>> -> memref<1x1x4x56xi32, #tpu.memory_space<hbm>>
    %dma_start3A_14 = tpu.memref_squeeze %dma_start3A_13 : memref<1x1x4x56xi32, #tpu.memory_space<hbm>> -> memref<4x56xi32, #tpu.memory_space<hbm>>
    %dma_start3A_15 = arith.constant 0 : i32
    %dma_start3A_16 = arith.constant 0 : i32
    %dma_start3A_17 = tpu.memref_slice %arg7[%dma_start3A_6, %dma_start3A_15, %dma_start3A_16] : memref<2x4x56xi32, #tpu.memory_space<vmem>> -> memref<1x4x56xi32, #tpu.memory_space<vmem>>
    %dma_start3A_18 = tpu.memref_squeeze %dma_start3A_17 : memref<1x4x56xi32, #tpu.memory_space<vmem>> -> memref<4x56xi32, #tpu.memory_space<vmem>>
    %dma_start3A_19 = arith.constant 0 : i32
    %dma_start3A_20 = arith.constant 0 : i32
    %dma_start3A_21 = tpu.memref_slice %arg3[%add3A, %dma_start3A, %dma_start3A_19, %dma_start3A_20] : memref<32x45x4x56xi32, #tpu.memory_space<hbm>> -> memref<1x1x4x56xi32, #tpu.memory_space<hbm>>
    %dma_start3A_22 = tpu.memref_squeeze %dma_start3A_21 : memref<1x1x4x56xi32, #tpu.memory_space<hbm>> -> memref<4x56xi32, #tpu.memory_space<hbm>>
    tpu.enqueue_dma source(%dma_start3A_22 : memref<4x56xi32, #tpu.memory_space<hbm>>) target(%dma_start3A_18 : memref<4x56xi32, #tpu.memory_space<vmem>>) target_semaphore(%arg15 : memref<!tpu.dma_semaphore, #tpu.memory_space<semaphore_mem>>)
    %dma_start3A_23 = arith.constant 1 : i32
    %dma_start3A_24 = arith.constant 1 : i32
    %dma_start3A_25 = arith.constant 0 : i32
    %dma_start3A_26 = arith.constant 0 : i32
    %dma_start3A_27 = tpu.memref_slice %arg8[%dma_start3A_24, %dma_start3A_25, %dma_start3A_26] : memref<2x4x56xi32, #tpu.memory_space<vmem>> -> memref<1x4x56xi32, #tpu.memory_space<vmem>>
    %dma_start3A_28 = tpu.memref_squeeze %dma_start3A_27 : memref<1x4x56xi32, #tpu.memory_space<vmem>> -> memref<4x56xi32, #tpu.memory_space<vmem>>
    %dma_start3A_29 = arith.constant 0 : i32
    %dma_start3A_30 = arith.constant 0 : i32
    %dma_start3A_31 = tpu.memref_slice %arg4[%add3A, %dma_start3A_23, %dma_start3A_29, %dma_start3A_30] : memref<32x45x4x56xi32, #tpu.memory_space<hbm>> -> memref<1x1x4x56xi32, #tpu.memory_space<hbm>>
    %dma_start3A_32 = tpu.memref_squeeze %dma_start3A_31 : memref<1x1x4x56xi32, #tpu.memory_space<hbm>> -> memref<4x56xi32, #tpu.memory_space<hbm>>
    %dma_start3A_33 = arith.constant 0 : i32
    %dma_start3A_34 = arith.constant 0 : i32
    %dma_start3A_35 = tpu.memref_slice %arg8[%dma_start3A_24, %dma_start3A_33, %dma_start3A_34] : memref<2x4x56xi32, #tpu.memory_space<vmem>> -> memref<1x4x56xi32, #tpu.memory_space<vmem>>
    %dma_start3A_36 = tpu.memref_squeeze %dma_start3A_35 : memref<1x4x56xi32, #tpu.memory_space<vmem>> -> memref<4x56xi32, #tpu.memory_space<vmem>>
    %dma_start3A_37 = arith.constant 0 : i32
    %dma_start3A_38 = arith.constant 0 : i32
    %dma_start3A_39 = tpu.memref_slice %arg4[%add3A, %dma_start3A_23, %dma_start3A_37, %dma_start3A_38] : memref<32x45x4x56xi32, #tpu.memory_space<hbm>> -> memref<1x1x4x56xi32, #tpu.memory_space<hbm>>
    %dma_start3A_40 = tpu.memref_squeeze %dma_start3A_39 : memref<1x1x4x56xi32, #tpu.memory_space<hbm>> -> memref<4x56xi32, #tpu.memory_space<hbm>>
    tpu.enqueue_dma source(%dma_start3A_40 : memref<4x56xi32, #tpu.memory_space<hbm>>) target(%dma_start3A_36 : memref<4x56xi32, #tpu.memory_space<vmem>>) target_semaphore(%arg15 : memref<!tpu.dma_semaphore, #tpu.memory_space<semaphore_mem>>)
    %dma_start3A_41 = arith.constant 0 : i32
    %dma_start3A_42 = arith.constant 0 : i32
    %dma_start3A_43 = arith.constant 0 : i32
    %dma_start3A_44 = arith.constant 0 : i32
    %dma_start3A_45 = arith.constant 0 : i32
    %dma_start3A_46 = tpu.memref_slice %arg9[%dma_start3A_43, %dma_start3A_44, %dma_start3A_45] : memref<4x56x128xf32, #tpu.memory_space<vmem>> -> memref<1x56x128xf32, #tpu.memory_space<vmem>>
    %dma_start3A_47 = tpu.memref_squeeze %dma_start3A_46 : memref<1x56x128xf32, #tpu.memory_space<vmem>> -> memref<56x128xf32, #tpu.memory_space<vmem>>
    %dma_start3A_48 = arith.constant 0 : i32
    %dma_start3A_49 = tpu.memref_slice %arg7[%dma_start3A_41, %dma_start3A_42, %dma_start3A_48] : memref<2x4x56xi32, #tpu.memory_space<vmem>> -> memref<1x1x56xi32, #tpu.memory_space<vmem>>
    %dma_start3A_50 = tpu.memref_squeeze %dma_start3A_49 : memref<1x1x56xi32, #tpu.memory_space<vmem>> -> memref<56xi32, #tpu.memory_space<vmem>>
    %dma_start3A_51 = arith.constant 0 : i32
    %dma_start3A_52 = arith.constant 0 : i32
    %dma_start3A_53 = tpu.memref_slice %arg2[%dma_start3A_51, %dma_start3A_52] : memref<10000x128xf32, #tpu.memory_space<hbm>> -> memref<10000x128xf32, #tpu.memory_space<hbm>>
    tpu.enqueue_indirect_dma source(%dma_start3A_53 : memref<10000x128xf32, #tpu.memory_space<hbm>>) target(%dma_start3A_47 : memref<56x128xf32, #tpu.memory_space<vmem>>) offsets(%dma_start3A_50 : memref<56xi32, #tpu.memory_space<vmem>>) semaphore(%arg11 : memref<!tpu.dma_semaphore, #tpu.memory_space<semaphore_mem>>)
    %dma_start3A_54 = arith.constant 0 : i32
    %dma_start3A_55 = arith.constant 1 : i32
    %dma_start3A_56 = arith.constant 1 : i32
    %dma_start3A_57 = arith.constant 0 : i32
    %dma_start3A_58 = arith.constant 0 : i32
    %dma_start3A_59 = tpu.memref_slice %arg9[%dma_start3A_56, %dma_start3A_57, %dma_start3A_58] : memref<4x56x128xf32, #tpu.memory_space<vmem>> -> memref<1x56x128xf32, #tpu.memory_space<vmem>>
    %dma_start3A_60 = tpu.memref_squeeze %dma_start3A_59 : memref<1x56x128xf32, #tpu.memory_space<vmem>> -> memref<56x128xf32, #tpu.memory_space<vmem>>
    %dma_start3A_61 = arith.constant 0 : i32
    %dma_start3A_62 = tpu.memref_slice %arg7[%dma_start3A_54, %dma_start3A_55, %dma_start3A_61] : memref<2x4x56xi32, #tpu.memory_space<vmem>> -> memref<1x1x56xi32, #tpu.memory_space<vmem>>
    %dma_start3A_63 = tpu.memref_squeeze %dma_start3A_62 : memref<1x1x56xi32, #tpu.memory_space<vmem>> -> memref<56xi32, #tpu.memory_space<vmem>>
    %dma_start3A_64 = arith.constant 0 : i32
    %dma_start3A_65 = arith.constant 0 : i32
    %dma_start3A_66 = tpu.memref_slice %arg2[%dma_start3A_64, %dma_start3A_65] : memref<10000x128xf32, #tpu.memory_space<hbm>> -> memref<10000x128xf32, #tpu.memory_space<hbm>>
    tpu.enqueue_indirect_dma source(%dma_start3A_66 : memref<10000x128xf32, #tpu.memory_space<hbm>>) target(%dma_start3A_60 : memref<56x128xf32, #tpu.memory_space<vmem>>) offsets(%dma_start3A_63 : memref<56xi32, #tpu.memory_space<vmem>>) semaphore(%arg12 : memref<!tpu.dma_semaphore, #tpu.memory_space<semaphore_mem>>)
    %dma_start3A_67 = arith.constant 0 : i32
    %dma_start3A_68 = arith.constant 2 : i32
    %dma_start3A_69 = arith.constant 2 : i32
    %dma_start3A_70 = arith.constant 0 : i32
    %dma_start3A_71 = arith.constant 0 : i32
    %dma_start3A_72 = tpu.memref_slice %arg9[%dma_start3A_69, %dma_start3A_70, %dma_start3A_71] : memref<4x56x128xf32, #tpu.memory_space<vmem>> -> memref<1x56x128xf32, #tpu.memory_space<vmem>>
    %dma_start3A_73 = tpu.memref_squeeze %dma_start3A_72 : memref<1x56x128xf32, #tpu.memory_space<vmem>> -> memref<56x128xf32, #tpu.memory_space<vmem>>
    %dma_start3A_74 = arith.constant 0 : i32
    %dma_start3A_75 = tpu.memref_slice %arg7[%dma_start3A_67, %dma_start3A_68, %dma_start3A_74] : memref<2x4x56xi32, #tpu.memory_space<vmem>> -> memref<1x1x56xi32, #tpu.memory_space<vmem>>
    %dma_start3A_76 = tpu.memref_squeeze %dma_start3A_75 : memref<1x1x56xi32, #tpu.memory_space<vmem>> -> memref<56xi32, #tpu.memory_space<vmem>>
    %dma_start3A_77 = arith.constant 0 : i32
    %dma_start3A_78 = arith.constant 0 : i32
    %dma_start3A_79 = tpu.memref_slice %arg2[%dma_start3A_77, %dma_start3A_78] : memref<10000x128xf32, #tpu.memory_space<hbm>> -> memref<10000x128xf32, #tpu.memory_space<hbm>>
    tpu.enqueue_indirect_dma source(%dma_start3A_79 : memref<10000x128xf32, #tpu.memory_space<hbm>>) target(%dma_start3A_73 : memref<56x128xf32, #tpu.memory_space<vmem>>) offsets(%dma_start3A_76 : memref<56xi32, #tpu.memory_space<vmem>>) semaphore(%arg13 : memref<!tpu.dma_semaphore, #tpu.memory_space<semaphore_mem>>)
    %barrier3A = arith.constant 0 : index
    tpu.barrier barrier_id(%barrier3A)
    %scan3A = arith.constant 0 : i32
    %scan3A_80 = arith.constant 45 : i32
    %scan3A_81 = arith.addi %scan3A, %scan3A_80 : i32
    %scan3A_82 = arith.constant 1 : i32
    scf.for %scan3A_85 = %scan3A to %scan3A_81 step %scan3A_82  : i32 {
      %mul3A_86 = arith.constant 1 : i32
      %mul3A_87 = arith.muli %scan3A_85, %mul3A_86 : i32
      %add3A_88 = arith.constant 0 : i32
      %add3A_89 = arith.addi %add3A_88, %mul3A_87 : i32
      %jit3A = arith.constant 2 : i32
      %eq3A = arith.constant 0 : i32
      %eq3A_90 = arith.cmpi eq, %jit3A, %eq3A : i32
      %jit3A_91 = arith.constant 1 : i32
      %select_n3A = arith.select %eq3A_90, %jit3A_91, %jit3A : i32
      %rem3A = arith.remsi %add3A_89, %select_n3A : i32
      %ne3A = arith.constant 0 : i32
      %ne3A_92 = arith.cmpi ne, %rem3A, %ne3A : i32
      %lt3A = arith.constant 0 : i32
      %lt3A_93 = arith.cmpi slt, %rem3A, %lt3A : i32
      %lt3A_94 = arith.constant 0 : i32
      %lt3A_95 = arith.cmpi slt, %select_n3A, %lt3A_94 : i32
      %ne3A_96 = arith.xori %lt3A_93, %lt3A_95 : i1
      %and3A = arith.andi %ne3A_96, %ne3A_92 : i1
      %add3A_97 = arith.addi %rem3A, %select_n3A : i32
      %select_n3A_98 = arith.select %and3A, %add3A_97, %rem3A : i32
      %dma_wait3A = arith.constant 0 : i32
      %dma_wait3A_99 = arith.constant 0 : i32
      %dma_wait3A_100 = arith.constant 0 : i32
      %dma_wait3A_101 = arith.constant 0 : i32
      %dma_wait3A_102 = tpu.memref_slice %arg9[%dma_wait3A_99, %dma_wait3A_100, %dma_wait3A_101] : memref<4x56x128xf32, #tpu.memory_space<vmem>> -> memref<1x56x128xf32, #tpu.memory_space<vmem>>
      %dma_wait3A_103 = tpu.memref_squeeze %dma_wait3A_102 : memref<1x56x128xf32, #tpu.memory_space<vmem>> -> memref<56x128xf32, #tpu.memory_space<vmem>>
      %dma_wait3A_104 = arith.constant 0 : i32
      %dma_wait3A_105 = tpu.memref_slice %arg7[%select_n3A_98, %dma_wait3A, %dma_wait3A_104] : memref<2x4x56xi32, #tpu.memory_space<vmem>> -> memref<1x1x56xi32, #tpu.memory_space<vmem>>
      %dma_wait3A_106 = tpu.memref_squeeze %dma_wait3A_105 : memref<1x1x56xi32, #tpu.memory_space<vmem>> -> memref<56xi32, #tpu.memory_space<vmem>>
      %dma_wait3A_107 = arith.constant 0 : i32
      %dma_wait3A_108 = arith.constant 0 : i32
      %dma_wait3A_109 = tpu.memref_slice %arg2[%dma_wait3A_107, %dma_wait3A_108] : memref<10000x128xf32, #tpu.memory_space<hbm>> -> memref<10000x128xf32, #tpu.memory_space<hbm>>
      tpu.wait_indirect_dma semaphore(%arg11 : memref<!tpu.dma_semaphore, #tpu.memory_space<semaphore_mem>>) src(%dma_wait3A_109 : memref<10000x128xf32, #tpu.memory_space<hbm>>) dst(%dma_wait3A_103 : memref<56x128xf32, #tpu.memory_space<vmem>>)
      %dma_start3A_110 = arith.constant 3 : i32
      %dma_start3A_111 = arith.constant 3 : i32
      %dma_start3A_112 = arith.constant 0 : i32
      %dma_start3A_113 = arith.constant 0 : i32
      %dma_start3A_114 = tpu.memref_slice %arg9[%dma_start3A_111, %dma_start3A_112, %dma_start3A_113] : memref<4x56x128xf32, #tpu.memory_space<vmem>> -> memref<1x56x128xf32, #tpu.memory_space<vmem>>
      %dma_start3A_115 = tpu.memref_squeeze %dma_start3A_114 : memref<1x56x128xf32, #tpu.memory_space<vmem>> -> memref<56x128xf32, #tpu.memory_space<vmem>>
      %dma_start3A_116 = arith.constant 0 : i32
      %dma_start3A_117 = tpu.memref_slice %arg7[%select_n3A_98, %dma_start3A_110, %dma_start3A_116] : memref<2x4x56xi32, #tpu.memory_space<vmem>> -> memref<1x1x56xi32, #tpu.memory_space<vmem>>
      %dma_start3A_118 = tpu.memref_squeeze %dma_start3A_117 : memref<1x1x56xi32, #tpu.memory_space<vmem>> -> memref<56xi32, #tpu.memory_space<vmem>>
      %dma_start3A_119 = arith.constant 0 : i32
      %dma_start3A_120 = arith.constant 0 : i32
      %dma_start3A_121 = tpu.memref_slice %arg2[%dma_start3A_119, %dma_start3A_120] : memref<10000x128xf32, #tpu.memory_space<hbm>> -> memref<10000x128xf32, #tpu.memory_space<hbm>>
      tpu.enqueue_indirect_dma source(%dma_start3A_121 : memref<10000x128xf32, #tpu.memory_space<hbm>>) target(%dma_start3A_115 : memref<56x128xf32, #tpu.memory_space<vmem>>) offsets(%dma_start3A_118 : memref<56xi32, #tpu.memory_space<vmem>>) semaphore(%arg14 : memref<!tpu.dma_semaphore, #tpu.memory_space<semaphore_mem>>)
      %run_scoped3A_122 = arith.constant 0 : i32
      %run_scoped3A_123 = arith.constant 0 : i32
      "tpu.region"() ({
        %run_scoped3A_192 = tpu.sem_alloc : memref<!tpu.dma_semaphore, #tpu.memory_space<semaphore_mem>>
        %dma_start3A_193 = arith.constant 0 : i32
        %dma_start3A_194 = arith.constant 0 : i32
        %dma_start3A_195 = tpu.memref_slice %arg9[%run_scoped3A_122, %dma_start3A_193, %dma_start3A_194] : memref<4x56x128xf32, #tpu.memory_space<vmem>> -> memref<1x56x128xf32, #tpu.memory_space<vmem>>
        %dma_start3A_196 = tpu.memref_squeeze %dma_start3A_195 : memref<1x56x128xf32, #tpu.memory_space<vmem>> -> memref<56x128xf32, #tpu.memory_space<vmem>>
        %dma_start3A_197 = arith.constant 0 : i32
        %dma_start3A_198 = tpu.memref_slice %arg8[%select_n3A_98, %run_scoped3A_123, %dma_start3A_197] : memref<2x4x56xi32, #tpu.memory_space<vmem>> -> memref<1x1x56xi32, #tpu.memory_space<vmem>>
        %dma_start3A_199 = tpu.memref_squeeze %dma_start3A_198 : memref<1x1x56xi32, #tpu.memory_space<vmem>> -> memref<56xi32, #tpu.memory_space<vmem>>
        %dma_start3A_200 = arith.constant 0 : i32
        %dma_start3A_201 = arith.constant 0 : i32
        %dma_start3A_202 = tpu.memref_slice %arg10[%dma_start3A_200, %dma_start3A_201] : memref<10112x128xf32, #tpu.memory_space<vmem_shared>> -> memref<10112x128xf32, #tpu.memory_space<vmem_shared>>
        tpu.enqueue_indirect_dma source(%dma_start3A_196 : memref<56x128xf32, #tpu.memory_space<vmem>>) target(%dma_start3A_202 : memref<10112x128xf32, #tpu.memory_space<vmem_shared>>) offsets(%dma_start3A_199 : memref<56xi32, #tpu.memory_space<vmem>>) semaphore(%run_scoped3A_192 : memref<!tpu.dma_semaphore, #tpu.memory_space<semaphore_mem>>) {add = true}
        %dma_wait3A_203 = arith.constant 0 : i32
        %dma_wait3A_204 = arith.constant 0 : i32
        %dma_wait3A_205 = tpu.memref_slice %arg9[%run_scoped3A_122, %dma_wait3A_203, %dma_wait3A_204] : memref<4x56x128xf32, #tpu.memory_space<vmem>> -> memref<1x56x128xf32, #tpu.memory_space<vmem>>
        %dma_wait3A_206 = tpu.memref_squeeze %dma_wait3A_205 : memref<1x56x128xf32, #tpu.memory_space<vmem>> -> memref<56x128xf32, #tpu.memory_space<vmem>>
        %dma_wait3A_207 = arith.constant 0 : i32
        %dma_wait3A_208 = tpu.memref_slice %arg8[%select_n3A_98, %run_scoped3A_123, %dma_wait3A_207] : memref<2x4x56xi32, #tpu.memory_space<vmem>> -> memref<1x1x56xi32, #tpu.memory_space<vmem>>
        %dma_wait3A_209 = tpu.memref_squeeze %dma_wait3A_208 : memref<1x1x56xi32, #tpu.memory_space<vmem>> -> memref<56xi32, #tpu.memory_space<vmem>>
        %dma_wait3A_210 = arith.constant 0 : i32
        %dma_wait3A_211 = arith.constant 0 : i32
        %dma_wait3A_212 = tpu.memref_slice %arg10[%dma_wait3A_210, %dma_wait3A_211] : memref<10112x128xf32, #tpu.memory_space<vmem_shared>> -> memref<10112x128xf32, #tpu.memory_space<vmem_shared>>
        tpu.wait_indirect_dma semaphore(%run_scoped3A_192 : memref<!tpu.dma_semaphore, #tpu.memory_space<semaphore_mem>>) src(%dma_wait3A_206 : memref<56x128xf32, #tpu.memory_space<vmem>>) dst(%dma_wait3A_212 : memref<10112x128xf32, #tpu.memory_space<vmem_shared>>)
        tpu.yield
      }) : () -> ()
      %dma_wait3A_124 = arith.constant 1 : i32
      %dma_wait3A_125 = arith.constant 1 : i32
      %dma_wait3A_126 = arith.constant 0 : i32
      %dma_wait3A_127 = arith.constant 0 : i32
      %dma_wait3A_128 = tpu.memref_slice %arg9[%dma_wait3A_125, %dma_wait3A_126, %dma_wait3A_127] : memref<4x56x128xf32, #tpu.memory_space<vmem>> -> memref<1x56x128xf32, #tpu.memory_space<vmem>>
      %dma_wait3A_129 = tpu.memref_squeeze %dma_wait3A_128 : memref<1x56x128xf32, #tpu.memory_space<vmem>> -> memref<56x128xf32, #tpu.memory_space<vmem>>
      %dma_wait3A_130 = arith.constant 0 : i32
      %dma_wait3A_131 = tpu.memref_slice %arg7[%select_n3A_98, %dma_wait3A_124, %dma_wait3A_130] : memref<2x4x56xi32, #tpu.memory_space<vmem>> -> memref<1x1x56xi32, #tpu.memory_space<vmem>>
      %dma_wait3A_132 = tpu.memref_squeeze %dma_wait3A_131 : memref<1x1x56xi32, #tpu.memory_space<vmem>> -> memref<56xi32, #tpu.memory_space<vmem>>
      %dma_wait3A_133 = arith.constant 0 : i32
      %dma_wait3A_134 = arith.constant 0 : i32
      %dma_wait3A_135 = tpu.memref_slice %arg2[%dma_wait3A_133, %dma_wait3A_134] : memref<10000x128xf32, #tpu.memory_space<hbm>> -> memref<10000x128xf32, #tpu.memory_space<hbm>>
      tpu.wait_indirect_dma semaphore(%arg12 : memref<!tpu.dma_semaphore, #tpu.memory_space<semaphore_mem>>) src(%dma_wait3A_135 : memref<10000x128xf32, #tpu.memory_space<hbm>>) dst(%dma_wait3A_129 : memref<56x128xf32, #tpu.memory_space<vmem>>)
      %add3A_136 = arith.constant 1 : i32
      %add3A_137 = arith.addi %add3A_89, %add3A_136 : i32
      %lt3A_138 = arith.constant 45 : i32
      %lt3A_139 = arith.cmpi slt, %add3A_137, %lt3A_138 : i32
      %convert_element_type3A = arith.extui %lt3A_139 : i1 to i32
      %cond3A = arith.constant 0 : i32
      %cond3A_140 = arith.cmpi ne, %convert_element_type3A, %cond3A : i32
      scf.if %cond3A_140 {
        %add3A_192 = arith.constant 1 : i32
        %add3A_193 = arith.addi %add3A_89, %add3A_192 : i32
        %sub3A = arith.constant 1 : i32
        %sub3A_194 = arith.subi %sub3A, %select_n3A_98 : i32
        %dma_wait3A_195 = arith.constant 0 : i32
        %dma_wait3A_196 = arith.constant 0 : i32
        %dma_wait3A_197 = tpu.memref_slice %arg7[%sub3A_194, %dma_wait3A_195, %dma_wait3A_196] : memref<2x4x56xi32, #tpu.memory_space<vmem>> -> memref<1x4x56xi32, #tpu.memory_space<vmem>>
        %dma_wait3A_198 = tpu.memref_squeeze %dma_wait3A_197 : memref<1x4x56xi32, #tpu.memory_space<vmem>> -> memref<4x56xi32, #tpu.memory_space<vmem>>
        %dma_wait3A_199 = arith.constant 0 : i32
        %dma_wait3A_200 = arith.constant 0 : i32
        %dma_wait3A_201 = tpu.memref_slice %arg3[%add3A, %add3A_193, %dma_wait3A_199, %dma_wait3A_200] : memref<32x45x4x56xi32, #tpu.memory_space<hbm>> -> memref<1x1x4x56xi32, #tpu.memory_space<hbm>>
        %dma_wait3A_202 = tpu.memref_squeeze %dma_wait3A_201 : memref<1x1x4x56xi32, #tpu.memory_space<hbm>> -> memref<4x56xi32, #tpu.memory_space<hbm>>
        %dma_wait3A_203 = arith.constant 0 : i32
        %dma_wait3A_204 = arith.constant 0 : i32
        %dma_wait3A_205 = tpu.memref_slice %arg7[%sub3A_194, %dma_wait3A_203, %dma_wait3A_204] : memref<2x4x56xi32, #tpu.memory_space<vmem>> -> memref<1x4x56xi32, #tpu.memory_space<vmem>>
        %dma_wait3A_206 = tpu.memref_squeeze %dma_wait3A_205 : memref<1x4x56xi32, #tpu.memory_space<vmem>> -> memref<4x56xi32, #tpu.memory_space<vmem>>
        %dma_wait3A_207 = arith.constant 0 : i32
        %dma_wait3A_208 = arith.constant 0 : i32
        %dma_wait3A_209 = tpu.memref_slice %arg3[%add3A, %add3A_193, %dma_wait3A_207, %dma_wait3A_208] : memref<32x45x4x56xi32, #tpu.memory_space<hbm>> -> memref<1x1x4x56xi32, #tpu.memory_space<hbm>>
        %dma_wait3A_210 = tpu.memref_squeeze %dma_wait3A_209 : memref<1x1x4x56xi32, #tpu.memory_space<hbm>> -> memref<4x56xi32, #tpu.memory_space<hbm>>
        tpu.wait_dma2 semaphore(%arg15 : memref<!tpu.dma_semaphore, #tpu.memory_space<semaphore_mem>>) src(%dma_wait3A_210 : memref<4x56xi32, #tpu.memory_space<hbm>>) dst(%dma_wait3A_206 : memref<4x56xi32, #tpu.memory_space<vmem>>)
        %add3A_211 = arith.constant 1 : i32
        %add3A_212 = arith.addi %add3A_89, %add3A_211 : i32
        %sub3A_213 = arith.constant 1 : i32
        %sub3A_214 = arith.subi %sub3A_213, %select_n3A_98 : i32
        %dma_wait3A_215 = arith.constant 0 : i32
        %dma_wait3A_216 = arith.constant 0 : i32
        %dma_wait3A_217 = tpu.memref_slice %arg8[%sub3A_214, %dma_wait3A_215, %dma_wait3A_216] : memref<2x4x56xi32, #tpu.memory_space<vmem>> -> memref<1x4x56xi32, #tpu.memory_space<vmem>>
        %dma_wait3A_218 = tpu.memref_squeeze %dma_wait3A_217 : memref<1x4x56xi32, #tpu.memory_space<vmem>> -> memref<4x56xi32, #tpu.memory_space<vmem>>
        %dma_wait3A_219 = arith.constant 0 : i32
        %dma_wait3A_220 = arith.constant 0 : i32
        %dma_wait3A_221 = tpu.memref_slice %arg4[%add3A, %add3A_212, %dma_wait3A_219, %dma_wait3A_220] : memref<32x45x4x56xi32, #tpu.memory_space<hbm>> -> memref<1x1x4x56xi32, #tpu.memory_space<hbm>>
        %dma_wait3A_222 = tpu.memref_squeeze %dma_wait3A_221 : memref<1x1x4x56xi32, #tpu.memory_space<hbm>> -> memref<4x56xi32, #tpu.memory_space<hbm>>
        %dma_wait3A_223 = arith.constant 0 : i32
        %dma_wait3A_224 = arith.constant 0 : i32
        %dma_wait3A_225 = tpu.memref_slice %arg8[%sub3A_214, %dma_wait3A_223, %dma_wait3A_224] : memref<2x4x56xi32, #tpu.memory_space<vmem>> -> memref<1x4x56xi32, #tpu.memory_space<vmem>>
        %dma_wait3A_226 = tpu.memref_squeeze %dma_wait3A_225 : memref<1x4x56xi32, #tpu.memory_space<vmem>> -> memref<4x56xi32, #tpu.memory_space<vmem>>
        %dma_wait3A_227 = arith.constant 0 : i32
        %dma_wait3A_228 = arith.constant 0 : i32
        %dma_wait3A_229 = tpu.memref_slice %arg4[%add3A, %add3A_212, %dma_wait3A_227, %dma_wait3A_228] : memref<32x45x4x56xi32, #tpu.memory_space<hbm>> -> memref<1x1x4x56xi32, #tpu.memory_space<hbm>>
        %dma_wait3A_230 = tpu.memref_squeeze %dma_wait3A_229 : memref<1x1x4x56xi32, #tpu.memory_space<hbm>> -> memref<4x56xi32, #tpu.memory_space<hbm>>
        tpu.wait_dma2 semaphore(%arg15 : memref<!tpu.dma_semaphore, #tpu.memory_space<semaphore_mem>>) src(%dma_wait3A_230 : memref<4x56xi32, #tpu.memory_space<hbm>>) dst(%dma_wait3A_226 : memref<4x56xi32, #tpu.memory_space<vmem>>)
        %sub3A_231 = arith.constant 1 : i32
        %sub3A_232 = arith.subi %sub3A_231, %select_n3A_98 : i32
        %dma_start3A_233 = arith.constant 0 : i32
        %dma_start3A_234 = arith.constant 0 : i32
        %dma_start3A_235 = arith.constant 0 : i32
        %dma_start3A_236 = arith.constant 0 : i32
        %dma_start3A_237 = tpu.memref_slice %arg9[%dma_start3A_234, %dma_start3A_235, %dma_start3A_236] : memref<4x56x128xf32, #tpu.memory_space<vmem>> -> memref<1x56x128xf32, #tpu.memory_space<vmem>>
        %dma_start3A_238 = tpu.memref_squeeze %dma_start3A_237 : memref<1x56x128xf32, #tpu.memory_space<vmem>> -> memref<56x128xf32, #tpu.memory_space<vmem>>
        %dma_start3A_239 = arith.constant 0 : i32
        %dma_start3A_240 = tpu.memref_slice %arg7[%sub3A_232, %dma_start3A_233, %dma_start3A_239] : memref<2x4x56xi32, #tpu.memory_space<vmem>> -> memref<1x1x56xi32, #tpu.memory_space<vmem>>
        %dma_start3A_241 = tpu.memref_squeeze %dma_start3A_240 : memref<1x1x56xi32, #tpu.memory_space<vmem>> -> memref<56xi32, #tpu.memory_space<vmem>>
        %dma_start3A_242 = arith.constant 0 : i32
        %dma_start3A_243 = arith.constant 0 : i32
        %dma_start3A_244 = tpu.memref_slice %arg2[%dma_start3A_242, %dma_start3A_243] : memref<10000x128xf32, #tpu.memory_space<hbm>> -> memref<10000x128xf32, #tpu.memory_space<hbm>>
        tpu.enqueue_indirect_dma source(%dma_start3A_244 : memref<10000x128xf32, #tpu.memory_space<hbm>>) target(%dma_start3A_238 : memref<56x128xf32, #tpu.memory_space<vmem>>) offsets(%dma_start3A_241 : memref<56xi32, #tpu.memory_space<vmem>>) semaphore(%arg11 : memref<!tpu.dma_semaphore, #tpu.memory_space<semaphore_mem>>)
      } else {
      }
      %run_scoped3A_141 = arith.constant 1 : i32
      %run_scoped3A_142 = arith.constant 1 : i32
      "tpu.region"() ({
        %run_scoped3A_192 = tpu.sem_alloc : memref<!tpu.dma_semaphore, #tpu.memory_space<semaphore_mem>>
        %dma_start3A_193 = arith.constant 0 : i32
        %dma_start3A_194 = arith.constant 0 : i32
        %dma_start3A_195 = tpu.memref_slice %arg9[%run_scoped3A_141, %dma_start3A_193, %dma_start3A_194] : memref<4x56x128xf32, #tpu.memory_space<vmem>> -> memref<1x56x128xf32, #tpu.memory_space<vmem>>
        %dma_start3A_196 = tpu.memref_squeeze %dma_start3A_195 : memref<1x56x128xf32, #tpu.memory_space<vmem>> -> memref<56x128xf32, #tpu.memory_space<vmem>>
        %dma_start3A_197 = arith.constant 0 : i32
        %dma_start3A_198 = tpu.memref_slice %arg8[%select_n3A_98, %run_scoped3A_142, %dma_start3A_197] : memref<2x4x56xi32, #tpu.memory_space<vmem>> -> memref<1x1x56xi32, #tpu.memory_space<vmem>>
        %dma_start3A_199 = tpu.memref_squeeze %dma_start3A_198 : memref<1x1x56xi32, #tpu.memory_space<vmem>> -> memref<56xi32, #tpu.memory_space<vmem>>
        %dma_start3A_200 = arith.constant 0 : i32
        %dma_start3A_201 = arith.constant 0 : i32
        %dma_start3A_202 = tpu.memref_slice %arg10[%dma_start3A_200, %dma_start3A_201] : memref<10112x128xf32, #tpu.memory_space<vmem_shared>> -> memref<10112x128xf32, #tpu.memory_space<vmem_shared>>
        tpu.enqueue_indirect_dma source(%dma_start3A_196 : memref<56x128xf32, #tpu.memory_space<vmem>>) target(%dma_start3A_202 : memref<10112x128xf32, #tpu.memory_space<vmem_shared>>) offsets(%dma_start3A_199 : memref<56xi32, #tpu.memory_space<vmem>>) semaphore(%run_scoped3A_192 : memref<!tpu.dma_semaphore, #tpu.memory_space<semaphore_mem>>) {add = true}
        %dma_wait3A_203 = arith.constant 0 : i32
        %dma_wait3A_204 = arith.constant 0 : i32
        %dma_wait3A_205 = tpu.memref_slice %arg9[%run_scoped3A_141, %dma_wait3A_203, %dma_wait3A_204] : memref<4x56x128xf32, #tpu.memory_space<vmem>> -> memref<1x56x128xf32, #tpu.memory_space<vmem>>
        %dma_wait3A_206 = tpu.memref_squeeze %dma_wait3A_205 : memref<1x56x128xf32, #tpu.memory_space<vmem>> -> memref<56x128xf32, #tpu.memory_space<vmem>>
        %dma_wait3A_207 = arith.constant 0 : i32
        %dma_wait3A_208 = tpu.memref_slice %arg8[%select_n3A_98, %run_scoped3A_142, %dma_wait3A_207] : memref<2x4x56xi32, #tpu.memory_space<vmem>> -> memref<1x1x56xi32, #tpu.memory_space<vmem>>
        %dma_wait3A_209 = tpu.memref_squeeze %dma_wait3A_208 : memref<1x1x56xi32, #tpu.memory_space<vmem>> -> memref<56xi32, #tpu.memory_space<vmem>>
        %dma_wait3A_210 = arith.constant 0 : i32
        %dma_wait3A_211 = arith.constant 0 : i32
        %dma_wait3A_212 = tpu.memref_slice %arg10[%dma_wait3A_210, %dma_wait3A_211] : memref<10112x128xf32, #tpu.memory_space<vmem_shared>> -> memref<10112x128xf32, #tpu.memory_space<vmem_shared>>
        tpu.wait_indirect_dma semaphore(%run_scoped3A_192 : memref<!tpu.dma_semaphore, #tpu.memory_space<semaphore_mem>>) src(%dma_wait3A_206 : memref<56x128xf32, #tpu.memory_space<vmem>>) dst(%dma_wait3A_212 : memref<10112x128xf32, #tpu.memory_space<vmem_shared>>)
        tpu.yield
      }) : () -> ()
      %dma_wait3A_143 = arith.constant 2 : i32
      %dma_wait3A_144 = arith.constant 2 : i32
      %dma_wait3A_145 = arith.constant 0 : i32
      %dma_wait3A_146 = arith.constant 0 : i32
      %dma_wait3A_147 = tpu.memref_slice %arg9[%dma_wait3A_144, %dma_wait3A_145, %dma_wait3A_146] : memref<4x56x128xf32, #tpu.memory_space<vmem>> -> memref<1x56x128xf32, #tpu.memory_space<vmem>>
      %dma_wait3A_148 = tpu.memref_squeeze %dma_wait3A_147 : memref<1x56x128xf32, #tpu.memory_space<vmem>> -> memref<56x128xf32, #tpu.memory_space<vmem>>
      %dma_wait3A_149 = arith.constant 0 : i32
      %dma_wait3A_150 = tpu.memref_slice %arg7[%select_n3A_98, %dma_wait3A_143, %dma_wait3A_149] : memref<2x4x56xi32, #tpu.memory_space<vmem>> -> memref<1x1x56xi32, #tpu.memory_space<vmem>>
      %dma_wait3A_151 = tpu.memref_squeeze %dma_wait3A_150 : memref<1x1x56xi32, #tpu.memory_space<vmem>> -> memref<56xi32, #tpu.memory_space<vmem>>
      %dma_wait3A_152 = arith.constant 0 : i32
      %dma_wait3A_153 = arith.constant 0 : i32
      %dma_wait3A_154 = tpu.memref_slice %arg2[%dma_wait3A_152, %dma_wait3A_153] : memref<10000x128xf32, #tpu.memory_space<hbm>> -> memref<10000x128xf32, #tpu.memory_space<hbm>>
      tpu.wait_indirect_dma semaphore(%arg13 : memref<!tpu.dma_semaphore, #tpu.memory_space<semaphore_mem>>) src(%dma_wait3A_154 : memref<10000x128xf32, #tpu.memory_space<hbm>>) dst(%dma_wait3A_148 : memref<56x128xf32, #tpu.memory_space<vmem>>)
      %add3A_155 = arith.constant 1 : i32
      %add3A_156 = arith.addi %add3A_89, %add3A_155 : i32
      %lt3A_157 = arith.constant 45 : i32
      %lt3A_158 = arith.cmpi slt, %add3A_156, %lt3A_157 : i32
      %convert_element_type3A_159 = arith.extui %lt3A_158 : i1 to i32
      %cond3A_160 = arith.constant 0 : i32
      %cond3A_161 = arith.cmpi ne, %convert_element_type3A_159, %cond3A_160 : i32
      scf.if %cond3A_161 {
        %sub3A = arith.constant 1 : i32
        %sub3A_192 = arith.subi %sub3A, %select_n3A_98 : i32
        %dma_start3A_193 = arith.constant 1 : i32
        %dma_start3A_194 = arith.constant 1 : i32
        %dma_start3A_195 = arith.constant 0 : i32
        %dma_start3A_196 = arith.constant 0 : i32
        %dma_start3A_197 = tpu.memref_slice %arg9[%dma_start3A_194, %dma_start3A_195, %dma_start3A_196] : memref<4x56x128xf32, #tpu.memory_space<vmem>> -> memref<1x56x128xf32, #tpu.memory_space<vmem>>
        %dma_start3A_198 = tpu.memref_squeeze %dma_start3A_197 : memref<1x56x128xf32, #tpu.memory_space<vmem>> -> memref<56x128xf32, #tpu.memory_space<vmem>>
        %dma_start3A_199 = arith.constant 0 : i32
        %dma_start3A_200 = tpu.memref_slice %arg7[%sub3A_192, %dma_start3A_193, %dma_start3A_199] : memref<2x4x56xi32, #tpu.memory_space<vmem>> -> memref<1x1x56xi32, #tpu.memory_space<vmem>>
        %dma_start3A_201 = tpu.memref_squeeze %dma_start3A_200 : memref<1x1x56xi32, #tpu.memory_space<vmem>> -> memref<56xi32, #tpu.memory_space<vmem>>
        %dma_start3A_202 = arith.constant 0 : i32
        %dma_start3A_203 = arith.constant 0 : i32
        %dma_start3A_204 = tpu.memref_slice %arg2[%dma_start3A_202, %dma_start3A_203] : memref<10000x128xf32, #tpu.memory_space<hbm>> -> memref<10000x128xf32, #tpu.memory_space<hbm>>
        tpu.enqueue_indirect_dma source(%dma_start3A_204 : memref<10000x128xf32, #tpu.memory_space<hbm>>) target(%dma_start3A_198 : memref<56x128xf32, #tpu.memory_space<vmem>>) offsets(%dma_start3A_201 : memref<56xi32, #tpu.memory_space<vmem>>) semaphore(%arg12 : memref<!tpu.dma_semaphore, #tpu.memory_space<semaphore_mem>>)
      } else {
      }
      %run_scoped3A_162 = arith.constant 2 : i32
      %run_scoped3A_163 = arith.constant 2 : i32
      "tpu.region"() ({
        %run_scoped3A_192 = tpu.sem_alloc : memref<!tpu.dma_semaphore, #tpu.memory_space<semaphore_mem>>
        %dma_start3A_193 = arith.constant 0 : i32
        %dma_start3A_194 = arith.constant 0 : i32
        %dma_start3A_195 = tpu.memref_slice %arg9[%run_scoped3A_162, %dma_start3A_193, %dma_start3A_194] : memref<4x56x128xf32, #tpu.memory_space<vmem>> -> memref<1x56x128xf32, #tpu.memory_space<vmem>>
        %dma_start3A_196 = tpu.memref_squeeze %dma_start3A_195 : memref<1x56x128xf32, #tpu.memory_space<vmem>> -> memref<56x128xf32, #tpu.memory_space<vmem>>
        %dma_start3A_197 = arith.constant 0 : i32
        %dma_start3A_198 = tpu.memref_slice %arg8[%select_n3A_98, %run_scoped3A_163, %dma_start3A_197] : memref<2x4x56xi32, #tpu.memory_space<vmem>> -> memref<1x1x56xi32, #tpu.memory_space<vmem>>
        %dma_start3A_199 = tpu.memref_squeeze %dma_start3A_198 : memref<1x1x56xi32, #tpu.memory_space<vmem>> -> memref<56xi32, #tpu.memory_space<vmem>>
        %dma_start3A_200 = arith.constant 0 : i32
        %dma_start3A_201 = arith.constant 0 : i32
        %dma_start3A_202 = tpu.memref_slice %arg10[%dma_start3A_200, %dma_start3A_201] : memref<10112x128xf32, #tpu.memory_space<vmem_shared>> -> memref<10112x128xf32, #tpu.memory_space<vmem_shared>>
        tpu.enqueue_indirect_dma source(%dma_start3A_196 : memref<56x128xf32, #tpu.memory_space<vmem>>) target(%dma_start3A_202 : memref<10112x128xf32, #tpu.memory_space<vmem_shared>>) offsets(%dma_start3A_199 : memref<56xi32, #tpu.memory_space<vmem>>) semaphore(%run_scoped3A_192 : memref<!tpu.dma_semaphore, #tpu.memory_space<semaphore_mem>>) {add = true}
        %dma_wait3A_203 = arith.constant 0 : i32
        %dma_wait3A_204 = arith.constant 0 : i32
        %dma_wait3A_205 = tpu.memref_slice %arg9[%run_scoped3A_162, %dma_wait3A_203, %dma_wait3A_204] : memref<4x56x128xf32, #tpu.memory_space<vmem>> -> memref<1x56x128xf32, #tpu.memory_space<vmem>>
        %dma_wait3A_206 = tpu.memref_squeeze %dma_wait3A_205 : memref<1x56x128xf32, #tpu.memory_space<vmem>> -> memref<56x128xf32, #tpu.memory_space<vmem>>
        %dma_wait3A_207 = arith.constant 0 : i32
        %dma_wait3A_208 = tpu.memref_slice %arg8[%select_n3A_98, %run_scoped3A_163, %dma_wait3A_207] : memref<2x4x56xi32, #tpu.memory_space<vmem>> -> memref<1x1x56xi32, #tpu.memory_space<vmem>>
        %dma_wait3A_209 = tpu.memref_squeeze %dma_wait3A_208 : memref<1x1x56xi32, #tpu.memory_space<vmem>> -> memref<56xi32, #tpu.memory_space<vmem>>
        %dma_wait3A_210 = arith.constant 0 : i32
        %dma_wait3A_211 = arith.constant 0 : i32
        %dma_wait3A_212 = tpu.memref_slice %arg10[%dma_wait3A_210, %dma_wait3A_211] : memref<10112x128xf32, #tpu.memory_space<vmem_shared>> -> memref<10112x128xf32, #tpu.memory_space<vmem_shared>>
        tpu.wait_indirect_dma semaphore(%run_scoped3A_192 : memref<!tpu.dma_semaphore, #tpu.memory_space<semaphore_mem>>) src(%dma_wait3A_206 : memref<56x128xf32, #tpu.memory_space<vmem>>) dst(%dma_wait3A_212 : memref<10112x128xf32, #tpu.memory_space<vmem_shared>>)
        tpu.yield
      }) : () -> ()
      %dma_wait3A_164 = arith.constant 3 : i32
      %dma_wait3A_165 = arith.constant 3 : i32
      %dma_wait3A_166 = arith.constant 0 : i32
      %dma_wait3A_167 = arith.constant 0 : i32
      %dma_wait3A_168 = tpu.memref_slice %arg9[%dma_wait3A_165, %dma_wait3A_166, %dma_wait3A_167] : memref<4x56x128xf32, #tpu.memory_space<vmem>> -> memref<1x56x128xf32, #tpu.memory_space<vmem>>
      %dma_wait3A_169 = tpu.memref_squeeze %dma_wait3A_168 : memref<1x56x128xf32, #tpu.memory_space<vmem>> -> memref<56x128xf32, #tpu.memory_space<vmem>>
      %dma_wait3A_170 = arith.constant 0 : i32
      %dma_wait3A_171 = tpu.memref_slice %arg7[%select_n3A_98, %dma_wait3A_164, %dma_wait3A_170] : memref<2x4x56xi32, #tpu.memory_space<vmem>> -> memref<1x1x56xi32, #tpu.memory_space<vmem>>
      %dma_wait3A_172 = tpu.memref_squeeze %dma_wait3A_171 : memref<1x1x56xi32, #tpu.memory_space<vmem>> -> memref<56xi32, #tpu.memory_space<vmem>>
      %dma_wait3A_173 = arith.constant 0 : i32
      %dma_wait3A_174 = arith.constant 0 : i32
      %dma_wait3A_175 = tpu.memref_slice %arg2[%dma_wait3A_173, %dma_wait3A_174] : memref<10000x128xf32, #tpu.memory_space<hbm>> -> memref<10000x128xf32, #tpu.memory_space<hbm>>
      tpu.wait_indirect_dma semaphore(%arg14 : memref<!tpu.dma_semaphore, #tpu.memory_space<semaphore_mem>>) src(%dma_wait3A_175 : memref<10000x128xf32, #tpu.memory_space<hbm>>) dst(%dma_wait3A_169 : memref<56x128xf32, #tpu.memory_space<vmem>>)
      %add3A_176 = arith.constant 1 : i32
      %add3A_177 = arith.addi %add3A_89, %add3A_176 : i32
      %lt3A_178 = arith.constant 45 : i32
      %lt3A_179 = arith.cmpi slt, %add3A_177, %lt3A_178 : i32
      %convert_element_type3A_180 = arith.extui %lt3A_179 : i1 to i32
      %cond3A_181 = arith.constant 0 : i32
      %cond3A_182 = arith.cmpi ne, %convert_element_type3A_180, %cond3A_181 : i32
      scf.if %cond3A_182 {
        %sub3A = arith.constant 1 : i32
        %sub3A_192 = arith.subi %sub3A, %select_n3A_98 : i32
        %dma_start3A_193 = arith.constant 2 : i32
        %dma_start3A_194 = arith.constant 2 : i32
        %dma_start3A_195 = arith.constant 0 : i32
        %dma_start3A_196 = arith.constant 0 : i32
        %dma_start3A_197 = tpu.memref_slice %arg9[%dma_start3A_194, %dma_start3A_195, %dma_start3A_196] : memref<4x56x128xf32, #tpu.memory_space<vmem>> -> memref<1x56x128xf32, #tpu.memory_space<vmem>>
        %dma_start3A_198 = tpu.memref_squeeze %dma_start3A_197 : memref<1x56x128xf32, #tpu.memory_space<vmem>> -> memref<56x128xf32, #tpu.memory_space<vmem>>
        %dma_start3A_199 = arith.constant 0 : i32
        %dma_start3A_200 = tpu.memref_slice %arg7[%sub3A_192, %dma_start3A_193, %dma_start3A_199] : memref<2x4x56xi32, #tpu.memory_space<vmem>> -> memref<1x1x56xi32, #tpu.memory_space<vmem>>
        %dma_start3A_201 = tpu.memref_squeeze %dma_start3A_200 : memref<1x1x56xi32, #tpu.memory_space<vmem>> -> memref<56xi32, #tpu.memory_space<vmem>>
        %dma_start3A_202 = arith.constant 0 : i32
        %dma_start3A_203 = arith.constant 0 : i32
        %dma_start3A_204 = tpu.memref_slice %arg2[%dma_start3A_202, %dma_start3A_203] : memref<10000x128xf32, #tpu.memory_space<hbm>> -> memref<10000x128xf32, #tpu.memory_space<hbm>>
        tpu.enqueue_indirect_dma source(%dma_start3A_204 : memref<10000x128xf32, #tpu.memory_space<hbm>>) target(%dma_start3A_198 : memref<56x128xf32, #tpu.memory_space<vmem>>) offsets(%dma_start3A_201 : memref<56xi32, #tpu.memory_space<vmem>>) semaphore(%arg13 : memref<!tpu.dma_semaphore, #tpu.memory_space<semaphore_mem>>)
      } else {
      }
      %run_scoped3A_183 = arith.constant 3 : i32
      %run_scoped3A_184 = arith.constant 3 : i32
      "tpu.region"() ({
        %run_scoped3A_192 = tpu.sem_alloc : memref<!tpu.dma_semaphore, #tpu.memory_space<semaphore_mem>>
        %dma_start3A_193 = arith.constant 0 : i32
        %dma_start3A_194 = arith.constant 0 : i32
        %dma_start3A_195 = tpu.memref_slice %arg9[%run_scoped3A_183, %dma_start3A_193, %dma_start3A_194] : memref<4x56x128xf32, #tpu.memory_space<vmem>> -> memref<1x56x128xf32, #tpu.memory_space<vmem>>
        %dma_start3A_196 = tpu.memref_squeeze %dma_start3A_195 : memref<1x56x128xf32, #tpu.memory_space<vmem>> -> memref<56x128xf32, #tpu.memory_space<vmem>>
        %dma_start3A_197 = arith.constant 0 : i32
        %dma_start3A_198 = tpu.memref_slice %arg8[%select_n3A_98, %run_scoped3A_184, %dma_start3A_197] : memref<2x4x56xi32, #tpu.memory_space<vmem>> -> memref<1x1x56xi32, #tpu.memory_space<vmem>>
        %dma_start3A_199 = tpu.memref_squeeze %dma_start3A_198 : memref<1x1x56xi32, #tpu.memory_space<vmem>> -> memref<56xi32, #tpu.memory_space<vmem>>
        %dma_start3A_200 = arith.constant 0 : i32
        %dma_start3A_201 = arith.constant 0 : i32
        %dma_start3A_202 = tpu.memref_slice %arg10[%dma_start3A_200, %dma_start3A_201] : memref<10112x128xf32, #tpu.memory_space<vmem_shared>> -> memref<10112x128xf32, #tpu.memory_space<vmem_shared>>
        tpu.enqueue_indirect_dma source(%dma_start3A_196 : memref<56x128xf32, #tpu.memory_space<vmem>>) target(%dma_start3A_202 : memref<10112x128xf32, #tpu.memory_space<vmem_shared>>) offsets(%dma_start3A_199 : memref<56xi32, #tpu.memory_space<vmem>>) semaphore(%run_scoped3A_192 : memref<!tpu.dma_semaphore, #tpu.memory_space<semaphore_mem>>) {add = true}
        %dma_wait3A_203 = arith.constant 0 : i32
        %dma_wait3A_204 = arith.constant 0 : i32
        %dma_wait3A_205 = tpu.memref_slice %arg9[%run_scoped3A_183, %dma_wait3A_203, %dma_wait3A_204] : memref<4x56x128xf32, #tpu.memory_space<vmem>> -> memref<1x56x128xf32, #tpu.memory_space<vmem>>
        %dma_wait3A_206 = tpu.memref_squeeze %dma_wait3A_205 : memref<1x56x128xf32, #tpu.memory_space<vmem>> -> memref<56x128xf32, #tpu.memory_space<vmem>>
        %dma_wait3A_207 = arith.constant 0 : i32
        %dma_wait3A_208 = tpu.memref_slice %arg8[%select_n3A_98, %run_scoped3A_184, %dma_wait3A_207] : memref<2x4x56xi32, #tpu.memory_space<vmem>> -> memref<1x1x56xi32, #tpu.memory_space<vmem>>
        %dma_wait3A_209 = tpu.memref_squeeze %dma_wait3A_208 : memref<1x1x56xi32, #tpu.memory_space<vmem>> -> memref<56xi32, #tpu.memory_space<vmem>>
        %dma_wait3A_210 = arith.constant 0 : i32
        %dma_wait3A_211 = arith.constant 0 : i32
        %dma_wait3A_212 = tpu.memref_slice %arg10[%dma_wait3A_210, %dma_wait3A_211] : memref<10112x128xf32, #tpu.memory_space<vmem_shared>> -> memref<10112x128xf32, #tpu.memory_space<vmem_shared>>
        tpu.wait_indirect_dma semaphore(%run_scoped3A_192 : memref<!tpu.dma_semaphore, #tpu.memory_space<semaphore_mem>>) src(%dma_wait3A_206 : memref<56x128xf32, #tpu.memory_space<vmem>>) dst(%dma_wait3A_212 : memref<10112x128xf32, #tpu.memory_space<vmem_shared>>)
        tpu.yield
      }) : () -> ()
      %add3A_185 = arith.constant 2 : i32
      %add3A_186 = arith.addi %add3A_89, %add3A_185 : i32
      %lt3A_187 = arith.constant 45 : i32
      %lt3A_188 = arith.cmpi slt, %add3A_186, %lt3A_187 : i32
      %convert_element_type3A_189 = arith.extui %lt3A_188 : i1 to i32
      %cond3A_190 = arith.constant 0 : i32
      %cond3A_191 = arith.cmpi ne, %convert_element_type3A_189, %cond3A_190 : i32
      scf.if %cond3A_191 {
        %add3A_192 = arith.constant 2 : i32
        %add3A_193 = arith.addi %add3A_89, %add3A_192 : i32
        %dma_start3A_194 = arith.constant 0 : i32
        %dma_start3A_195 = arith.constant 0 : i32
        %dma_start3A_196 = tpu.memref_slice %arg7[%select_n3A_98, %dma_start3A_194, %dma_start3A_195] : memref<2x4x56xi32, #tpu.memory_space<vmem>> -> memref<1x4x56xi32, #tpu.memory_space<vmem>>
        %dma_start3A_197 = tpu.memref_squeeze %dma_start3A_196 : memref<1x4x56xi32, #tpu.memory_space<vmem>> -> memref<4x56xi32, #tpu.memory_space<vmem>>
        %dma_start3A_198 = arith.constant 0 : i32
        %dma_start3A_199 = arith.constant 0 : i32
        %dma_start3A_200 = tpu.memref_slice %arg3[%add3A, %add3A_193, %dma_start3A_198, %dma_start3A_199] : memref<32x45x4x56xi32, #tpu.memory_space<hbm>> -> memref<1x1x4x56xi32, #tpu.memory_space<hbm>>
        %dma_start3A_201 = tpu.memref_squeeze %dma_start3A_200 : memref<1x1x4x56xi32, #tpu.memory_space<hbm>> -> memref<4x56xi32, #tpu.memory_space<hbm>>
        %dma_start3A_202 = arith.constant 0 : i32
        %dma_start3A_203 = arith.constant 0 : i32
        %dma_start3A_204 = tpu.memref_slice %arg7[%select_n3A_98, %dma_start3A_202, %dma_start3A_203] : memref<2x4x56xi32, #tpu.memory_space<vmem>> -> memref<1x4x56xi32, #tpu.memory_space<vmem>>
        %dma_start3A_205 = tpu.memref_squeeze %dma_start3A_204 : memref<1x4x56xi32, #tpu.memory_space<vmem>> -> memref<4x56xi32, #tpu.memory_space<vmem>>
        %dma_start3A_206 = arith.constant 0 : i32
        %dma_start3A_207 = arith.constant 0 : i32
        %dma_start3A_208 = tpu.memref_slice %arg3[%add3A, %add3A_193, %dma_start3A_206, %dma_start3A_207] : memref<32x45x4x56xi32, #tpu.memory_space<hbm>> -> memref<1x1x4x56xi32, #tpu.memory_space<hbm>>
        %dma_start3A_209 = tpu.memref_squeeze %dma_start3A_208 : memref<1x1x4x56xi32, #tpu.memory_space<hbm>> -> memref<4x56xi32, #tpu.memory_space<hbm>>
        tpu.enqueue_dma source(%dma_start3A_209 : memref<4x56xi32, #tpu.memory_space<hbm>>) target(%dma_start3A_205 : memref<4x56xi32, #tpu.memory_space<vmem>>) target_semaphore(%arg15 : memref<!tpu.dma_semaphore, #tpu.memory_space<semaphore_mem>>)
        %add3A_210 = arith.constant 2 : i32
        %add3A_211 = arith.addi %add3A_89, %add3A_210 : i32
        %dma_start3A_212 = arith.constant 0 : i32
        %dma_start3A_213 = arith.constant 0 : i32
        %dma_start3A_214 = tpu.memref_slice %arg8[%select_n3A_98, %dma_start3A_212, %dma_start3A_213] : memref<2x4x56xi32, #tpu.memory_space<vmem>> -> memref<1x4x56xi32, #tpu.memory_space<vmem>>
        %dma_start3A_215 = tpu.memref_squeeze %dma_start3A_214 : memref<1x4x56xi32, #tpu.memory_space<vmem>> -> memref<4x56xi32, #tpu.memory_space<vmem>>
        %dma_start3A_216 = arith.constant 0 : i32
        %dma_start3A_217 = arith.constant 0 : i32
        %dma_start3A_218 = tpu.memref_slice %arg4[%add3A, %add3A_211, %dma_start3A_216, %dma_start3A_217] : memref<32x45x4x56xi32, #tpu.memory_space<hbm>> -> memref<1x1x4x56xi32, #tpu.memory_space<hbm>>
        %dma_start3A_219 = tpu.memref_squeeze %dma_start3A_218 : memref<1x1x4x56xi32, #tpu.memory_space<hbm>> -> memref<4x56xi32, #tpu.memory_space<hbm>>
        %dma_start3A_220 = arith.constant 0 : i32
        %dma_start3A_221 = arith.constant 0 : i32
        %dma_start3A_222 = tpu.memref_slice %arg8[%select_n3A_98, %dma_start3A_220, %dma_start3A_221] : memref<2x4x56xi32, #tpu.memory_space<vmem>> -> memref<1x4x56xi32, #tpu.memory_space<vmem>>
        %dma_start3A_223 = tpu.memref_squeeze %dma_start3A_222 : memref<1x4x56xi32, #tpu.memory_space<vmem>> -> memref<4x56xi32, #tpu.memory_space<vmem>>
        %dma_start3A_224 = arith.constant 0 : i32
        %dma_start3A_225 = arith.constant 0 : i32
        %dma_start3A_226 = tpu.memref_slice %arg4[%add3A, %add3A_211, %dma_start3A_224, %dma_start3A_225] : memref<32x45x4x56xi32, #tpu.memory_space<hbm>> -> memref<1x1x4x56xi32, #tpu.memory_space<hbm>>
        %dma_start3A_227 = tpu.memref_squeeze %dma_start3A_226 : memref<1x1x4x56xi32, #tpu.memory_space<hbm>> -> memref<4x56xi32, #tpu.memory_space<hbm>>
        tpu.enqueue_dma source(%dma_start3A_227 : memref<4x56xi32, #tpu.memory_space<hbm>>) target(%dma_start3A_223 : memref<4x56xi32, #tpu.memory_space<vmem>>) target_semaphore(%arg15 : memref<!tpu.dma_semaphore, #tpu.memory_space<semaphore_mem>>)
      } else {
      }
    }
    %scan3A_83 = arith.constant 45 : i32
    %barrier3A_84 = arith.constant 0 : index
    tpu.barrier barrier_id(%barrier3A_84)
    "tpu.region"() ({
      %run_scoped3A_85 = tpu.sem_alloc : memref<!tpu.dma_semaphore, #tpu.memory_space<semaphore_mem>>
      %dma_start3A_86 = arith.constant 0 : i32
      %dma_start3A_87 = tpu.memref_slice %arg6[%arg0, %mul3A_2, %dma_start3A_86] : memref<2x10112x128xf32, #tpu.memory_space<hbm>> -> memref<1x632x128xf32, #tpu.memory_space<hbm>>
      %dma_start3A_88 = tpu.memref_squeeze %dma_start3A_87 : memref<1x632x128xf32, #tpu.memory_space<hbm>> -> memref<632x128xf32, #tpu.memory_space<hbm>>
      %dma_start3A_89 = arith.constant 0 : i32
      %dma_start3A_90 = tpu.memref_slice %arg10[%mul3A_2, %dma_start3A_89] : memref<10112x128xf32, #tpu.memory_space<vmem_shared>> -> memref<632x128xf32, #tpu.memory_space<vmem_shared>>
      tpu.enqueue_dma source(%dma_start3A_90 : memref<632x128xf32, #tpu.memory_space<vmem_shared>>) target(%dma_start3A_88 : memref<632x128xf32, #tpu.memory_space<hbm>>) target_semaphore(%run_scoped3A_85 : memref<!tpu.dma_semaphore, #tpu.memory_space<semaphore_mem>>)
      %dma_wait3A = arith.constant 0 : i32
      %dma_wait3A_91 = tpu.memref_slice %arg6[%arg0, %mul3A_2, %dma_wait3A] : memref<2x10112x128xf32, #tpu.memory_space<hbm>> -> memref<1x632x128xf32, #tpu.memory_space<hbm>>
      %dma_wait3A_92 = tpu.memref_squeeze %dma_wait3A_91 : memref<1x632x128xf32, #tpu.memory_space<hbm>> -> memref<632x128xf32, #tpu.memory_space<hbm>>
      %dma_wait3A_93 = arith.constant 0 : i32
      %dma_wait3A_94 = tpu.memref_slice %arg10[%mul3A_2, %dma_wait3A_93] : memref<10112x128xf32, #tpu.memory_space<vmem_shared>> -> memref<632x128xf32, #tpu.memory_space<vmem_shared>>
      tpu.wait_dma2 semaphore(%run_scoped3A_85 : memref<!tpu.dma_semaphore, #tpu.memory_space<semaphore_mem>>) src(%dma_wait3A_94 : memref<632x128xf32, #tpu.memory_space<vmem_shared>>) dst(%dma_wait3A_92 : memref<632x128xf32, #tpu.memory_space<hbm>>)
      tpu.yield
    }) : () -> ()
    return
  }
}

module attributes {stable_mosaic.version = 14 : i64} {
  func.func @_tc_body(%arg0: memref<2x10112x128xf32, #tpu.memory_space<vmem>>, %arg1: memref<32x1x10112xf32, #tpu.memory_space<vmem>>, %arg2: memref<10000x128xf32, #tpu.memory_space<vmem>>, %arg3: memref<128x128xf32, #tpu.memory_space<vmem>>, %arg4: memref<128x128xf32, #tpu.memory_space<vmem>>, %arg5: memref<1x128xf32, #tpu.memory_space<vmem>>, %arg6: memref<10000x128xf32, #tpu.memory_space<vmem>>) attributes {dimension_semantics = [], scalar_prefetch = 0 : i64, scratch_operands = 0 : i64, tpu.core_type = #tpu.core_type<tc>} {
    %get3A = arith.constant 0 : index
    %get3A_0 = arith.constant 0 : index
    %get3A_1 = arith.constant 0 : index
    %get3A_2 = vector.load %arg0[%get3A, %get3A_0, %get3A_1] : memref<2x10112x128xf32, #tpu.memory_space<vmem>>, vector<1x10000x128xf32>
    %get3A_3 = vector.shape_cast %get3A_2 : vector<1x10000x128xf32> to vector<10000x128xf32>
    %get3A_4 = arith.constant 1 : index
    %get3A_5 = arith.constant 0 : index
    %get3A_6 = arith.constant 0 : index
    %get3A_7 = vector.load %arg0[%get3A_4, %get3A_5, %get3A_6] : memref<2x10112x128xf32, #tpu.memory_space<vmem>>, vector<1x10000x128xf32>
    %get3A_8 = vector.shape_cast %get3A_7 : vector<1x10000x128xf32> to vector<10000x128xf32>
    %add3A = arith.addf %get3A_3, %get3A_8 : vector<10000x128xf32>
    %get3A_9 = arith.constant 0 : index
    %get3A_10 = arith.constant 0 : index
    %get3A_11 = arith.constant 0 : index
    %get3A_12 = vector.load %arg1[%get3A_9, %get3A_10, %get3A_11] : memref<32x1x10112xf32, #tpu.memory_space<vmem>>, vector<32x1x10000xf32>
    %get3A_13 = vector.shape_cast %get3A_12 : vector<32x1x10000xf32> to vector<32x10000xf32>
    %reduce_sum3A = arith.constant dense<0.000000e+00> : vector<10000xf32>
    %reduce_sum3A_14 = vector.multi_reduction <add>, %get3A_13, %reduce_sum3A [0] : vector<32x10000xf32> to vector<10000xf32>
    %broadcast_in_dim3A = vector.shape_cast %reduce_sum3A_14 : vector<10000xf32> to vector<10000x1xf32>
    %max3A = arith.constant 1.000000e+00 : f32
    %max3A_15 = vector.broadcast %max3A : f32 to vector<10000x1xf32>
    %max3A_16 = arith.maximumf %broadcast_in_dim3A, %max3A_15 : vector<10000x1xf32>
    %div3A = vector.broadcast %max3A_16 : vector<10000x1xf32> to vector<10000x128xf32>
    %div3A_17 = arith.divf %add3A, %div3A : vector<10000x128xf32>
    %get3A_18 = arith.constant 0 : index
    %get3A_19 = arith.constant 0 : index
    %get3A_20 = vector.load %arg3[%get3A_18, %get3A_19] : memref<128x128xf32, #tpu.memory_space<vmem>>, vector<128x128xf32>
    %dot_general3A = arith.constant dense<0.000000e+00> : vector<10000x128xf32>
    %dot_general3A_21 = tpu.matmul %div3A_17, %get3A_20, %dot_general3A {dimension_numbers = #tpu.dot_dimension_numbers<[1], [0], [0], [1], [0, 0, 1, 1], [], []>, transpose_lhs_hint = false} : vector<10000x128xf32>, vector<128x128xf32>, vector<10000x128xf32> -> vector<10000x128xf32>
    %get3A_22 = arith.constant 0 : index
    %get3A_23 = arith.constant 0 : index
    %get3A_24 = vector.load %arg2[%get3A_22, %get3A_23] : memref<10000x128xf32, #tpu.memory_space<vmem>>, vector<10000x128xf32>
    %get3A_25 = arith.constant 0 : index
    %get3A_26 = arith.constant 0 : index
    %get3A_27 = vector.load %arg4[%get3A_25, %get3A_26] : memref<128x128xf32, #tpu.memory_space<vmem>>, vector<128x128xf32>
    %dot_general3A_28 = arith.constant dense<0.000000e+00> : vector<10000x128xf32>
    %dot_general3A_29 = tpu.matmul %get3A_24, %get3A_27, %dot_general3A_28 {dimension_numbers = #tpu.dot_dimension_numbers<[1], [0], [0], [1], [0, 0, 1, 1], [], []>, transpose_lhs_hint = false} : vector<10000x128xf32>, vector<128x128xf32>, vector<10000x128xf32> -> vector<10000x128xf32>
    %add3A_30 = arith.addf %dot_general3A_21, %dot_general3A_29 : vector<10000x128xf32>
    %get3A_31 = arith.constant 0 : index
    %get3A_32 = arith.constant 0 : index
    %get3A_33 = vector.load %arg5[%get3A_31, %get3A_32] : memref<1x128xf32, #tpu.memory_space<vmem>>, vector<1x128xf32>
    %add3A_34 = vector.broadcast %get3A_33 : vector<1x128xf32> to vector<10000x128xf32>
    %add3A_35 = arith.addf %add3A_30, %add3A_34 : vector<10000x128xf32>
    %max3A_36 = arith.constant 0.000000e+00 : f32
    %max3A_37 = vector.broadcast %max3A_36 : f32 to vector<10000x128xf32>
    %max3A_38 = arith.maximumf %add3A_35, %max3A_37 : vector<10000x128xf32>
    %swap3A = arith.constant 0 : index
    %swap3A_39 = arith.constant 0 : index
    %swap3A_40 = vector.load %arg6[%swap3A, %swap3A_39] : memref<10000x128xf32, #tpu.memory_space<vmem>>, vector<10000x128xf32>
    tpu.vector_store %arg6[%swap3A, %swap3A_39], %max3A_38 {strides = array<i32>} : memref<10000x128xf32, #tpu.memory_space<vmem>>, vector<10000x128xf32>,
    return
  }
}

module attributes {stable_mosaic.version = 14 : i64} {
  func.func @_tc_body(%arg0: memref<2x10112x128xf32, #tpu.memory_space<vmem>>, %arg1: memref<32x1x10112xf32, #tpu.memory_space<vmem>>, %arg2: memref<10000x128xf32, #tpu.memory_space<vmem>>, %arg3: memref<128x128xf32, #tpu.memory_space<vmem>>, %arg4: memref<128x128xf32, #tpu.memory_space<vmem>>, %arg5: memref<1x128xf32, #tpu.memory_space<vmem>>, %arg6: memref<10000x128xf32, #tpu.memory_space<vmem>>) attributes {dimension_semantics = [], scalar_prefetch = 0 : i64, scratch_operands = 0 : i64, tpu.core_type = #tpu.core_type<tc>} {
    %get3A = arith.constant 0 : index
    %get3A_0 = arith.constant 0 : index
    %get3A_1 = arith.constant 0 : index
    %get3A_2 = vector.load %arg0[%get3A, %get3A_0, %get3A_1] : memref<2x10112x128xf32, #tpu.memory_space<vmem>>, vector<1x10000x128xf32>
    %get3A_3 = vector.shape_cast %get3A_2 : vector<1x10000x128xf32> to vector<10000x128xf32>
    %get3A_4 = arith.constant 1 : index
    %get3A_5 = arith.constant 0 : index
    %get3A_6 = arith.constant 0 : index
    %get3A_7 = vector.load %arg0[%get3A_4, %get3A_5, %get3A_6] : memref<2x10112x128xf32, #tpu.memory_space<vmem>>, vector<1x10000x128xf32>
    %get3A_8 = vector.shape_cast %get3A_7 : vector<1x10000x128xf32> to vector<10000x128xf32>
    %add3A = arith.addf %get3A_3, %get3A_8 : vector<10000x128xf32>
    %get3A_9 = arith.constant 0 : index
    %get3A_10 = arith.constant 0 : index
    %get3A_11 = arith.constant 0 : index
    %get3A_12 = vector.load %arg1[%get3A_9, %get3A_10, %get3A_11] : memref<32x1x10112xf32, #tpu.memory_space<vmem>>, vector<32x1x10000xf32>
    %get3A_13 = vector.shape_cast %get3A_12 : vector<32x1x10000xf32> to vector<32x10000xf32>
    %reduce_sum3A = arith.constant dense<0.000000e+00> : vector<10000xf32>
    %reduce_sum3A_14 = vector.multi_reduction <add>, %get3A_13, %reduce_sum3A [0] : vector<32x10000xf32> to vector<10000xf32>
    %broadcast_in_dim3A = vector.shape_cast %reduce_sum3A_14 : vector<10000xf32> to vector<10000x1xf32>
    %max3A = arith.constant 1.000000e+00 : f32
    %max3A_15 = vector.broadcast %max3A : f32 to vector<10000x1xf32>
    %max3A_16 = arith.maximumf %broadcast_in_dim3A, %max3A_15 : vector<10000x1xf32>
    %div3A = vector.broadcast %max3A_16 : vector<10000x1xf32> to vector<10000x128xf32>
    %div3A_17 = arith.divf %add3A, %div3A : vector<10000x128xf32>
    %get3A_18 = arith.constant 0 : index
    %get3A_19 = arith.constant 0 : index
    %get3A_20 = vector.load %arg3[%get3A_18, %get3A_19] : memref<128x128xf32, #tpu.memory_space<vmem>>, vector<128x128xf32>
    %dot_general3A = arith.constant dense<0.000000e+00> : vector<10000x128xf32>
    %dot_general3A_21 = tpu.matmul %div3A_17, %get3A_20, %dot_general3A {dimension_numbers = #tpu.dot_dimension_numbers<[1], [0], [0], [1], [0, 0, 1, 1], [], []>, transpose_lhs_hint = false} : vector<10000x128xf32>, vector<128x128xf32>, vector<10000x128xf32> -> vector<10000x128xf32>
    %get3A_22 = arith.constant 0 : index
    %get3A_23 = arith.constant 0 : index
    %get3A_24 = vector.load %arg2[%get3A_22, %get3A_23] : memref<10000x128xf32, #tpu.memory_space<vmem>>, vector<10000x128xf32>
    %get3A_25 = arith.constant 0 : index
    %get3A_26 = arith.constant 0 : index
    %get3A_27 = vector.load %arg4[%get3A_25, %get3A_26] : memref<128x128xf32, #tpu.memory_space<vmem>>, vector<128x128xf32>
    %dot_general3A_28 = arith.constant dense<0.000000e+00> : vector<10000x128xf32>
    %dot_general3A_29 = tpu.matmul %get3A_24, %get3A_27, %dot_general3A_28 {dimension_numbers = #tpu.dot_dimension_numbers<[1], [0], [0], [1], [0, 0, 1, 1], [], []>, transpose_lhs_hint = false} : vector<10000x128xf32>, vector<128x128xf32>, vector<10000x128xf32> -> vector<10000x128xf32>
    %add3A_30 = arith.addf %dot_general3A_21, %dot_general3A_29 : vector<10000x128xf32>
    %get3A_31 = arith.constant 0 : index
    %get3A_32 = arith.constant 0 : index
    %get3A_33 = vector.load %arg5[%get3A_31, %get3A_32] : memref<1x128xf32, #tpu.memory_space<vmem>>, vector<1x128xf32>
    %add3A_34 = vector.broadcast %get3A_33 : vector<1x128xf32> to vector<10000x128xf32>
    %add3A_35 = arith.addf %add3A_30, %add3A_34 : vector<10000x128xf32>
    %max3A_36 = arith.constant 0.000000e+00 : f32
    %max3A_37 = vector.broadcast %max3A_36 : f32 to vector<10000x128xf32>
    %max3A_38 = arith.maximumf %add3A_35, %max3A_37 : vector<10000x128xf32>
    %swap3A = arith.constant 0 : index
    %swap3A_39 = arith.constant 0 : index
    %swap3A_40 = vector.load %arg6[%swap3A, %swap3A_39] : memref<10000x128xf32, #tpu.memory_space<vmem>>, vector<10000x128xf32>
    tpu.vector_store %arg6[%swap3A, %swap3A_39], %max3A_38 {strides = array<i32>} : memref<10000x128xf32, #tpu.memory_space<vmem>>, vector<10000x128xf32>,
    return
  }
}

</mosaic_0001>

<sc_bundles>
// kernel: kernel.10.cloned.1.call-start
scs
__scs_entry_jumppad:
0x0: {  	(pc) =	sbr.rel $0x88, $3  }
0x1: {  	(tag) =	ssettag $0x0;
	lr =	simm.s32 $0x1  }
0x2: {  	[smem:$0x3F99] =	sst lr;
	_ =	strace $0xD0000000  }
0x3: {  	_ = 	snop  }
0x4: {  	_ = 	snop  }
0x5: {  	_ = 	snop  }
0x6: {  	_ = 	snop  }
0x7: {  	_ = 	snop  }
__scs_overlays_trampoline_lowered:
0x8: {  	[smem:$0x3FA8] =	sst s0  }
0x9: {  	[smem:$0x3FA9] =	sst s1  }
0xa: {  	[smem:$0x3FAA] =	sst s2  }
0xb: {  	[smem:$0x3FAB] =	sst s3  }
0xc: {  	[smem:$0x3FAC] =	sst s4  }
0xd: {  	[smem:$0x3FAD] =	sst s5  }
0xe: {  	[smem:$0x3FAE] =	sst s6  }
0xf: {  	[smem:$0x3FAF] =	sst s7  }
0x10: {  	[smem:$0x3FB0] =	sst s8  }
0x11: {  	[smem:$0x3FB1] =	sst s9;
	s0 =	simm.s32 @!p0 $0x0  }
0x12: {  	s1 =	sld [smem:$0x3F97];
	s0 =	simm.s32 @p0 $0x1  }
0x13: {  	[smem:$0x3FB2] =	sst s0;
	s0 =	simm.s32 @!p1 $0x0  }
0x14: {  	s2 =	sld [smem:$0x3F96];
	s0 =	simm.s32 @p1 $0x1  }
0x15: {  	[smem:$0x3FB3] =	sst s0;
	s0 =	simm.s32 @!p2 $0x0  }
0x16: {  	s3 =	sld [smem:$0x3FDB];
	s0 =	simm.s32 @p2 $0x1  }
0x17: {  	s4 =	simm.s32 $0x1BF5;
	[smem:$0x3FB5] =	sst s0  }
0x18: {  	s0 =	sld [smem:$0x3F98];
	_ =	swait.ge [sflag:s4], $0x0  }
0x19: {  	s7 =	sld [smem:$0x3F99]  }
0x1a: {  	s8 =	sadd.s32 $0xFFFFE003, lr  }
0x1b: {  	s9 =	sadd.s32 $0xFFFFFEF7, lr;
	s5 =	simm.s32 $0xFFFFFFFF;
	p2 =	slt.u32 s8, $0xFFFFF086  }
0x1c: {  	p1 =	slt.u32 s9, $0xF7A;
	s5 =	simm.s32 @!p2 $0x0  }
0x1d: {  	s5 =	simm.s32 @p1 $0x1;
	p0 =	seq.s32 s7, s2  }
0x1e: {  	s7 =	smul.u32 @!p0 $0xF7A, s2;
	p2 =	seq.s32 @!p0 s5, $0x0  }
0x1f: {  	s9 =	smul.u32 $0xF7A, s1;
	s8 =	simm.s32 @!p0 $0x1BF5;
	p2 =	por !p2, p0  }
0x20: {  	[sflag:s8] =	ssyncset.s32 @!p0 $0xFFFFF086;
	s6 =	sadd.s32 @!p0 s3, s7;
	s7 =	simm.s32 @!p0 $0x108  }
0x21: {  	s3 =	sadd.s32 s3, s9;
	s6 =	sadd.s32 @!p0 $0x88, s6;
	s7 =	simm.s32 @p2 $0x1082  }
0x22: {  	[simem:s7], [sflag:s8] =	dma.local @!p0 [hbm:s6], $0xF7A  }
0x23: {  	s9 =	sor.u32 $0xD0000000, s2;
	s6 =	simm.s32 $0x108;
	_ =	swait.ge @!p0 [sflag:s8], $0x0  }
0x24: {  	s3 =	sadd.s32 $0x88, s3;
	s6 =	simm.s32 @!p1 $0x1082;
	[sflag:s4] =	ssyncset.s32 $0xFFFFF086  }
0x25: {  	[simem:s6], [sflag:s4] =	dma.local [hbm:s3], $0xF7A  }
0x26: {  	[smem:$0x3F99] =	sst s1;
	(tag) =	ssettag s2;
	_ =	strace s9  }
0x27: {  	s1 =	sld [smem:$0x3FA9]  }
0x28: {  	s2 =	sld [smem:$0x3FAA]  }
0x29: {  	s4 =	sld [smem:$0x3FAC]  }
0x2a: {  	p0 =	seq.s32 s5, $0x0;
	s5 =	sld [smem:$0x3FAD]  }
0x2b: {  	s6 =	sld [smem:$0x3FAE]  }
0x2c: {  	s7 =	sld [smem:$0x3FAF]  }
0x2d: {  	s3 =	simm.s32 $0x108;
	s8 =	sld [smem:$0x3FB0]  }
0x2e: {  	s3 =	simm.s32 @!p0 $0x1082;
	s9 =	sld [smem:$0x3FB1]  }
0x2f: {  	lr =	sadd.s32 s0, s3;
	s0 =	sld [smem:$0x3FA8]  }
0x30: {  	s3 =	sld [smem:$0x3FAB]  }
0x31: {  	[smem:$0x3FB4] =	sst s10  }
0x32: {  	s10 =	sld [smem:$0x3FB2];
	_ =	sdelay $0x3  }
0x33: {  	p0 =	seq.s32 s10, $0x1;
	s10 =	sld [smem:$0x3FB4];
	_ =	sdelay $0x3  }
0x34: {  	[smem:$0x3FB4] =	sst s10  }
0x35: {  	s10 =	sld [smem:$0x3FB3];
	_ =	sdelay $0x3  }
0x36: {  	p1 =	seq.s32 s10, $0x1;
	s10 =	sld [smem:$0x3FB4];
	_ =	sdelay $0x3  }
0x37: {  	[smem:$0x3FB4] =	sst s10  }
0x38: {  	s10 =	sld [smem:$0x3FB5]  }
0x39: {  	_ = 	snop;
	(pc) =	sbr.ind lr, $3  }
0x3a: {  	_ = 	snop  }
0x3b: {  	_ = 	snop  }
0x3c: {  	p2 =	seq.s32 s10, $0x1;
	s10 =	sld [smem:$0x3FB4]  }
0x3d: {  	_ =	shalt  }
0x3e: {  	_ =	shalt  }
0x3f: {  	_ =	shalt  }
0x40: {  	_ =	shalt  }
0x41: {  	_ =	shalt  }
0x42: {  	_ =	shalt  }
0x43: {  	_ =	shalt  }
0x44: {  	_ =	shalt  }
0x45: {  	_ =	shalt  }
0x46: {  	_ =	shalt  }
0x47: {  	_ =	shalt  }
0x48: {  	_ =	shalt  }
0x49: {  	_ =	shalt  }
0x4a: {  	_ =	shalt  }
0x4b: {  	_ =	shalt  }
0x4c: {  	_ =	shalt  }
0x4d: {  	_ =	shalt  }
0x4e: {  	_ =	shalt  }
0x4f: {  	_ =	shalt  }
0x50: {  	_ =	shalt  }
0x51: {  	_ =	shalt  }
0x52: {  	_ =	shalt  }
0x53: {  	_ =	shalt  }
0x54: {  	_ =	shalt  }
0x55: {  	_ =	shalt  }
0x56: {  	_ =	shalt  }
0x57: {  	_ =	shalt  }
0x58: {  	_ =	shalt  }
0x59: {  	_ =	shalt  }
0x5a: {  	_ =	shalt  }
0x5b: {  	_ =	shalt  }
0x5c: {  	_ =	shalt  }
0x5d: {  	_ =	shalt  }
0x5e: {  	_ =	shalt  }
0x5f: {  	_ =	shalt  }
0x60: {  	_ =	shalt  }
0x61: {  	_ =	shalt  }
0x62: {  	_ =	shalt  }
0x63: {  	_ =	shalt  }
0x64: {  	_ =	shalt  }
0x65: {  	_ =	shalt  }
0x66: {  	_ =	shalt  }
0x67: {  	_ =	shalt  }
0x68: {  	_ =	shalt  }
0x69: {  	_ =	shalt  }
0x6a: {  	_ =	shalt  }
0x6b: {  	_ =	shalt  }
0x6c: {  	_ =	shalt  }
0x6d: {  	_ =	shalt  }
0x6e: {  	_ =	shalt  }
0x6f: {  	_ =	shalt  }
0x70: {  	_ =	shalt  }
0x71: {  	_ =	shalt  }
0x72: {  	_ =	shalt  }
0x73: {  	_ =	shalt  }
0x74: {  	_ =	shalt  }
0x75: {  	_ =	shalt  }
0x76: {  	_ =	shalt  }
0x77: {  	_ =	shalt  }
0x78: {  	_ =	shalt  }
0x79: {  	_ =	shalt  }
0x7a: {  	_ =	shalt  }
0x7b: {  	_ =	shalt  }
0x7c: {  	_ =	shalt  }
0x7d: {  	_ =	shalt  }
0x7e: {  	_ =	shalt  }
0x7f: {  	_ =	shalt  }
0x80: {  	_ =	shalt  }
0x81: {  	_ =	shalt  }
0x82: {  	_ =	shalt  }
0x83: {  	_ =	shalt  }
0x84: {  	_ =	shalt  }
0x85: {  	_ =	shalt  }
0x86: {  	_ =	shalt  }
0x87: {  	_ =	shalt  }
.Lfunc_end0:
.L_simem_size_0:
called_computation.1_lowered:
.L_overlay_start_0:
0x88: {  	s2 =	sld [smem:$0x3FD9]  }
0x89: {  	s3 =	sld [smem:$0x3FFE];
	_ =	sdelay $0x1  }
0x8a: {  	s1 =	srdreg.scid  }
0x8b: {  	s0 =	sand.u32 $0x1, s1  }
0x8c: {  	s17 =	sshll.u32 s0, $0xA;
	s2 =	sadd.s32 s3, s2  }
0x8d: {  	s2 =	sadd.s32 s2, s17  }
0x8e: {  	[smem:$0x3FC0] =	sst s2  }
0x8f: {  	_ = 	snop  }
0x90: {  	s18 =	sld [smem:$0x3FC9];
	(tm) =	ssettm $0x1  }
0x91: {  	s19 =	sld [smem:$0x3FFB];
	_ =	sdelay $0x3  }
0x92: {  	_ =	strace s19  }
0x93: {  	s2 =	sld [smem:$0x3FFC];
	_ =	sdelay $0x3  }
0x94: {  	_ =	strace s2  }
0x95: {  	s2 =	sld [smem:$0x3FFD];
	_ =	sdelay $0x3  }
0x96: {  	_ =	strace s2  }
0x97: {  	_ =	strace $0x8FFFFFFF  }
0x98: {  	s20 =	sld [smem:$0x3FDB];
	_ =	sdelay $0x1  }
0x99: {  	s4 =	simm.s32 $_scs_section_size  }
0x9a: {  	s5 =	simm.s32 $_size__tile_overlayer_lowered;
	s6 =	simm.s32 $_tile_overlayer_lowered  }
0x9b: {  	s7 =	simm.s32 $0x1BFF;
	s21 =	sshll.u32 s6, $0x1;
	s4 =	sadd.s32 s4, s20  }
0x9c: {  	s22 =	simm.s32 $0x0;
	s5 =	sshll.u32 s5, $0x1;
	s6 =	sadd.s32 s21, s4  }
0x9d: {  	[timem:s22], [sflag:s7] =	dma.local [hbm:s6], s5  }
0x9e: {  	_ =	swait.ge [sflag:s7], s5  }
0x9f: {  	s5 =	ssub.s32 $0x0, s5;
	[sflag:s7] =	ssyncset.done $0x0  }
0xa0: {  	[sflag:s7] =	ssyncadd.s32 s5;
	_ =	sdelay $0x1  }
0xa1: {  	s23 =	simm.s32 $0x1B8B  }
0xa2: {  	_ =	swait.ge [sflag:s23], $0x1  }
0xa3: {  	[sflag:s23] =	ssyncset.done $0x0  }
0xa4: {  	[sflag:s23] =	ssyncadd.s32 $0xFFFFFFFF  }
0xa5: {  	s5 =	sld [smem:$0x0]  }
0xa6: {  	s6 =	sand.u32 $0xFFFFFFFE, s1  }
0xa7: {  	p0 =	sne.s32 s1, s6  }
0xa8: {  	s6 =	sshll.u32 @p0 s6, $0xE  }
0xa9: {  	s6 =	sadd.s32 @p0 $0x11B8D, s6;
	s7 =	sshll.u32 @p0 s5, $0x11  }
0xaa: {  	s6 =	sor.u32 @p0 s7, s6  }
0xab: {  	[sflag:s6] =	ssyncadd.remote.s32 @p0 $0x1;
	_ =	sdelay $0x1  }
0xac: {  	s6 =	simm.s32 @p0 $0x1B8D  }
0xad: {  	_ =	swait.eq @p0 [sflag:s6], $0x1  }
0xae: {  	[sflag:s6] =	ssyncadd.s32 @p0 $0xFFFFFFFF  }
0xaf: {  	s7 =	sshll.u32 @!p0 s1, $0xE  }
0xb0: {  	s7 =	sor.u32 @!p0 $0x4000, s7;
	s6 =	simm.s32 @!p0 $0x1B8D  }
0xb1: {  	s5 =	sshll.u32 @!p0 s5, $0x11;
	s7 =	sadd.s32 @!p0 $0x11B8D, s7;
	_ =	swait.eq @!p0 [sflag:s6], $0x1  }
0xb2: {  	s5 =	sor.u32 @!p0 s5, s7;
	[sflag:s6] =	ssyncadd.s32 @!p0 $0xFFFFFFFF  }
0xb3: {  	s25 =	simm.s32 $0x1B8E;
	s24 =	sld [smem:$0x3FFE];
	[sflag:s5] =	ssyncadd.remote.s32 @!p0 $0x1  }
0xb4: {  	s26 =	simm.s32 $execute0_lowered;
	[smem:$0x3FD2] =	sst s25  }
0xb5: {  	s6 =	sshll.u32 s26, $0x1;
	_ =	strace $0x80000049;
	[dreg:$0x1] =	wrdreg $0xFFFFFFFF  }
0xb6: {  	s28 =	simm.s32 $_size_execute0_lowered;
	s4 =	sadd.s32 s4, s6;
	[dreg:$0x0] =	wrdreg $0x0  }
0xb7: {  	s6 =	sshll.u32 s28, $0x1;
	[dreg:$0x2] =	wrdreg s4  }
0xb8: {  	[dreg:$0x3] =	wrdreg s6  }
0xb9: {  	[dreg:$0x4] =	wrdreg $0xC0  }
0xba: {  	_ =	task [dreg:s22], $0x5FFFF  }
0xbb: {  	[dreg:$0x1] =	wrdreg $0xFFFFFFFF  }
0xbc: {  	[dreg:$0x0] =	wrdreg $0x60  }
0xbd: {  	[dreg:$0x2] =	wrdreg s18  }
0xbe: {  	[dreg:$0x3] =	wrdreg s24  }
0xbf: {  	[dreg:$0x4] =	wrdreg $0x78000  }
0xc0: {  	[dreg:$0x5] =	wrdreg $0xA  }
0xc1: {  	_ =	task.clear_ibuf [dreg:s22], $0x6FFFF;
	_ =	strace $0x90000049  }
0xc2: {  	s29 =	simm.s32 $0xA;
	_ =	strace $0x8000004B  }
0xc3: {  	_ =	swait.ge [sflag:s29], $0x1  }
0xc4: {  	[sflag:s29] =	ssyncadd.s32 $0xFFFFFFFF  }
0xc5: {  	_ =	strace $0x9000004B  }
0xc6: {  	_ =	sfence  }
0xc7: {  	s30 =	sld [smem:$0x0];
	_ =	sdelay $0x2  }
0xc8: {  	s31 =	sshll.u32 s1, $0xD;
	s1 =	sshrl.u32 s1, $0x2  }
0xc9: {  	s4 =	sand.u32 $0x4000, s31;
	s1 =	sadd.s32 s1, s30  }
0xca: {  	s0 =	sor.u32 s4, s0;
	s1 =	sshll.u32 s1, $0x11  }
0xcb: {  	s0 =	sor.u32 s1, s0  }
0xcc: {  	s0 =	sadd.s32 $0x8F2B, s0  }
0xcd: {  	[sflag:s0] =	ssyncadd.remote.s32 $0x1  }
0xce: {  	_ =	sfence.sel $0xFFFF  }
0xcf: {  	[dreg:$0x0] =	wrdreg $0xFFFFFFFF;
	(pc) =	sbr.abs _section_cstart, $3  }
0xd0: {  	[dreg:$0x1] =	wrdreg $0xFFFFFFFF  }
0xd1: {  	_ =	task.clear_ibuf [dreg:s22], $0x2FFFF;
	_ =	strace $0x9FFFFFFF  }
0xd2: {  	(tm) =	ssettm $0x7FFFFFFF  }
0xd3: {  	_ =	shalt  }
tec
execute0_lowered:
.L_overlay_start_1:
0x0: {  	(tag) =	ssettag $0x1  }
0x1: {  	s1 =	rddreg [dreg:$0x0]  }
0x2: {  	s0 =	rddreg [dreg:$0x1]  }
0x3: {  	s2 =	rddreg [dreg:$0x2]  }
0x4: {  	s3 =	srdreg.scid;
	s4 =	simm.s32 $0x0;
	s10 =	stileid.u32  }
0x5: {  	s28 =	simm.s32 $0x5C00;
	s29 =	simm.s32 $0x2;
	s30 =	simm.s32 $0x4  }
0x6: {  	s31 =	simm.s32 $0x0;
	s3 =	sand.u32 $0x1, s3;
	[smem:$0x7FF] =	sst s4  }
0x7: {  	s6 =	smul.u32 $0x13C00, s10;
	s13 =	sadd.s32 $0x23000, s0;
	s14 =	sadd.s32 $0xC800, s0  }
0x8: {  	s16 =	sadd.s32 $0x39800, s0;
	s8 =	smul.u32 $0x4F000, s10;
	s20 =	sshll.u32 s10, $0x6  }
0x9: {  	s5 =	smul.u32 $0x13C000, s3;
	_ =	strace $0x8000004A;
	[dreg:$0x4] =	wrdreg s16  }
0xa: {  	s17 =	sshll.u32 s3, $0x4;
	s7 =	ssub.s32 $0x2, s3;
	s3 =	smul.u32 $0x5A000, s3  }
0xb: {  	s16 =	simm.s32 $0x6;
	s18 =	sshrl.u32 s7, $0x1;
	s19 =	sshrl.u32 s8, $0x2  }
0xc: {  	s5 =	sadd.s32 s6, s5;
	s6 =	sor.u32 s10, s17;
	s10 =	smul.u32 $0x5A00, s10  }
0xd: {  	s15 =	sadd.s32 s19, s2;
	s5 =	sshrl.u32 s5, $0x3;
	s6 =	smul.u32 $0x5A00, s6  }
0xe: {  	s15 =	sshrl.u32 s15, $0x3;
	s0 =	sadd.s32 s5, s0;
	s5 =	ssub.s32 s7, s18  }
0xf: {  	s3 =	sadd.s32 s10, s3;
	s9 =	sshrl.u32 s6, $0x3;
	s6 =	sor.u32 $0x1C06, s20  }
0x10: {  	s3 =	sadd.s32 $0x400, s3;
	s0 =	sadd.s32 $0x3C000, s0;
	s25 =	smax.u32 s5, $0x1  }
0x11: {  	s20 =	simm.s32 $0x38;
	s21 =	sadd.s32 s13, s9;
	[dreg:$0x9] =	wrdreg s0  }
0x12: {  	s22 =	sadd.s32 s14, s9;
	s11 =	sadd.s32 $0x40, s9;
	[dreg:$0xa] =	wrdreg s25  }
0x13: {  	s26 =	sshrl.u32 s3, $0x3;
	s25 =	simm.s32 $0x4000;
	[dreg:$0x5] =	wrdreg s21  }
0x14: {  	[dreg:$0x6] =	wrdreg s22;
	s23 =	sadd.s32 s13, s11;
	s24 =	sadd.s32 s14, s11  }
0x15: {  	s22 =	sadd.s32 s26, s14;
	s19 =	sadd.s32 s26, s13;
	[dreg:$0x7] =	wrdreg s23  }
0x16: {  	s21 =	simm.s32 $0x800;
	s26 =	simm.s32 $0x1;
	[dreg:$0x8] =	wrdreg s24  }
.LBB2_1:
0x17: {  	s0 =	rddreg [dreg:$0x4]  }
0x18: {  	[spmem:s15], [sflag:s6] =	dma.local [hbm:s0], $0x2780  }
0x19: {  	_ =	swait.ge [sflag:s16], $0x2780  }
0x1a: {  	[sflag:s16] =	ssyncset.done $0x0  }
0x1b: {  	s9 =	rddreg [dreg:$0x5];
	[sflag:s16] =	ssyncadd.s32 $0xFFFFD880  }
0x1c: {  	[tilespmem:s4], [sflag:$0x6] =	stream.linear.gather [hbm4b:s9+s4], $0x200, $0x38;
	[tilespmem:$0x1B400] =	vst v63  }
0x1d: {  	_ =	swait.ge [sflag:s16], $0x200  }
0x1e: {  	[sflag:s16] =	ssyncset.done $0x0  }
0x1f: {  	s3 =	simm.s32 $0x400;
	s10 =	rddreg [dreg:$0x6];
	[sflag:s16] =	ssyncadd.s32 $0xFFFFFE00  }
0x20: {  	[tilespmem:s3], [sflag:$0x6] =	stream.linear.gather [hbm4b:s10+s4], $0x200, $0x38;
	[tilespmem:$0x1B400] =	vst v63  }
0x21: {  	_ =	swait.ge [sflag:s16], $0x200  }
0x22: {  	[sflag:s16] =	ssyncset.done $0x0  }
0x23: {  	s12 =	simm.s32 $0x200;
	s11 =	rddreg [dreg:$0x7];
	[sflag:s16] =	ssyncadd.s32 $0xFFFFFE00  }
0x24: {  	[tilespmem:s12], [sflag:$0x5] =	stream.linear.gather [hbm4b:s11+s4], $0x200, $0x38;
	[tilespmem:$0x1B400] =	vst v63  }
0x25: {  	s14 =	simm.s32 $0x600;
	s13 =	rddreg [dreg:$0x8]  }
0x26: {  	[tilespmem:s14], [sflag:$0x5] =	stream.linear.gather [hbm4b:s13+s4], $0x200, $0x38;
	[tilespmem:$0x1B400] =	vst v63  }
0x27: {  	_ = 	snop  }
0x28: {  	[tilespmem:s21], [sflag:$0x1] =	stream.indirect.gather [hbm4b:s1+s20], $0x80, s4, s20, $0xb8;
	[tilespmem:$0x1B400] =	vst v63  }
0x29: {  	s17 =	simm.s32 $0x80;
	s18 =	simm.s32 $0x2400  }
0x2a: {  	[tilespmem:s18], [sflag:$0x2] =	stream.indirect.gather [hbm4b:s1+s20], $0x80, s17, s20, $0xb8;
	[tilespmem:$0x1B400] =	vst v63  }
0x2b: {  	s23 =	simm.s32 $0x100  }
0x2c: {  	[tilespmem:s25], [sflag:$0x3] =	stream.indirect.gather [hbm4b:s1+s20], $0x80, s23, s20, $0xb8;
	[tilespmem:$0x1B400] =	vst v63  }
0x2d: {  	[bflag:$0x0] =	sbarrier.arrive $0xFFFF  }
0x2e: {  	_ =	swait.ge [sflag:s26], $0x1C00  }
0x2f: {  	s3 =	sand.u32 $0x200, s4;
	[sflag:s26] =	ssyncset.done $0x0  }
0x30: {  	s5 =	sor.u32 $0x180, s3;
	[sflag:s26] =	ssyncadd.s32 $0xFFFFE400  }
0x31: {  	[tilespmem:s28], [sflag:$0x4] =	stream.indirect.gather [hbm4b:s1+s20], $0x80, s5, s20, $0xb8;
	[tilespmem:$0x1B400] =	vst v63  }
0x32: {  	s0 =	sor.u32 $0x400, s3  }
0x33: {  	[spmem:s2] =	stream.indirect.scatter.add.f32 [tilespmem:s21], [sflag:$0x6], $0x80, s0, s20, $0xb8;
	[tilespmem:$0x1B400] =	vst v63  }
0x34: {  	_ =	swait.ge [sflag:s16], $0x1C00  }
0x35: {  	[sflag:s16] =	ssyncset.done $0x0  }
0x36: {  	[sflag:s16] =	ssyncadd.s32 $0xFFFFE400  }
0x37: {  	p0 =	por $0x0, $0x0;
	_ =	swait.ge [sflag:s29], $0x1C00  }
0x38: {  	s13 =	sadd.s32 @p0 $0x480, s3;
	s14 =	simm.s32 @p0 $0x38;
	[sflag:s29] =	ssyncset.done $0x0  }
0x39: {  	s17 =	simm.s32 @p0 $0x2400;
	s18 =	simm.s32 @p0 $0x6;
	[sflag:s29] =	ssyncadd.s32 $0xFFFFE400  }
0x3a: {  	[spmem:s2] =	stream.indirect.scatter.add.f32 @p0 [tilespmem:s17], [sflag:$0x6], $0x80, s13, s14, $0xb8;
	[tilespmem:$0x1B400] =	vst v63  }
0x3b: {  	_ =	swait.ge @p0 [sflag:s18], $0x1C00  }
0x3c: {  	[sflag:s18] =	ssyncset.done @p0 $0x0  }
0x3d: {  	s13 =	simm.s32 @p0 $0x3;
	[sflag:s18] =	ssyncadd.s32 @p0 $0xFFFFE400  }
0x3e: {  	_ =	swait.ge @p0 [sflag:s13], $0x1C00  }
0x3f: {  	[sflag:s13] =	ssyncset.done @p0 $0x0  }
0x40: {  	s14 =	simm.s32 @!p0 $0x5;
	[sflag:s13] =	ssyncadd.s32 @p0 $0xFFFFE400  }
0x41: {  	_ =	swait.ge @!p0 [sflag:s14], $0x200  }
0x42: {  	[sflag:s14] =	ssyncset.done @!p0 $0x0  }
0x43: {  	[sflag:s14] =	ssyncadd.s32 @!p0 $0xFFFFFE00  }
0x44: {  	_ =	swait.ge @!p0 [sflag:s14], $0x200  }
0x45: {  	s17 =	simm.s32 @!p0 $0x38;
	[sflag:s14] =	ssyncset.done @!p0 $0x0  }
0x46: {  	s18 =	simm.s32 @!p0 $0x800;
	s13 =	sxor.u32 @!p0 $0x200, s3;
	[sflag:s14] =	ssyncadd.s32 @!p0 $0xFFFFFE00  }
0x47: {  	[tilespmem:s18], [sflag:$0x1] =	stream.indirect.gather @!p0 [hbm4b:s1+s17], $0x80, s13, s17, $0xb8;
	[tilespmem:$0x1B400] =	vst v63  }
0x48: {  	s14 =	simm.s32 @!p0 $0x2400;
	s13 =	sadd.s32 @!p0 $0x480, s3;
	s18 =	simm.s32 @!p0 $0x6  }
0x49: {  	[spmem:s2] =	stream.indirect.scatter.add.f32 @!p0 [tilespmem:s14], [sflag:$0x6], $0x80, s13, s17, $0xb8;
	[tilespmem:$0x1B400] =	vst v63  }
0x4a: {  	_ =	swait.ge @!p0 [sflag:s18], $0x1C00  }
0x4b: {  	[sflag:s18] =	ssyncset.done @!p0 $0x0  }
0x4c: {  	s13 =	simm.s32 @!p0 $0x3;
	[sflag:s18] =	ssyncadd.s32 @!p0 $0xFFFFE400  }
0x4d: {  	_ =	swait.ge @!p0 [sflag:s13], $0x1C00  }
0x4e: {  	[sflag:s13] =	ssyncset.done @!p0 $0x0  }
0x4f: {  	s18 =	ssub.s32 @!p0 $0x280, s3;
	[sflag:s13] =	ssyncadd.s32 @!p0 $0xFFFFE400  }
0x50: {  	[tilespmem:s14], [sflag:$0x2] =	stream.indirect.gather @!p0 [hbm4b:s1+s17], $0x80, s18, s17, $0xb8;
	[tilespmem:$0x1B400] =	vst v63  }
0x51: {  	s24 =	sadd.s32 $0x500, s3  }
0x52: {  	[spmem:s2] =	stream.indirect.scatter.add.f32 [tilespmem:s25], [sflag:$0x6], $0x80, s24, s20, $0xb8;
	[tilespmem:$0x1B400] =	vst v63  }
0x53: {  	_ =	swait.ge [sflag:s16], $0x1C00  }
0x54: {  	[sflag:s16] =	ssyncset.done $0x0  }
0x55: {  	[sflag:s16] =	ssyncadd.s32 $0xFFFFE400  }
0x56: {  	_ =	swait.ge [sflag:s30], $0x1C00  }
0x57: {  	[sflag:s30] =	ssyncset.done $0x0  }
0x58: {  	s13 =	ssub.s32 @!p0 $0x300, s3;
	s14 =	simm.s32 @!p0 $0x4000;
	[sflag:s30] =	ssyncadd.s32 $0xFFFFE400  }
0x59: {  	[tilespmem:s14], [sflag:$0x3] =	stream.indirect.gather @!p0 [hbm4b:s1+s17], $0x80, s13, s17, $0xb8;
	[tilespmem:$0x1B400] =	vst v63  }
0x5a: {  	s5 =	sor.u32 $0x400, s5  }
0x5b: {  	[spmem:s2] =	stream.indirect.scatter.add.f32 [tilespmem:s28], [sflag:$0x6], $0x80, s5, s20, $0xb8;
	[tilespmem:$0x1B400] =	vst v63  }
0x5c: {  	_ =	swait.ge [sflag:s16], $0x1C00  }
0x5d: {  	p1 =	por $0x0, $0x0;
	s18 =	smov.u32 s22;
	[sflag:s16] =	ssyncset.done $0x0  }
0x5e: {  	s17 =	simm.s32 $0x1;
	s5 =	simm.s32 @!p1 $0x0;
	[sflag:s16] =	ssyncadd.s32 $0xFFFFE400  }
0x5f: {  	[tilespmem:s3], [sflag:$0x5] =	stream.linear.gather @!p1 [hbm4b:s19+s5], $0x200, $0x38;
	[tilespmem:$0x1B400] =	vst v63  }
0x60: {  	s13 =	smov.u32 s22;
	s14 =	smov.u32 s19;
	s3 =	simm.s32 $0x200  }
.LBB2_2:
0x61: {  	s13 =	sadd.s32 $0x40, s13  }
0x62: {  	s14 =	sadd.s32 $0x40, s14;
	s7 =	smov.u32 s3;
	s3 =	sadd.s32 $0x200, s3  }
0x63: {  	[tilespmem:s0], [sflag:$0x5] =	stream.linear.gather @!p1 [hbm4b:s18+s5], $0x200, $0x38;
	[tilespmem:$0x1B400] =	vst v63  }
0x64: {  	p0 =	sne.s32 s3, $0x5A00;
	s18 =	smov.u32 s13;
	_ =	swait.ge [sflag:s26], $0x1C00  }
0x65: {  	s23 =	sand.u32 $0x200, s7;
	[sflag:s26] =	ssyncset.done $0x0  }
0x66: {  	s24 =	sor.u32 $0x180, s23;
	[sflag:s26] =	ssyncadd.s32 $0xFFFFE400  }
0x67: {  	[tilespmem:s28], [sflag:$0x4] =	stream.indirect.gather [hbm4b:s1+s20], $0x80, s24, s20, $0xb8;
	[tilespmem:$0x1B400] =	vst v63  }
0x68: {  	s0 =	sor.u32 $0x400, s23  }
0x69: {  	[spmem:s2] =	stream.indirect.scatter.add.f32 [tilespmem:s21], [sflag:$0x6], $0x80, s0, s20, $0xb8;
	[tilespmem:$0x1B400] =	vst v63  }
0x6a: {  	_ =	swait.ge [sflag:s16], $0x1C00  }
0x6b: {  	[sflag:s16] =	ssyncset.done $0x0  }
0x6c: {  	[sflag:s16] =	ssyncadd.s32 $0xFFFFE400  }
0x6d: {  	_ =	swait.ge [sflag:s29], $0x1C00  }
0x6e: {  	p1 =	seq.s32 s7, $0x5800;
	[sflag:s29] =	ssyncset.done $0x0  }
0x6f: {  	s5 =	sadd.s32 @p1 $0x480, s23;
	s7 =	simm.s32 @p1 $0x38;
	[sflag:s29] =	ssyncadd.s32 $0xFFFFE400  }
0x70: {  	s8 =	simm.s32 @p1 $0x2400;
	s9 =	simm.s32 @p1 $0x6;
	s10 =	sxor.u32 @!p1 $0x200, s23  }
0x71: {  	[spmem:s2] =	stream.indirect.scatter.add.f32 @p1 [tilespmem:s8], [sflag:$0x6], $0x80, s5, s7, $0xb8;
	[tilespmem:$0x1B400] =	vst v63  }
0x72: {  	s7 =	sadd.s32 @!p1 $0x480, s23;
	s8 =	ssub.s32 @!p1 $0x280, s23;
	_ =	swait.ge @p1 [sflag:s9], $0x1C00  }
0x73: {  	s11 =	simm.s32 @p1 $0x3;
	s5 =	ssub.s32 @!p1 $0x300, s23;
	[sflag:s9] =	ssyncset.done @p1 $0x0  }
0x74: {  	[sflag:s9] =	ssyncadd.s32 @p1 $0xFFFFE400  }
0x75: {  	_ =	swait.ge @p1 [sflag:s11], $0x1C00  }
0x76: {  	s9 =	simm.s32 @!p1 $0x5;
	[sflag:s11] =	ssyncset.done @p1 $0x0  }
0x77: {  	[sflag:s11] =	ssyncadd.s32 @p1 $0xFFFFE400  }
0x78: {  	_ =	swait.ge @!p1 [sflag:s9], $0x200  }
0x79: {  	[sflag:s9] =	ssyncset.done @!p1 $0x0  }
0x7a: {  	[sflag:s9] =	ssyncadd.s32 @!p1 $0xFFFFFE00  }
0x7b: {  	_ =	swait.ge @!p1 [sflag:s9], $0x200  }
0x7c: {  	s12 =	simm.s32 @!p1 $0x800;
	s11 =	simm.s32 @!p1 $0x38;
	[sflag:s9] =	ssyncset.done @!p1 $0x0  }
0x7d: {  	[sflag:s9] =	ssyncadd.s32 @!p1 $0xFFFFFE00;
	s9 =	simm.s32 @!p1 $0x2400  }
0x7e: {  	[tilespmem:s12], [sflag:$0x1] =	stream.indirect.gather @!p1 [hbm4b:s1+s11], $0x80, s10, s11, $0xb8;
	[tilespmem:$0x1B400] =	vst v63  }
0x7f: {  	s10 =	simm.s32 @!p1 $0x6  }
0x80: {  	[spmem:s2] =	stream.indirect.scatter.add.f32 @!p1 [tilespmem:s9], [sflag:$0x6], $0x80, s7, s11, $0xb8;
	[tilespmem:$0x1B400] =	vst v63  }
0x81: {  	_ =	swait.ge @!p1 [sflag:s10], $0x1C00  }
0x82: {  	s7 =	simm.s32 @!p1 $0x3;
	[sflag:s10] =	ssyncset.done @!p1 $0x0  }
0x83: {  	[sflag:s10] =	ssyncadd.s32 @!p1 $0xFFFFE400  }
0x84: {  	_ =	swait.ge @!p1 [sflag:s7], $0x1C00  }
0x85: {  	[sflag:s7] =	ssyncset.done @!p1 $0x0  }
0x86: {  	[sflag:s7] =	ssyncadd.s32 @!p1 $0xFFFFE400;
	s7 =	sadd.s32 $0x500, s23  }
0x87: {  	[tilespmem:s9], [sflag:$0x2] =	stream.indirect.gather @!p1 [hbm4b:s1+s11], $0x80, s8, s11, $0xb8;
	[tilespmem:$0x1B400] =	vst v63  }
0x88: {  	_ = 	snop  }
0x89: {  	[spmem:s2] =	stream.indirect.scatter.add.f32 [tilespmem:s25], [sflag:$0x6], $0x80, s7, s20, $0xb8;
	[tilespmem:$0x1B400] =	vst v63  }
0x8a: {  	_ =	swait.ge [sflag:s16], $0x1C00  }
0x8b: {  	[sflag:s16] =	ssyncset.done $0x0  }
0x8c: {  	[sflag:s16] =	ssyncadd.s32 $0xFFFFE400  }
0x8d: {  	_ =	swait.ge [sflag:s30], $0x1C00  }
0x8e: {  	s7 =	simm.s32 @!p1 $0x4000;
	[sflag:s30] =	ssyncset.done $0x0  }
0x8f: {  	s8 =	sor.u32 $0x400, s24;
	[sflag:s30] =	ssyncadd.s32 $0xFFFFE400  }
0x90: {  	[tilespmem:s7], [sflag:$0x3] =	stream.indirect.gather @!p1 [hbm4b:s1+s11], $0x80, s5, s11, $0xb8;
	[tilespmem:$0x1B400] =	vst v63  }
0x91: {  	_ = 	snop  }
0x92: {  	[spmem:s2] =	stream.indirect.scatter.add.f32 [tilespmem:s28], [sflag:$0x6], $0x80, s8, s20, $0xb8;
	[tilespmem:$0x1B400] =	vst v63  }
.Ltmp0:
0x93: {  	_ = 	snop;
	(pc) =	sbr.rel @p0 .LBB2_2-.Ltmp0, $4  }
0x94: {  	p1 =	sgt.u32 s17, $0x2A;
	_ =	swait.ge [sflag:s16], $0x1C00  }
0x95: {  	s5 =	simm.s32 @!p1 $0x0;
	[sflag:s16] =	ssyncset.done $0x0  }
0x96: {  	s17 =	sadd.s32 $0x1, s17;
	[sflag:s16] =	ssyncadd.s32 $0xFFFFE400  }
0x97: {  	[tilespmem:s23], [sflag:$0x5] =	stream.linear.gather @!p1 [hbm4b:s14+s5], $0x200, $0x38;
	[tilespmem:$0x1B400] =	vst v63  }
0x98: {  	[tilespmem:s0], [sflag:$0x5] =	stream.linear.gather @!p1 [hbm4b:s18+s5], $0x200, $0x38;
	[tilespmem:$0x1B400] =	vst v63  }
0x99: {  	[bflag:$0x0] =	sbarrier.arrive $0xFFFF  }
0x9a: {  	s23 =	rddreg [dreg:$0x9]  }
0x9b: {  	[hbm:s23], [sflag:s6] =	dma.local [spmem:s15], $0x2780  }
0x9c: {  	_ =	swait.ge [sflag:s16], $0x2780  }
0x9d: {  	s31 =	sadd.s32 $0x1, s31;
	s24 =	rddreg [dreg:$0xa]  }
0x9e: {  	p0 =	sne.s32 s31, s24  }
.Ltmp1:
0x9f: {  	_ = 	snop;
	(pc) =	sbr.rel @p0 .LBB2_1-.Ltmp1, $3  }
0xa0: {  	_ =	sdelay $0x1  }
0xa1: {  	[sflag:s16] =	ssyncset.done $0x0  }
0xa2: {  	[sflag:s16] =	ssyncadd.s32 $0xFFFFD880  }
0xa3: {  	_ =	sfence.sel $0x180000  }
0xa4: {  	[bflag:$0x0] =	sbarrier.arrive $0xFFFF  }
0xa5: {  	_ =	strace $0x9000004A  }
0xa6: {  	s0 =	stileid.u32;
	[bflag:$0x2] =	sbarrier.arrive $0xFFFF  }
0xa7: {  	p0 =	sne.s32 s0, $0x0;
	s0 =	rddreg [dreg:$0x3]  }
0xa8: {  	s0 =	sadd.s32 @!p0 $0x100000, s0  }
0xa9: {  	[sflag:s0] =	ssyncadd.tile.s32 @!p0 $0x1;
	_ =	shalt  }
.Lfunc_end2:
_tile_overlayer_lowered:
.L_overlay_start_2:
0xaa: {  	(tag) =	ssettag $0x2  }
0xab: {  	s0 =	rddreg [dreg:$0x0];
	s2 =	stileid.u32  }
0xac: {  	s1 =	rddreg [dreg:$0x1];
	p0 =	sne.s32 s2, $0x0  }
0xad: {  	s3 =	rddreg [dreg:$0x2];
	[bflag:$0x3] =	sbarrier.arrive $0xFFFF;
	s2 =	simm.s32 @!p0 $0x1C06  }
0xae: {  	[timem:s3], [sflag:s2] =	dma.local @!p0 [hbm:s0], s1  }
0xaf: {  	s0 =	simm.s32 @!p0 $0x6  }
0xb0: {  	_ =	swait.ge @!p0 [sflag:s0], s1  }
0xb1: {  	s1 =	ssub.s32 @!p0 $0x0, s1;
	[sflag:s0] =	ssyncset.done @!p0 $0x0  }
0xb2: {  	[sflag:s0] =	ssyncadd.s32 @!p0 s1  }
0xb3: {  	[bflag:$0x3] =	sbarrier.arrive $0xFFFF  }
0xb4: {  	_ =	shalt  }

// kernel: kernel.13.cloned.1.call-start
scs
__scs_entry_jumppad:
0x0: {  	(pc) =	sbr.rel $0x88, $3  }
0x1: {  	(tag) =	ssettag $0x0;
	lr =	simm.s32 $0x1  }
0x2: {  	[smem:$0x3F99] =	sst lr;
	_ =	strace $0xD0000000  }
0x3: {  	_ = 	snop  }
0x4: {  	_ = 	snop  }
0x5: {  	_ = 	snop  }
0x6: {  	_ = 	snop  }
0x7: {  	_ = 	snop  }
__scs_overlays_trampoline_lowered:
0x8: {  	[smem:$0x3FA8] =	sst s0  }
0x9: {  	[smem:$0x3FA9] =	sst s1  }
0xa: {  	[smem:$0x3FAA] =	sst s2  }
0xb: {  	[smem:$0x3FAB] =	sst s3  }
0xc: {  	[smem:$0x3FAC] =	sst s4  }
0xd: {  	[smem:$0x3FAD] =	sst s5  }
0xe: {  	[smem:$0x3FAE] =	sst s6  }
0xf: {  	[smem:$0x3FAF] =	sst s7  }
0x10: {  	[smem:$0x3FB0] =	sst s8  }
0x11: {  	[smem:$0x3FB1] =	sst s9;
	s0 =	simm.s32 @!p0 $0x0  }
0x12: {  	s1 =	sld [smem:$0x3F97];
	s0 =	simm.s32 @p0 $0x1  }
0x13: {  	[smem:$0x3FB2] =	sst s0;
	s0 =	simm.s32 @!p1 $0x0  }
0x14: {  	s2 =	sld [smem:$0x3F96];
	s0 =	simm.s32 @p1 $0x1  }
0x15: {  	[smem:$0x3FB3] =	sst s0;
	s0 =	simm.s32 @!p2 $0x0  }
0x16: {  	s3 =	sld [smem:$0x3FDB];
	s0 =	simm.s32 @p2 $0x1  }
0x17: {  	s4 =	simm.s32 $0x1BF5;
	[smem:$0x3FB5] =	sst s0  }
0x18: {  	s0 =	sld [smem:$0x3F98];
	_ =	swait.ge [sflag:s4], $0x0  }
0x19: {  	s7 =	sld [smem:$0x3F99]  }
0x1a: {  	s8 =	sadd.s32 $0xFFFFE003, lr  }
0x1b: {  	s9 =	sadd.s32 $0xFFFFFEF7, lr;
	s5 =	simm.s32 $0xFFFFFFFF;
	p2 =	slt.u32 s8, $0xFFFFF086  }
0x1c: {  	p1 =	slt.u32 s9, $0xF7A;
	s5 =	simm.s32 @!p2 $0x0  }
0x1d: {  	s5 =	simm.s32 @p1 $0x1;
	p0 =	seq.s32 s7, s2  }
0x1e: {  	s7 =	smul.u32 @!p0 $0xF7A, s2;
	p2 =	seq.s32 @!p0 s5, $0x0  }
0x1f: {  	s9 =	smul.u32 $0xF7A, s1;
	s8 =	simm.s32 @!p0 $0x1BF5;
	p2 =	por !p2, p0  }
0x20: {  	[sflag:s8] =	ssyncset.s32 @!p0 $0xFFFFF086;
	s6 =	sadd.s32 @!p0 s3, s7;
	s7 =	simm.s32 @!p0 $0x108  }
0x21: {  	s3 =	sadd.s32 s3, s9;
	s6 =	sadd.s32 @!p0 $0x88, s6;
	s7 =	simm.s32 @p2 $0x1082  }
0x22: {  	[simem:s7], [sflag:s8] =	dma.local @!p0 [hbm:s6], $0xF7A  }
0x23: {  	s9 =	sor.u32 $0xD0000000, s2;
	s6 =	simm.s32 $0x108;
	_ =	swait.ge @!p0 [sflag:s8], $0x0  }
0x24: {  	s3 =	sadd.s32 $0x88, s3;
	s6 =	simm.s32 @!p1 $0x1082;
	[sflag:s4] =	ssyncset.s32 $0xFFFFF086  }
0x25: {  	[simem:s6], [sflag:s4] =	dma.local [hbm:s3], $0xF7A  }
0x26: {  	[smem:$0x3F99] =	sst s1;
	(tag) =	ssettag s2;
	_ =	strace s9  }
0x27: {  	s1 =	sld [smem:$0x3FA9]  }
0x28: {  	s2 =	sld [smem:$0x3FAA]  }
0x29: {  	s4 =	sld [smem:$0x3FAC]  }
0x2a: {  	p0 =	seq.s32 s5, $0x0;
	s5 =	sld [smem:$0x3FAD]  }
0x2b: {  	s6 =	sld [smem:$0x3FAE]  }
0x2c: {  	s7 =	sld [smem:$0x3FAF]  }
0x2d: {  	s3 =	simm.s32 $0x108;
	s8 =	sld [smem:$0x3FB0]  }
0x2e: {  	s3 =	simm.s32 @!p0 $0x1082;
	s9 =	sld [smem:$0x3FB1]  }
0x2f: {  	lr =	sadd.s32 s0, s3;
	s0 =	sld [smem:$0x3FA8]  }
0x30: {  	s3 =	sld [smem:$0x3FAB]  }
0x31: {  	[smem:$0x3FB4] =	sst s10  }
0x32: {  	s10 =	sld [smem:$0x3FB2];
	_ =	sdelay $0x3  }
0x33: {  	p0 =	seq.s32 s10, $0x1;
	s10 =	sld [smem:$0x3FB4];
	_ =	sdelay $0x3  }
0x34: {  	[smem:$0x3FB4] =	sst s10  }
0x35: {  	s10 =	sld [smem:$0x3FB3];
	_ =	sdelay $0x3  }
0x36: {  	p1 =	seq.s32 s10, $0x1;
	s10 =	sld [smem:$0x3FB4];
	_ =	sdelay $0x3  }
0x37: {  	[smem:$0x3FB4] =	sst s10  }
0x38: {  	s10 =	sld [smem:$0x3FB5]  }
0x39: {  	_ = 	snop;
	(pc) =	sbr.ind lr, $3  }
0x3a: {  	_ = 	snop  }
0x3b: {  	_ = 	snop  }
0x3c: {  	p2 =	seq.s32 s10, $0x1;
	s10 =	sld [smem:$0x3FB4]  }
0x3d: {  	_ =	shalt  }
0x3e: {  	_ =	shalt  }
0x3f: {  	_ =	shalt  }
0x40: {  	_ =	shalt  }
0x41: {  	_ =	shalt  }
0x42: {  	_ =	shalt  }
0x43: {  	_ =	shalt  }
0x44: {  	_ =	shalt  }
0x45: {  	_ =	shalt  }
0x46: {  	_ =	shalt  }
0x47: {  	_ =	shalt  }
0x48: {  	_ =	shalt  }
0x49: {  	_ =	shalt  }
0x4a: {  	_ =	shalt  }
0x4b: {  	_ =	shalt  }
0x4c: {  	_ =	shalt  }
0x4d: {  	_ =	shalt  }
0x4e: {  	_ =	shalt  }
0x4f: {  	_ =	shalt  }
0x50: {  	_ =	shalt  }
0x51: {  	_ =	shalt  }
0x52: {  	_ =	shalt  }
0x53: {  	_ =	shalt  }
0x54: {  	_ =	shalt  }
0x55: {  	_ =	shalt  }
0x56: {  	_ =	shalt  }
0x57: {  	_ =	shalt  }
0x58: {  	_ =	shalt  }
0x59: {  	_ =	shalt  }
0x5a: {  	_ =	shalt  }
0x5b: {  	_ =	shalt  }
0x5c: {  	_ =	shalt  }
0x5d: {  	_ =	shalt  }
0x5e: {  	_ =	shalt  }
0x5f: {  	_ =	shalt  }
0x60: {  	_ =	shalt  }
0x61: {  	_ =	shalt  }
0x62: {  	_ =	shalt  }
0x63: {  	_ =	shalt  }
0x64: {  	_ =	shalt  }
0x65: {  	_ =	shalt  }
0x66: {  	_ =	shalt  }
0x67: {  	_ =	shalt  }
0x68: {  	_ =	shalt  }
0x69: {  	_ =	shalt  }
0x6a: {  	_ =	shalt  }
0x6b: {  	_ =	shalt  }
0x6c: {  	_ =	shalt  }
0x6d: {  	_ =	shalt  }
0x6e: {  	_ =	shalt  }
0x6f: {  	_ =	shalt  }
0x70: {  	_ =	shalt  }
0x71: {  	_ =	shalt  }
0x72: {  	_ =	shalt  }
0x73: {  	_ =	shalt  }
0x74: {  	_ =	shalt  }
0x75: {  	_ =	shalt  }
0x76: {  	_ =	shalt  }
0x77: {  	_ =	shalt  }
0x78: {  	_ =	shalt  }
0x79: {  	_ =	shalt  }
0x7a: {  	_ =	shalt  }
0x7b: {  	_ =	shalt  }
0x7c: {  	_ =	shalt  }
0x7d: {  	_ =	shalt  }
0x7e: {  	_ =	shalt  }
0x7f: {  	_ =	shalt  }
0x80: {  	_ =	shalt  }
0x81: {  	_ =	shalt  }
0x82: {  	_ =	shalt  }
0x83: {  	_ =	shalt  }
0x84: {  	_ =	shalt  }
0x85: {  	_ =	shalt  }
0x86: {  	_ =	shalt  }
0x87: {  	_ =	shalt  }
.Lfunc_end0:
.L_simem_size_0:
called_computation.2_lowered:
.L_overlay_start_0:
0x88: {  	s2 =	sld [smem:$0x3FD9]  }
0x89: {  	s3 =	sld [smem:$0x3FFE];
	_ =	sdelay $0x1  }
0x8a: {  	s1 =	srdreg.scid  }
0x8b: {  	s0 =	sand.u32 $0x1, s1  }
0x8c: {  	s17 =	sshll.u32 s0, $0xA;
	s2 =	sadd.s32 s3, s2  }
0x8d: {  	s2 =	sadd.s32 s2, s17  }
0x8e: {  	[smem:$0x3FC0] =	sst s2  }
0x8f: {  	_ = 	snop  }
0x90: {  	s2 =	sld [smem:$0x3FD0];
	(tm) =	ssettm $0x1  }
0x91: {  	s18 =	sld [smem:$0x3FFB];
	_ =	sdelay $0x3  }
0x92: {  	_ =	strace s18  }
0x93: {  	s3 =	sld [smem:$0x3FFC];
	_ =	sdelay $0x3  }
0x94: {  	_ =	strace s3  }
0x95: {  	s3 =	sld [smem:$0x3FFD];
	_ =	sdelay $0x3  }
0x96: {  	_ =	strace s3  }
0x97: {  	_ =	strace $0x8FFFFFFF  }
0x98: {  	s19 =	sld [smem:$0x3FDB];
	_ =	sdelay $0x1  }
0x99: {  	s4 =	simm.s32 $_scs_section_size  }
0x9a: {  	s5 =	simm.s32 $_size__tile_overlayer_lowered;
	s6 =	simm.s32 $_tile_overlayer_lowered  }
0x9b: {  	s22 =	simm.s32 $0x1BFF;
	s21 =	sshll.u32 s6, $0x1;
	s3 =	sadd.s32 s4, s19  }
0x9c: {  	s7 =	simm.s32 $0x0;
	s20 =	sshll.u32 s5, $0x1;
	s5 =	sadd.s32 s21, s3  }
0x9d: {  	[timem:s7], [sflag:s22] =	dma.local [hbm:s5], s20  }
0x9e: {  	_ =	swait.ge [sflag:s22], s20  }
0x9f: {  	s4 =	ssub.s32 $0x0, s20;
	[sflag:s22] =	ssyncset.done $0x0  }
0xa0: {  	[sflag:s22] =	ssyncadd.s32 s4;
	_ =	sdelay $0x1  }
0xa1: {  	s23 =	simm.s32 $0x1B8B  }
0xa2: {  	_ =	swait.ge [sflag:s23], $0x1  }
0xa3: {  	[sflag:s23] =	ssyncset.done $0x0  }
0xa4: {  	s25 =	simm.s32 $0x1B8E;
	s24 =	sld [smem:$0x3FFE];
	[sflag:s23] =	ssyncadd.s32 $0xFFFFFFFF  }
0xa5: {  	s26 =	simm.s32 $execute0_lowered;
	[smem:$0x3FD2] =	sst s25  }
0xa6: {  	s5 =	sshll.u32 s26, $0x1;
	_ =	strace $0x8000004C;
	[dreg:$0x1] =	wrdreg $0xFFFFFFFF  }
0xa7: {  	s28 =	simm.s32 $_size_execute0_lowered;
	s3 =	sadd.s32 s3, s5;
	[dreg:$0x0] =	wrdreg $0x0  }
0xa8: {  	s5 =	sshll.u32 s28, $0x1;
	[dreg:$0x2] =	wrdreg s3  }
0xa9: {  	[dreg:$0x3] =	wrdreg s5  }
0xaa: {  	[dreg:$0x4] =	wrdreg $0xC0  }
0xab: {  	_ =	task [dreg:s7], $0x5FFFF  }
0xac: {  	[dreg:$0x1] =	wrdreg $0xFFFFFFFF  }
0xad: {  	[dreg:$0x0] =	wrdreg $0x60  }
0xae: {  	[dreg:$0x2] =	wrdreg s2  }
0xaf: {  	[dreg:$0x3] =	wrdreg s24  }
0xb0: {  	[dreg:$0x4] =	wrdreg $0x78000  }
0xb1: {  	[dreg:$0x5] =	wrdreg $0x9  }
0xb2: {  	_ =	task.clear_ibuf [dreg:s7], $0x6FFFF;
	_ =	strace $0x9000004C  }
0xb3: {  	s29 =	simm.s32 $0x9;
	_ =	strace $0x8000004E  }
0xb4: {  	_ =	swait.ge [sflag:s29], $0x1  }
0xb5: {  	[sflag:s29] =	ssyncadd.s32 $0xFFFFFFFF  }
0xb6: {  	_ =	strace $0x9000004E  }
0xb7: {  	_ =	sfence  }
0xb8: {  	s30 =	sld [smem:$0x0];
	_ =	sdelay $0x2  }
0xb9: {  	s31 =	sshll.u32 s1, $0xD;
	s1 =	sshrl.u32 s1, $0x2  }
0xba: {  	s3 =	sand.u32 $0x4000, s31;
	s1 =	sadd.s32 s1, s30  }
0xbb: {  	s0 =	sor.u32 s3, s0;
	s1 =	sshll.u32 s1, $0x11  }
0xbc: {  	s0 =	sor.u32 s1, s0  }
0xbd: {  	s0 =	sadd.s32 $0x8F2B, s0  }
0xbe: {  	[sflag:s0] =	ssyncadd.remote.s32 $0x1  }
0xbf: {  	_ =	sfence.sel $0xFFFF  }
0xc0: {  	[dreg:$0x0] =	wrdreg $0xFFFFFFFF;
	(pc) =	sbr.abs _section_cstart, $3  }
0xc1: {  	[dreg:$0x1] =	wrdreg $0xFFFFFFFF  }
0xc2: {  	_ =	task.clear_ibuf [dreg:s7], $0x2FFFF;
	_ =	strace $0x9FFFFFFF  }
0xc3: {  	(tm) =	ssettm $0x7FFFFFFF  }
tec
execute0_lowered:
.L_overlay_start_1:
0x0: {  	(tag) =	ssettag $0x1  }
0x1: {  	s1 =	rddreg [dreg:$0x0]  }
0x2: {  	s0 =	rddreg [dreg:$0x1]  }
0x3: {  	s2 =	rddreg [dreg:$0x2]  }
0x4: {  	s3 =	srdreg.scid;
	s4 =	simm.s32 $0x0;
	s10 =	stileid.u32  }
0x5: {  	s28 =	simm.s32 $0x5C00;
	s29 =	simm.s32 $0x2;
	s30 =	simm.s32 $0x4  }
0x6: {  	s31 =	simm.s32 $0x0;
	s3 =	sand.u32 $0x1, s3;
	[smem:$0x7FF] =	sst s4  }
0x7: {  	s6 =	smul.u32 $0x13C00, s10;
	s13 =	sadd.s32 $0x23000, s0;
	s14 =	sadd.s32 $0xC800, s0  }
0x8: {  	s16 =	sadd.s32 $0x39800, s0;
	s8 =	smul.u32 $0x4F000, s10;
	s20 =	sshll.u32 s10, $0x6  }
0x9: {  	s5 =	smul.u32 $0x13C000, s3;
	_ =	strace $0x8000004D;
	[dreg:$0x4] =	wrdreg s16  }
0xa: {  	s17 =	sshll.u32 s3, $0x4;
	s7 =	ssub.s32 $0x2, s3;
	s3 =	smul.u32 $0x5A000, s3  }
0xb: {  	s16 =	simm.s32 $0x6;
	s18 =	sshrl.u32 s7, $0x1;
	s19 =	sshrl.u32 s8, $0x2  }
0xc: {  	s5 =	sadd.s32 s6, s5;
	s6 =	sor.u32 s10, s17;
	s10 =	smul.u32 $0x5A00, s10  }
0xd: {  	s15 =	sadd.s32 s19, s2;
	s5 =	sshrl.u32 s5, $0x3;
	s6 =	smul.u32 $0x5A00, s6  }
0xe: {  	s15 =	sshrl.u32 s15, $0x3;
	s0 =	sadd.s32 s5, s0;
	s5 =	ssub.s32 s7, s18  }
0xf: {  	s3 =	sadd.s32 s10, s3;
	s9 =	sshrl.u32 s6, $0x3;
	s6 =	sor.u32 $0x1C06, s20  }
0x10: {  	s3 =	sadd.s32 $0x400, s3;
	s0 =	sadd.s32 $0x3C000, s0;
	s25 =	smax.u32 s5, $0x1  }
0x11: {  	s20 =	simm.s32 $0x38;
	s21 =	sadd.s32 s13, s9;
	[dreg:$0x9] =	wrdreg s0  }
0x12: {  	s22 =	sadd.s32 s14, s9;
	s11 =	sadd.s32 $0x40, s9;
	[dreg:$0xa] =	wrdreg s25  }
0x13: {  	s26 =	sshrl.u32 s3, $0x3;
	s25 =	simm.s32 $0x4000;
	[dreg:$0x5] =	wrdreg s21  }
0x14: {  	[dreg:$0x6] =	wrdreg s22;
	s23 =	sadd.s32 s13, s11;
	s24 =	sadd.s32 s14, s11  }
0x15: {  	s22 =	sadd.s32 s26, s14;
	s19 =	sadd.s32 s26, s13;
	[dreg:$0x7] =	wrdreg s23  }
0x16: {  	s21 =	simm.s32 $0x800;
	s26 =	simm.s32 $0x1;
	[dreg:$0x8] =	wrdreg s24  }
.LBB2_1:
0x17: {  	s0 =	rddreg [dreg:$0x4]  }
0x18: {  	[spmem:s15], [sflag:s6] =	dma.local [hbm:s0], $0x2780  }
0x19: {  	_ =	swait.ge [sflag:s16], $0x2780  }
0x1a: {  	[sflag:s16] =	ssyncset.done $0x0  }
0x1b: {  	s9 =	rddreg [dreg:$0x5];
	[sflag:s16] =	ssyncadd.s32 $0xFFFFD880  }
0x1c: {  	[tilespmem:s4], [sflag:$0x6] =	stream.linear.gather [hbm4b:s9+s4], $0x200, $0x38;
	[tilespmem:$0x1B400] =	vst v63  }
0x1d: {  	_ =	swait.ge [sflag:s16], $0x200  }
0x1e: {  	[sflag:s16] =	ssyncset.done $0x0  }
0x1f: {  	s3 =	simm.s32 $0x400;
	s10 =	rddreg [dreg:$0x6];
	[sflag:s16] =	ssyncadd.s32 $0xFFFFFE00  }
0x20: {  	[tilespmem:s3], [sflag:$0x6] =	stream.linear.gather [hbm4b:s10+s4], $0x200, $0x38;
	[tilespmem:$0x1B400] =	vst v63  }
0x21: {  	_ =	swait.ge [sflag:s16], $0x200  }
0x22: {  	[sflag:s16] =	ssyncset.done $0x0  }
0x23: {  	s12 =	simm.s32 $0x200;
	s11 =	rddreg [dreg:$0x7];
	[sflag:s16] =	ssyncadd.s32 $0xFFFFFE00  }
0x24: {  	[tilespmem:s12], [sflag:$0x5] =	stream.linear.gather [hbm4b:s11+s4], $0x200, $0x38;
	[tilespmem:$0x1B400] =	vst v63  }
0x25: {  	s14 =	simm.s32 $0x600;
	s13 =	rddreg [dreg:$0x8]  }
0x26: {  	[tilespmem:s14], [sflag:$0x5] =	stream.linear.gather [hbm4b:s13+s4], $0x200, $0x38;
	[tilespmem:$0x1B400] =	vst v63  }
0x27: {  	_ = 	snop  }
0x28: {  	[tilespmem:s21], [sflag:$0x1] =	stream.indirect.gather [hbm4b:s1+s20], $0x80, s4, s20, $0xb8;
	[tilespmem:$0x1B400] =	vst v63  }
0x29: {  	s17 =	simm.s32 $0x80;
	s18 =	simm.s32 $0x2400  }
0x2a: {  	[tilespmem:s18], [sflag:$0x2] =	stream.indirect.gather [hbm4b:s1+s20], $0x80, s17, s20, $0xb8;
	[tilespmem:$0x1B400] =	vst v63  }
0x2b: {  	s23 =	simm.s32 $0x100  }
0x2c: {  	[tilespmem:s25], [sflag:$0x3] =	stream.indirect.gather [hbm4b:s1+s20], $0x80, s23, s20, $0xb8;
	[tilespmem:$0x1B400] =	vst v63  }
0x2d: {  	[bflag:$0x0] =	sbarrier.arrive $0xFFFF  }
0x2e: {  	_ =	swait.ge [sflag:s26], $0x1C00  }
0x2f: {  	s3 =	sand.u32 $0x200, s4;
	[sflag:s26] =	ssyncset.done $0x0  }
0x30: {  	s5 =	sor.u32 $0x180, s3;
	[sflag:s26] =	ssyncadd.s32 $0xFFFFE400  }
0x31: {  	[tilespmem:s28], [sflag:$0x4] =	stream.indirect.gather [hbm4b:s1+s20], $0x80, s5, s20, $0xb8;
	[tilespmem:$0x1B400] =	vst v63  }
0x32: {  	s0 =	sor.u32 $0x400, s3  }
0x33: {  	[spmem:s2] =	stream.indirect.scatter.add.f32 [tilespmem:s21], [sflag:$0x6], $0x80, s0, s20, $0xb8;
	[tilespmem:$0x1B400] =	vst v63  }
0x34: {  	_ =	swait.ge [sflag:s16], $0x1C00  }
0x35: {  	[sflag:s16] =	ssyncset.done $0x0  }
0x36: {  	[sflag:s16] =	ssyncadd.s32 $0xFFFFE400  }
0x37: {  	p0 =	por $0x0, $0x0;
	_ =	swait.ge [sflag:s29], $0x1C00  }
0x38: {  	s13 =	sadd.s32 @p0 $0x480, s3;
	s14 =	simm.s32 @p0 $0x38;
	[sflag:s29] =	ssyncset.done $0x0  }
0x39: {  	s17 =	simm.s32 @p0 $0x2400;
	s18 =	simm.s32 @p0 $0x6;
	[sflag:s29] =	ssyncadd.s32 $0xFFFFE400  }
0x3a: {  	[spmem:s2] =	stream.indirect.scatter.add.f32 @p0 [tilespmem:s17], [sflag:$0x6], $0x80, s13, s14, $0xb8;
	[tilespmem:$0x1B400] =	vst v63  }
0x3b: {  	_ =	swait.ge @p0 [sflag:s18], $0x1C00  }
0x3c: {  	[sflag:s18] =	ssyncset.done @p0 $0x0  }
0x3d: {  	s13 =	simm.s32 @p0 $0x3;
	[sflag:s18] =	ssyncadd.s32 @p0 $0xFFFFE400  }
0x3e: {  	_ =	swait.ge @p0 [sflag:s13], $0x1C00  }
0x3f: {  	[sflag:s13] =	ssyncset.done @p0 $0x0  }
0x40: {  	s14 =	simm.s32 @!p0 $0x5;
	[sflag:s13] =	ssyncadd.s32 @p0 $0xFFFFE400  }
0x41: {  	_ =	swait.ge @!p0 [sflag:s14], $0x200  }
0x42: {  	[sflag:s14] =	ssyncset.done @!p0 $0x0  }
0x43: {  	[sflag:s14] =	ssyncadd.s32 @!p0 $0xFFFFFE00  }
0x44: {  	_ =	swait.ge @!p0 [sflag:s14], $0x200  }
0x45: {  	s17 =	simm.s32 @!p0 $0x38;
	[sflag:s14] =	ssyncset.done @!p0 $0x0  }
0x46: {  	s18 =	simm.s32 @!p0 $0x800;
	s13 =	sxor.u32 @!p0 $0x200, s3;
	[sflag:s14] =	ssyncadd.s32 @!p0 $0xFFFFFE00  }
0x47: {  	[tilespmem:s18], [sflag:$0x1] =	stream.indirect.gather @!p0 [hbm4b:s1+s17], $0x80, s13, s17, $0xb8;
	[tilespmem:$0x1B400] =	vst v63  }
0x48: {  	s14 =	simm.s32 @!p0 $0x2400;
	s13 =	sadd.s32 @!p0 $0x480, s3;
	s18 =	simm.s32 @!p0 $0x6  }
0x49: {  	[spmem:s2] =	stream.indirect.scatter.add.f32 @!p0 [tilespmem:s14], [sflag:$0x6], $0x80, s13, s17, $0xb8;
	[tilespmem:$0x1B400] =	vst v63  }
0x4a: {  	_ =	swait.ge @!p0 [sflag:s18], $0x1C00  }
0x4b: {  	[sflag:s18] =	ssyncset.done @!p0 $0x0  }
0x4c: {  	s13 =	simm.s32 @!p0 $0x3;
	[sflag:s18] =	ssyncadd.s32 @!p0 $0xFFFFE400  }
0x4d: {  	_ =	swait.ge @!p0 [sflag:s13], $0x1C00  }
0x4e: {  	[sflag:s13] =	ssyncset.done @!p0 $0x0  }
0x4f: {  	s18 =	ssub.s32 @!p0 $0x280, s3;
	[sflag:s13] =	ssyncadd.s32 @!p0 $0xFFFFE400  }
0x50: {  	[tilespmem:s14], [sflag:$0x2] =	stream.indirect.gather @!p0 [hbm4b:s1+s17], $0x80, s18, s17, $0xb8;
	[tilespmem:$0x1B400] =	vst v63  }
0x51: {  	s24 =	sadd.s32 $0x500, s3  }
0x52: {  	[spmem:s2] =	stream.indirect.scatter.add.f32 [tilespmem:s25], [sflag:$0x6], $0x80, s24, s20, $0xb8;
	[tilespmem:$0x1B400] =	vst v63  }
0x53: {  	_ =	swait.ge [sflag:s16], $0x1C00  }
0x54: {  	[sflag:s16] =	ssyncset.done $0x0  }
0x55: {  	[sflag:s16] =	ssyncadd.s32 $0xFFFFE400  }
0x56: {  	_ =	swait.ge [sflag:s30], $0x1C00  }
0x57: {  	[sflag:s30] =	ssyncset.done $0x0  }
0x58: {  	s13 =	ssub.s32 @!p0 $0x300, s3;
	s14 =	simm.s32 @!p0 $0x4000;
	[sflag:s30] =	ssyncadd.s32 $0xFFFFE400  }
0x59: {  	[tilespmem:s14], [sflag:$0x3] =	stream.indirect.gather @!p0 [hbm4b:s1+s17], $0x80, s13, s17, $0xb8;
	[tilespmem:$0x1B400] =	vst v63  }
0x5a: {  	s5 =	sor.u32 $0x400, s5  }
0x5b: {  	[spmem:s2] =	stream.indirect.scatter.add.f32 [tilespmem:s28], [sflag:$0x6], $0x80, s5, s20, $0xb8;
	[tilespmem:$0x1B400] =	vst v63  }
0x5c: {  	_ =	swait.ge [sflag:s16], $0x1C00  }
0x5d: {  	p1 =	por $0x0, $0x0;
	s18 =	smov.u32 s22;
	[sflag:s16] =	ssyncset.done $0x0  }
0x5e: {  	s17 =	simm.s32 $0x1;
	s5 =	simm.s32 @!p1 $0x0;
	[sflag:s16] =	ssyncadd.s32 $0xFFFFE400  }
0x5f: {  	[tilespmem:s3], [sflag:$0x5] =	stream.linear.gather @!p1 [hbm4b:s19+s5], $0x200, $0x38;
	[tilespmem:$0x1B400] =	vst v63  }
0x60: {  	s13 =	smov.u32 s22;
	s14 =	smov.u32 s19;
	s3 =	simm.s32 $0x200  }
.LBB2_2:
0x61: {  	s13 =	sadd.s32 $0x40, s13  }
0x62: {  	s14 =	sadd.s32 $0x40, s14;
	s7 =	smov.u32 s3;
	s3 =	sadd.s32 $0x200, s3  }
0x63: {  	[tilespmem:s0], [sflag:$0x5] =	stream.linear.gather @!p1 [hbm4b:s18+s5], $0x200, $0x38;
	[tilespmem:$0x1B400] =	vst v63  }
0x64: {  	p0 =	sne.s32 s3, $0x5A00;
	s18 =	smov.u32 s13;
	_ =	swait.ge [sflag:s26], $0x1C00  }
0x65: {  	s23 =	sand.u32 $0x200, s7;
	[sflag:s26] =	ssyncset.done $0x0  }
0x66: {  	s24 =	sor.u32 $0x180, s23;
	[sflag:s26] =	ssyncadd.s32 $0xFFFFE400  }
0x67: {  	[tilespmem:s28], [sflag:$0x4] =	stream.indirect.gather [hbm4b:s1+s20], $0x80, s24, s20, $0xb8;
	[tilespmem:$0x1B400] =	vst v63  }
0x68: {  	s0 =	sor.u32 $0x400, s23  }
0x69: {  	[spmem:s2] =	stream.indirect.scatter.add.f32 [tilespmem:s21], [sflag:$0x6], $0x80, s0, s20, $0xb8;
	[tilespmem:$0x1B400] =	vst v63  }
0x6a: {  	_ =	swait.ge [sflag:s16], $0x1C00  }
0x6b: {  	[sflag:s16] =	ssyncset.done $0x0  }
0x6c: {  	[sflag:s16] =	ssyncadd.s32 $0xFFFFE400  }
0x6d: {  	_ =	swait.ge [sflag:s29], $0x1C00  }
0x6e: {  	p1 =	seq.s32 s7, $0x5800;
	[sflag:s29] =	ssyncset.done $0x0  }
0x6f: {  	s5 =	sadd.s32 @p1 $0x480, s23;
	s7 =	simm.s32 @p1 $0x38;
	[sflag:s29] =	ssyncadd.s32 $0xFFFFE400  }
0x70: {  	s8 =	simm.s32 @p1 $0x2400;
	s9 =	simm.s32 @p1 $0x6;
	s10 =	sxor.u32 @!p1 $0x200, s23  }
0x71: {  	[spmem:s2] =	stream.indirect.scatter.add.f32 @p1 [tilespmem:s8], [sflag:$0x6], $0x80, s5, s7, $0xb8;
	[tilespmem:$0x1B400] =	vst v63  }
0x72: {  	s7 =	sadd.s32 @!p1 $0x480, s23;
	s8 =	ssub.s32 @!p1 $0x280, s23;
	_ =	swait.ge @p1 [sflag:s9], $0x1C00  }
0x73: {  	s11 =	simm.s32 @p1 $0x3;
	s5 =	ssub.s32 @!p1 $0x300, s23;
	[sflag:s9] =	ssyncset.done @p1 $0x0  }
0x74: {  	[sflag:s9] =	ssyncadd.s32 @p1 $0xFFFFE400  }
0x75: {  	_ =	swait.ge @p1 [sflag:s11], $0x1C00  }
0x76: {  	s9 =	simm.s32 @!p1 $0x5;
	[sflag:s11] =	ssyncset.done @p1 $0x0  }
0x77: {  	[sflag:s11] =	ssyncadd.s32 @p1 $0xFFFFE400  }
0x78: {  	_ =	swait.ge @!p1 [sflag:s9], $0x200  }
0x79: {  	[sflag:s9] =	ssyncset.done @!p1 $0x0  }
0x7a: {  	[sflag:s9] =	ssyncadd.s32 @!p1 $0xFFFFFE00  }
0x7b: {  	_ =	swait.ge @!p1 [sflag:s9], $0x200  }
0x7c: {  	s12 =	simm.s32 @!p1 $0x800;
	s11 =	simm.s32 @!p1 $0x38;
	[sflag:s9] =	ssyncset.done @!p1 $0x0  }
0x7d: {  	[sflag:s9] =	ssyncadd.s32 @!p1 $0xFFFFFE00;
	s9 =	simm.s32 @!p1 $0x2400  }
0x7e: {  	[tilespmem:s12], [sflag:$0x1] =	stream.indirect.gather @!p1 [hbm4b:s1+s11], $0x80, s10, s11, $0xb8;
	[tilespmem:$0x1B400] =	vst v63  }
0x7f: {  	s10 =	simm.s32 @!p1 $0x6  }
0x80: {  	[spmem:s2] =	stream.indirect.scatter.add.f32 @!p1 [tilespmem:s9], [sflag:$0x6], $0x80, s7, s11, $0xb8;
	[tilespmem:$0x1B400] =	vst v63  }
0x81: {  	_ =	swait.ge @!p1 [sflag:s10], $0x1C00  }
0x82: {  	s7 =	simm.s32 @!p1 $0x3;
	[sflag:s10] =	ssyncset.done @!p1 $0x0  }
0x83: {  	[sflag:s10] =	ssyncadd.s32 @!p1 $0xFFFFE400  }
0x84: {  	_ =	swait.ge @!p1 [sflag:s7], $0x1C00  }
0x85: {  	[sflag:s7] =	ssyncset.done @!p1 $0x0  }
0x86: {  	[sflag:s7] =	ssyncadd.s32 @!p1 $0xFFFFE400;
	s7 =	sadd.s32 $0x500, s23  }
0x87: {  	[tilespmem:s9], [sflag:$0x2] =	stream.indirect.gather @!p1 [hbm4b:s1+s11], $0x80, s8, s11, $0xb8;
	[tilespmem:$0x1B400] =	vst v63  }
0x88: {  	_ = 	snop  }
0x89: {  	[spmem:s2] =	stream.indirect.scatter.add.f32 [tilespmem:s25], [sflag:$0x6], $0x80, s7, s20, $0xb8;
	[tilespmem:$0x1B400] =	vst v63  }
0x8a: {  	_ =	swait.ge [sflag:s16], $0x1C00  }
0x8b: {  	[sflag:s16] =	ssyncset.done $0x0  }
0x8c: {  	[sflag:s16] =	ssyncadd.s32 $0xFFFFE400  }
0x8d: {  	_ =	swait.ge [sflag:s30], $0x1C00  }
0x8e: {  	s7 =	simm.s32 @!p1 $0x4000;
	[sflag:s30] =	ssyncset.done $0x0  }
0x8f: {  	s8 =	sor.u32 $0x400, s24;
	[sflag:s30] =	ssyncadd.s32 $0xFFFFE400  }
0x90: {  	[tilespmem:s7], [sflag:$0x3] =	stream.indirect.gather @!p1 [hbm4b:s1+s11], $0x80, s5, s11, $0xb8;
	[tilespmem:$0x1B400] =	vst v63  }
0x91: {  	_ = 	snop  }
0x92: {  	[spmem:s2] =	stream.indirect.scatter.add.f32 [tilespmem:s28], [sflag:$0x6], $0x80, s8, s20, $0xb8;
	[tilespmem:$0x1B400] =	vst v63  }
.Ltmp0:
0x93: {  	_ = 	snop;
	(pc) =	sbr.rel @p0 .LBB2_2-.Ltmp0, $4  }
0x94: {  	p1 =	sgt.u32 s17, $0x2A;
	_ =	swait.ge [sflag:s16], $0x1C00  }
0x95: {  	s5 =	simm.s32 @!p1 $0x0;
	[sflag:s16] =	ssyncset.done $0x0  }
0x96: {  	s17 =	sadd.s32 $0x1, s17;
	[sflag:s16] =	ssyncadd.s32 $0xFFFFE400  }
0x97: {  	[tilespmem:s23], [sflag:$0x5] =	stream.linear.gather @!p1 [hbm4b:s14+s5], $0x200, $0x38;
	[tilespmem:$0x1B400] =	vst v63  }
0x98: {  	[tilespmem:s0], [sflag:$0x5] =	stream.linear.gather @!p1 [hbm4b:s18+s5], $0x200, $0x38;
	[tilespmem:$0x1B400] =	vst v63  }
0x99: {  	[bflag:$0x0] =	sbarrier.arrive $0xFFFF  }
0x9a: {  	s23 =	rddreg [dreg:$0x9]  }
0x9b: {  	[hbm:s23], [sflag:s6] =	dma.local [spmem:s15], $0x2780  }
0x9c: {  	_ =	swait.ge [sflag:s16], $0x2780  }
0x9d: {  	s31 =	sadd.s32 $0x1, s31;
	s24 =	rddreg [dreg:$0xa]  }
0x9e: {  	p0 =	sne.s32 s31, s24  }
.Ltmp1:
0x9f: {  	_ = 	snop;
	(pc) =	sbr.rel @p0 .LBB2_1-.Ltmp1, $3  }
0xa0: {  	_ =	sdelay $0x1  }
0xa1: {  	[sflag:s16] =	ssyncset.done $0x0  }
0xa2: {  	[sflag:s16] =	ssyncadd.s32 $0xFFFFD880  }
0xa3: {  	_ =	sfence.sel $0x180000  }
0xa4: {  	[bflag:$0x0] =	sbarrier.arrive $0xFFFF  }
0xa5: {  	_ =	strace $0x9000004D  }
0xa6: {  	s0 =	stileid.u32;
	[bflag:$0x2] =	sbarrier.arrive $0xFFFF  }
0xa7: {  	p0 =	sne.s32 s0, $0x0;
	s0 =	rddreg [dreg:$0x3]  }
0xa8: {  	s0 =	sadd.s32 @!p0 $0x100000, s0  }
0xa9: {  	[sflag:s0] =	ssyncadd.tile.s32 @!p0 $0x1;
	_ =	shalt  }
.Lfunc_end2:
_tile_overlayer_lowered:
.L_overlay_start_2:
0xaa: {  	(tag) =	ssettag $0x2  }
0xab: {  	s0 =	rddreg [dreg:$0x0];
	s2 =	stileid.u32  }
0xac: {  	s1 =	rddreg [dreg:$0x1];
	p0 =	sne.s32 s2, $0x0  }
0xad: {  	s3 =	rddreg [dreg:$0x2];
	[bflag:$0x3] =	sbarrier.arrive $0xFFFF;
	s2 =	simm.s32 @!p0 $0x1C06  }
0xae: {  	[timem:s3], [sflag:s2] =	dma.local @!p0 [hbm:s0], s1  }
0xaf: {  	s0 =	simm.s32 @!p0 $0x6  }
0xb0: {  	_ =	swait.ge @!p0 [sflag:s0], s1  }
0xb1: {  	s1 =	ssub.s32 @!p0 $0x0, s1;
	[sflag:s0] =	ssyncset.done @!p0 $0x0  }
0xb2: {  	[sflag:s0] =	ssyncadd.s32 @!p0 s1  }
0xb3: {  	[bflag:$0x3] =	sbarrier.arrive $0xFFFF  }
0xb4: {  	_ =	shalt  }

// kernel: kernel.7.cloned.1.call-start
scs
__scs_entry_jumppad:
0x0: {  	(pc) =	sbr.rel $0x88, $3  }
0x1: {  	(tag) =	ssettag $0x0;
	lr =	simm.s32 $0x1  }
0x2: {  	[smem:$0x3F99] =	sst lr;
	_ =	strace $0xD0000000  }
0x3: {  	_ = 	snop  }
0x4: {  	_ = 	snop  }
0x5: {  	_ = 	snop  }
0x6: {  	_ = 	snop  }
0x7: {  	_ = 	snop  }
__scs_overlays_trampoline_lowered:
0x8: {  	[smem:$0x3FA8] =	sst s0  }
0x9: {  	[smem:$0x3FA9] =	sst s1  }
0xa: {  	[smem:$0x3FAA] =	sst s2  }
0xb: {  	[smem:$0x3FAB] =	sst s3  }
0xc: {  	[smem:$0x3FAC] =	sst s4  }
0xd: {  	[smem:$0x3FAD] =	sst s5  }
0xe: {  	[smem:$0x3FAE] =	sst s6  }
0xf: {  	[smem:$0x3FAF] =	sst s7  }
0x10: {  	[smem:$0x3FB0] =	sst s8  }
0x11: {  	[smem:$0x3FB1] =	sst s9;
	s0 =	simm.s32 @!p0 $0x0  }
0x12: {  	s1 =	sld [smem:$0x3F97];
	s0 =	simm.s32 @p0 $0x1  }
0x13: {  	[smem:$0x3FB2] =	sst s0;
	s0 =	simm.s32 @!p1 $0x0  }
0x14: {  	s2 =	sld [smem:$0x3F96];
	s0 =	simm.s32 @p1 $0x1  }
0x15: {  	[smem:$0x3FB3] =	sst s0;
	s0 =	simm.s32 @!p2 $0x0  }
0x16: {  	s3 =	sld [smem:$0x3FDB];
	s0 =	simm.s32 @p2 $0x1  }
0x17: {  	s4 =	simm.s32 $0x1BF5;
	[smem:$0x3FB5] =	sst s0  }
0x18: {  	s0 =	sld [smem:$0x3F98];
	_ =	swait.ge [sflag:s4], $0x0  }
0x19: {  	s7 =	sld [smem:$0x3F99]  }
0x1a: {  	s8 =	sadd.s32 $0xFFFFE003, lr  }
0x1b: {  	s9 =	sadd.s32 $0xFFFFFEF7, lr;
	s5 =	simm.s32 $0xFFFFFFFF;
	p2 =	slt.u32 s8, $0xFFFFF086  }
0x1c: {  	p1 =	slt.u32 s9, $0xF7A;
	s5 =	simm.s32 @!p2 $0x0  }
0x1d: {  	s5 =	simm.s32 @p1 $0x1;
	p0 =	seq.s32 s7, s2  }
0x1e: {  	s7 =	smul.u32 @!p0 $0xF7A, s2;
	p2 =	seq.s32 @!p0 s5, $0x0  }
0x1f: {  	s9 =	smul.u32 $0xF7A, s1;
	s8 =	simm.s32 @!p0 $0x1BF5;
	p2 =	por !p2, p0  }
0x20: {  	[sflag:s8] =	ssyncset.s32 @!p0 $0xFFFFF086;
	s6 =	sadd.s32 @!p0 s3, s7;
	s7 =	simm.s32 @!p0 $0x108  }
0x21: {  	s3 =	sadd.s32 s3, s9;
	s6 =	sadd.s32 @!p0 $0x88, s6;
	s7 =	simm.s32 @p2 $0x1082  }
0x22: {  	[simem:s7], [sflag:s8] =	dma.local @!p0 [hbm:s6], $0xF7A  }
0x23: {  	s9 =	sor.u32 $0xD0000000, s2;
	s6 =	simm.s32 $0x108;
	_ =	swait.ge @!p0 [sflag:s8], $0x0  }
0x24: {  	s3 =	sadd.s32 $0x88, s3;
	s6 =	simm.s32 @!p1 $0x1082;
	[sflag:s4] =	ssyncset.s32 $0xFFFFF086  }
0x25: {  	[simem:s6], [sflag:s4] =	dma.local [hbm:s3], $0xF7A  }
0x26: {  	[smem:$0x3F99] =	sst s1;
	(tag) =	ssettag s2;
	_ =	strace s9  }
0x27: {  	s1 =	sld [smem:$0x3FA9]  }
0x28: {  	s2 =	sld [smem:$0x3FAA]  }
0x29: {  	s4 =	sld [smem:$0x3FAC]  }
0x2a: {  	p0 =	seq.s32 s5, $0x0;
	s5 =	sld [smem:$0x3FAD]  }
0x2b: {  	s6 =	sld [smem:$0x3FAE]  }
0x2c: {  	s7 =	sld [smem:$0x3FAF]  }
0x2d: {  	s3 =	simm.s32 $0x108;
	s8 =	sld [smem:$0x3FB0]  }
0x2e: {  	s3 =	simm.s32 @!p0 $0x1082;
	s9 =	sld [smem:$0x3FB1]  }
0x2f: {  	lr =	sadd.s32 s0, s3;
	s0 =	sld [smem:$0x3FA8]  }
0x30: {  	s3 =	sld [smem:$0x3FAB]  }
0x31: {  	[smem:$0x3FB4] =	sst s10  }
0x32: {  	s10 =	sld [smem:$0x3FB2];
	_ =	sdelay $0x3  }
0x33: {  	p0 =	seq.s32 s10, $0x1;
	s10 =	sld [smem:$0x3FB4];
	_ =	sdelay $0x3  }
0x34: {  	[smem:$0x3FB4] =	sst s10  }
0x35: {  	s10 =	sld [smem:$0x3FB3];
	_ =	sdelay $0x3  }
0x36: {  	p1 =	seq.s32 s10, $0x1;
	s10 =	sld [smem:$0x3FB4];
	_ =	sdelay $0x3  }
0x37: {  	[smem:$0x3FB4] =	sst s10  }
0x38: {  	s10 =	sld [smem:$0x3FB5]  }
0x39: {  	_ = 	snop;
	(pc) =	sbr.ind lr, $3  }
0x3a: {  	_ = 	snop  }
0x3b: {  	_ = 	snop  }
0x3c: {  	p2 =	seq.s32 s10, $0x1;
	s10 =	sld [smem:$0x3FB4]  }
0x3d: {  	_ =	shalt  }
0x3e: {  	_ =	shalt  }
0x3f: {  	_ =	shalt  }
0x40: {  	_ =	shalt  }
0x41: {  	_ =	shalt  }
0x42: {  	_ =	shalt  }
0x43: {  	_ =	shalt  }
0x44: {  	_ =	shalt  }
0x45: {  	_ =	shalt  }
0x46: {  	_ =	shalt  }
0x47: {  	_ =	shalt  }
0x48: {  	_ =	shalt  }
0x49: {  	_ =	shalt  }
0x4a: {  	_ =	shalt  }
0x4b: {  	_ =	shalt  }
0x4c: {  	_ =	shalt  }
0x4d: {  	_ =	shalt  }
0x4e: {  	_ =	shalt  }
0x4f: {  	_ =	shalt  }
0x50: {  	_ =	shalt  }
0x51: {  	_ =	shalt  }
0x52: {  	_ =	shalt  }
0x53: {  	_ =	shalt  }
0x54: {  	_ =	shalt  }
0x55: {  	_ =	shalt  }
0x56: {  	_ =	shalt  }
0x57: {  	_ =	shalt  }
0x58: {  	_ =	shalt  }
0x59: {  	_ =	shalt  }
0x5a: {  	_ =	shalt  }
0x5b: {  	_ =	shalt  }
0x5c: {  	_ =	shalt  }
0x5d: {  	_ =	shalt  }
0x5e: {  	_ =	shalt  }
0x5f: {  	_ =	shalt  }
0x60: {  	_ =	shalt  }
0x61: {  	_ =	shalt  }
0x62: {  	_ =	shalt  }
0x63: {  	_ =	shalt  }
0x64: {  	_ =	shalt  }
0x65: {  	_ =	shalt  }
0x66: {  	_ =	shalt  }
0x67: {  	_ =	shalt  }
0x68: {  	_ =	shalt  }
0x69: {  	_ =	shalt  }
0x6a: {  	_ =	shalt  }
0x6b: {  	_ =	shalt  }
0x6c: {  	_ =	shalt  }
0x6d: {  	_ =	shalt  }
0x6e: {  	_ =	shalt  }
0x6f: {  	_ =	shalt  }
0x70: {  	_ =	shalt  }
0x71: {  	_ =	shalt  }
0x72: {  	_ =	shalt  }
0x73: {  	_ =	shalt  }
0x74: {  	_ =	shalt  }
0x75: {  	_ =	shalt  }
0x76: {  	_ =	shalt  }
0x77: {  	_ =	shalt  }
0x78: {  	_ =	shalt  }
0x79: {  	_ =	shalt  }
0x7a: {  	_ =	shalt  }
0x7b: {  	_ =	shalt  }
0x7c: {  	_ =	shalt  }
0x7d: {  	_ =	shalt  }
0x7e: {  	_ =	shalt  }
0x7f: {  	_ =	shalt  }
0x80: {  	_ =	shalt  }
0x81: {  	_ =	shalt  }
0x82: {  	_ =	shalt  }
0x83: {  	_ =	shalt  }
0x84: {  	_ =	shalt  }
0x85: {  	_ =	shalt  }
0x86: {  	_ =	shalt  }
0x87: {  	_ =	shalt  }
.Lfunc_end0:
.L_simem_size_0:
called_computation_lowered:
.L_overlay_start_0:
0x88: {  	s2 =	sld [smem:$0x3FD9]  }
0x89: {  	s3 =	sld [smem:$0x3FFE];
	_ =	sdelay $0x1  }
0x8a: {  	s1 =	srdreg.scid  }
0x8b: {  	s0 =	sand.u32 $0x1, s1  }
0x8c: {  	s17 =	sshll.u32 s0, $0xA;
	s2 =	sadd.s32 s3, s2  }
0x8d: {  	s2 =	sadd.s32 s2, s17  }
0x8e: {  	[smem:$0x3FC0] =	sst s2  }
0x8f: {  	_ = 	snop  }
0x90: {  	s2 =	sld [smem:$0x3FD0];
	(tm) =	ssettm $0x1  }
0x91: {  	s18 =	sld [smem:$0x3FFB];
	_ =	sdelay $0x3  }
0x92: {  	_ =	strace s18  }
0x93: {  	s3 =	sld [smem:$0x3FFC];
	_ =	sdelay $0x3  }
0x94: {  	_ =	strace s3  }
0x95: {  	s3 =	sld [smem:$0x3FFD];
	_ =	sdelay $0x3  }
0x96: {  	_ =	strace s3  }
0x97: {  	_ =	strace $0x8FFFFFFF  }
0x98: {  	s19 =	sld [smem:$0x3FDB];
	_ =	sdelay $0x1  }
0x99: {  	s4 =	simm.s32 $_scs_section_size  }
0x9a: {  	s5 =	simm.s32 $_size__tile_overlayer_lowered;
	s6 =	simm.s32 $_tile_overlayer_lowered  }
0x9b: {  	s22 =	simm.s32 $0x1BFF;
	s21 =	sshll.u32 s6, $0x1;
	s3 =	sadd.s32 s4, s19  }
0x9c: {  	s7 =	simm.s32 $0x0;
	s20 =	sshll.u32 s5, $0x1;
	s5 =	sadd.s32 s21, s3  }
0x9d: {  	[timem:s7], [sflag:s22] =	dma.local [hbm:s5], s20  }
0x9e: {  	_ =	swait.ge [sflag:s22], s20  }
0x9f: {  	s4 =	ssub.s32 $0x0, s20;
	[sflag:s22] =	ssyncset.done $0x0  }
0xa0: {  	[sflag:s22] =	ssyncadd.s32 s4;
	_ =	sdelay $0x1  }
0xa1: {  	s23 =	simm.s32 $0x1B8B  }
0xa2: {  	_ =	swait.ge [sflag:s23], $0x1  }
0xa3: {  	[sflag:s23] =	ssyncset.done $0x0  }
0xa4: {  	s25 =	simm.s32 $0x1B8E;
	s24 =	sld [smem:$0x3FFE];
	[sflag:s23] =	ssyncadd.s32 $0xFFFFFFFF  }
0xa5: {  	s26 =	simm.s32 $execute0_lowered;
	[smem:$0x3FD2] =	sst s25  }
0xa6: {  	s5 =	sshll.u32 s26, $0x1;
	_ =	strace $0x80000046;
	[dreg:$0x1] =	wrdreg $0xFFFFFFFF  }
0xa7: {  	s28 =	simm.s32 $_size_execute0_lowered;
	s3 =	sadd.s32 s3, s5;
	[dreg:$0x0] =	wrdreg $0x0  }
0xa8: {  	s5 =	sshll.u32 s28, $0x1;
	[dreg:$0x2] =	wrdreg s3  }
0xa9: {  	[dreg:$0x3] =	wrdreg s5  }
0xaa: {  	[dreg:$0x4] =	wrdreg $0xC0  }
0xab: {  	_ =	task [dreg:s7], $0x5FFFF  }
0xac: {  	[dreg:$0x1] =	wrdreg $0xFFFFFFFF  }
0xad: {  	[dreg:$0x0] =	wrdreg $0x60  }
0xae: {  	[dreg:$0x2] =	wrdreg s2  }
0xaf: {  	[dreg:$0x3] =	wrdreg s24  }
0xb0: {  	[dreg:$0x4] =	wrdreg $0x9  }
0xb1: {  	_ =	task.clear_ibuf [dreg:s7], $0x5FFFF;
	_ =	strace $0x90000046  }
0xb2: {  	s29 =	simm.s32 $0x9;
	_ =	strace $0x80000048  }
0xb3: {  	_ =	swait.ge [sflag:s29], $0x1  }
0xb4: {  	[sflag:s29] =	ssyncadd.s32 $0xFFFFFFFF  }
0xb5: {  	_ =	strace $0x90000048  }
0xb6: {  	_ =	sfence  }
0xb7: {  	s30 =	sld [smem:$0x0];
	_ =	sdelay $0x2  }
0xb8: {  	s31 =	sshll.u32 s1, $0xD;
	s1 =	sshrl.u32 s1, $0x2  }
0xb9: {  	s3 =	sand.u32 $0x4000, s31;
	s1 =	sadd.s32 s1, s30  }
0xba: {  	s0 =	sor.u32 s3, s0;
	s1 =	sshll.u32 s1, $0x11  }
0xbb: {  	s0 =	sor.u32 s1, s0  }
0xbc: {  	s0 =	sadd.s32 $0x8F2B, s0  }
0xbd: {  	[sflag:s0] =	ssyncadd.remote.s32 $0x1  }
0xbe: {  	_ =	sfence.sel $0xFFFF  }
0xbf: {  	[dreg:$0x0] =	wrdreg $0xFFFFFFFF;
	(pc) =	sbr.abs _section_cstart, $3  }
0xc0: {  	[dreg:$0x1] =	wrdreg $0xFFFFFFFF  }
0xc1: {  	_ =	task.clear_ibuf [dreg:s7], $0x2FFFF;
	_ =	strace $0x9FFFFFFF  }
0xc2: {  	(tm) =	ssettm $0x7FFFFFFF  }
0xc3: {  	_ =	shalt  }
tec
execute0_lowered:
.L_overlay_start_1:
0x0: {  	(tag) =	ssettag $0x1  }
0x1: {  	s0 =	srdreg.scid  }
0x2: {  	s4 =	rddreg [dreg:$0x0];
	s3 =	sand.u32 $0x1, s0  }
0x3: {  	s5 =	rddreg [dreg:$0x1];
	s1 =	stileid.u32;
	s6 =	sshll.u32 s3, $0x4  }
0x4: {  	s2 =	simm.s32 $0x0;
	s0 =	rddreg [dreg:$0x2];
	s6 =	sor.u32 s1, s6  }
0x5: {  	[smem:$0x7FF] =	sst s2;
	s8 =	ssub.s32 $0x2, s3;
	s7 =	smul.u32 $0x4F0, s6  }
0x6: {  	_ =	strace $0x80000047;
	s9 =	sshrl.u32 s8, $0x1;
	s6 =	smul.u32 $0xB80, s6  }
0x7: {  	s3 =	sadd.s32 $0x2400, s5;
	s31 =	ssub.s32 s8, s9;
	s8 =	simm.s32 $0x5C00  }
0x8: {  	s9 =	simm.s32 $0x0;
	s5 =	sadd.s32 s7, s5;
	s4 =	sadd.s32 s4, s6  }
0x9: {  	v0 =	vimm.f32 $1.000000000e+00;
	s6 =	smax.u32 s31, $0x1;
	s7 =	simm.s32 $0x1;
	s5 =	sadd.s32 $0x2A00, s5  }
.LBB2_1:
0xa: {  	[tilespmem:s2], [sflag:$0x1] =	stream.linear.gather [hbm4b:s4+s2], $0x5A00, $0x38;
	[tilespmem:$0x8380] =	vst v63  }
0xb: {  	_ =	swait.ge [sflag:s7], $0x5A00  }
0xc: {  	[sflag:s7] =	ssyncset.done $0x0  }
0xd: {  	[sflag:s7] =	ssyncadd.s32 $0xFFFFA600  }
0xe: {  	[tilespmem:s8], [sflag:$0x1] =	stream.linear.gather [hbm4b:s3+s2], $0x2780, $0x38;
	[tilespmem:$0x8380] =	vst v63  }
0xf: {  	_ =	swait.ge [sflag:s7], $0x2780  }
0x10: {  	[sflag:s7] =	ssyncset.done $0x0  }
0x11: {  	s10 =	simm.s32 $0x0;
	[sflag:s7] =	ssyncadd.s32 $0xFFFFD880  }
.LBB2_2:
0x12: {  	s11 =	sshra.s32 s10, $0x2  }
0x13: {  	v1 =	vld [tilespmem:s11+$0x0];
	_ =	sdelay $0x7  }
0x14: {  	[tilespmem:v1+s8+$0x0] =	vst.idx.add.f32.msk $0xffff, v0  }
0x15: {  	v1 =	vld [tilespmem:s11+$0x10];
	_ =	sdelay $0x7  }
0x16: {  	[tilespmem:v1+s8+$0x0] =	vst.idx.add.f32.msk $0xffff, v0  }
0x17: {  	v1 =	vld [tilespmem:s11+$0x20];
	_ =	sdelay $0x2  }
0x18: {  	p0 =	sne.s32 s10, $0x16600  }
.Ltmp0:
0x19: {  	_ = 	snop;
	(pc) =	sbr.rel @p0 .LBB2_2-.Ltmp0, $2  }
0x1a: {  	_ =	sdelay $0x2  }
0x1b: {  	s10 =	sadd.s32 $0x200, s10;
	[tilespmem:v1+s8+$0x0] =	vst.idx.add.f32.msk $0xffff, v0  }
0x1c: {  	s9 =	sadd.s32 $0x1, s9  }
0x1d: {  	p0 =	sne.s32 s9, s6  }
.Ltmp1:
0x1e: {  	_ = 	snop;
	(pc) =	sbr.rel @p0 .LBB2_1-.Ltmp1, $4  }
0x1f: {  	[hbm4b:s5+s2] =	stream.linear.scatter [tilespmem:s8], [sflag:$0x1], $0x2780, $0x38;
	[tilespmem:$0x8380] =	vst v63  }
0x20: {  	_ =	swait.ge [sflag:s7], $0x2780  }
0x21: {  	[sflag:s7] =	ssyncset.done $0x0  }
0x22: {  	[sflag:s7] =	ssyncadd.s32 $0xFFFFD880  }
0x23: {  	_ =	sfence.sel $0x180000  }
0x24: {  	[bflag:$0x0] =	sbarrier.arrive $0xFFFF  }
0x25: {  	p0 =	sne.s32 s1, $0x0;
	_ =	strace $0x90000047  }
0x26: {  	s0 =	sadd.s32 @!p0 $0x100000, s0;
	[bflag:$0x2] =	sbarrier.arrive $0xFFFF  }
0x27: {  	[sflag:s0] =	ssyncadd.tile.s32 @!p0 $0x1;
	_ =	shalt  }
.Lfunc_end2:
_tile_overlayer_lowered:
.L_overlay_start_2:
0x28: {  	(tag) =	ssettag $0x2  }
0x29: {  	s0 =	rddreg [dreg:$0x0];
	s2 =	stileid.u32  }
0x2a: {  	s1 =	rddreg [dreg:$0x1];
	p0 =	sne.s32 s2, $0x0  }
0x2b: {  	s3 =	rddreg [dreg:$0x2];
	[bflag:$0x3] =	sbarrier.arrive $0xFFFF;
	s2 =	simm.s32 @!p0 $0x1C01  }
0x2c: {  	[timem:s3], [sflag:s2] =	dma.local @!p0 [hbm:s0], s1  }
0x2d: {  	s0 =	simm.s32 @!p0 $0x1  }
0x2e: {  	_ =	swait.ge @!p0 [sflag:s0], s1  }
0x2f: {  	s1 =	ssub.s32 @!p0 $0x0, s1;
	[sflag:s0] =	ssyncset.done @!p0 $0x0  }
0x30: {  	[sflag:s0] =	ssyncadd.s32 @!p0 s1  }
0x31: {  	[bflag:$0x3] =	sbarrier.arrive $0xFFFF  }
0x32: {  	_ =	shalt  }

</sc_bundles>
